<compile_context>
chip_gen: v7x
topology: tpu7x:2x2x1
jax: 0.10.2.dev20260603
libtpu: 0.0.44.dev20260713+nightly
codegen_flags: <defaults>
</compile_context>

<pallas_src>
import functools

import jax
import jax.numpy as jnp
from jax import lax
from jax.experimental import pallas as pl
from jax.experimental.pallas import tpu as pltpu
from jax.experimental.pallas import tpu_sc as plsc

NN = 10000
NNP = 10240
NE = 160000
D = 128
HD = 64
NT = 2
NG = 100
NC, NS, LANES = 2, 16, 16

ECH = 40
CE = 256
BB = 20
NEP = NS * ECH * CE
TRASH = 20500
ACC_ROWS = 20544
TPR = ACC_ROWS // NS
ZCH = TPR // 64

_mesh = plsc.VectorSubcoreMesh(core_axis_name="c", subcore_axis_name="s",
                               num_cores=NC, num_subcores=NS)


def _zero_rows(zref, width):
    zv = jnp.zeros((LANES,), jnp.float32)

    def body(i, _):
        for j in range(width // LANES):
            zref[i, pl.ds(j * LANES, LANES)] = zv
        return 0

    lax.fori_loop(0, zref.shape[0], body, 0)


def _fill_ones(oref, width):
    ov = jnp.ones((LANES,), jnp.float32)

    def body(i, _):
        for j in range(width // LANES):
            oref[i, pl.ds(j * LANES, LANES)] = ov
        return 0

    lax.fori_loop(0, oref.shape[0], body, 0)


@functools.partial(
    pl.kernel,
    out_type=jax.ShapeDtypeStruct((NC, NNP, HD), jnp.float32),
    mesh=_mesh,
    compiler_params=pltpu.CompilerParams(use_tc_tiling_on_sc=False),
    scratch_types=[
        pltpu.VMEM((640,), jnp.int32),
        pltpu.VMEM((640,), jnp.int32),
        pltpu.VMEM((640, HD), jnp.float32),
        pltpu.SemaphoreType.DMA,
    ],
)
def _sc_embed(embed_r, posx_r, idxn, idxp, out, idxn_v, idxp_v, rows_v, sem):
    c = lax.axis_index("c")
    s = lax.axis_index("s")
    pltpu.sync_copy(idxn.at[c, s], idxn_v)
    pltpu.sync_copy(idxp.at[c, s], idxp_v)
    pltpu.async_copy(embed_r.at[idxn_v], rows_v, sem).wait()
    pltpu.async_copy(posx_r.at[idxp_v], rows_v, sem, add=True).wait()
    pltpu.sync_copy(rows_v, out.at[c, pl.ds(s * 640, 640)])


@functools.partial(
    pl.kernel,
    out_type=jax.ShapeDtypeStruct((NC, ACC_ROWS, HD), jnp.float32),
    mesh=_mesh,
    compiler_params=pltpu.CompilerParams(use_tc_tiling_on_sc=False),
    scratch_types=[
        pltpu.VMEM((BB, 2, CE), jnp.int32),
        pltpu.VMEM((CE, HD), jnp.float32),
        pltpu.VMEM((CE, HD), jnp.float32),
        pltpu.VMEM_SHARED((ACC_ROWS, HD), jnp.float32),
        pltpu.SemaphoreType.DMA,
        pltpu.SemaphoreType.DMA,
    ],
)
def _sc_edge(states_flat, idx, a_out, idx_v, rows_a, rows_b, acc,
             sem_a, sem_b):
    c = lax.axis_index("c")
    s = lax.axis_index("s")
    _zero_rows(rows_a, HD)

    def zbody(k, _):
        pltpu.sync_copy(rows_a.at[pl.ds(0, 64)],
                        acc.at[pl.ds(s * TPR + k * 64, 64)])
        return 0

    lax.fori_loop(0, ZCH, zbody, 0)
    if TPR % 64:
        pltpu.sync_copy(rows_a.at[pl.ds(0, TPR % 64)],
                        acc.at[pl.ds(s * TPR + ZCH * 64, TPR % 64)])
    plsc.subcore_barrier()

    def block(bk, _):
        pltpu.sync_copy(idx.at[c, s, pl.ds(bk * BB, BB)], idx_v)

        def ebody(k, _):
            ca = pltpu.async_copy(states_flat.at[idx_v.at[2 * k, 0]], rows_a,
                                  sem_a)
            cb = pltpu.async_copy(states_flat.at[idx_v.at[2 * k + 1, 0]],
                                  rows_b, sem_b)
            ca.wait()
            pltpu.sync_copy(rows_a, acc.at[idx_v.at[2 * k, 1]], add=True)
            cb.wait()
            pltpu.sync_copy(rows_b, acc.at[idx_v.at[2 * k + 1, 1]], add=True)
            return 0

        lax.fori_loop(0, BB // 2, ebody, 0)
        return 0

    lax.fori_loop(0, ECH // BB, block, 0)

    plsc.subcore_barrier()
    pltpu.sync_copy(acc.at[pl.ds(s * TPR, TPR)],
                    a_out.at[c, pl.ds(s * TPR, TPR)])


CCH = NEP // (NC * NS * 128)


@functools.partial(
    pl.kernel,
    out_type=jax.ShapeDtypeStruct((NC, ACC_ROWS, LANES), jnp.float32),
    mesh=_mesh,
    compiler_params=pltpu.CompilerParams(use_tc_tiling_on_sc=False),
    scratch_types=[
        pltpu.VMEM((CCH, 128), jnp.int32),
        pltpu.VMEM((128, LANES), jnp.float32),
        pltpu.VMEM((64, LANES), jnp.float32),
        pltpu.VMEM_SHARED((ACC_ROWS, LANES), jnp.float32),
    ],
)
def _sc_counts(dst_idx, cnt_out, dst_v, ones_v, zero_v, cnt):
    c = lax.axis_index("c")
    s = lax.axis_index("s")
    _zero_rows(zero_v, LANES)
    _fill_ones(ones_v, LANES)

    def zbody(k, _):
        pltpu.sync_copy(zero_v, cnt.at[pl.ds(s * TPR + k * 64, 64)])
        return 0

    lax.fori_loop(0, ZCH, zbody, 0)
    if TPR % 64:
        pltpu.sync_copy(zero_v.at[pl.ds(0, TPR % 64)],
                        cnt.at[pl.ds(s * TPR + ZCH * 64, TPR % 64)])
    plsc.subcore_barrier()

    pltpu.sync_copy(dst_idx.at[c, s], dst_v)

    def ebody(j, _):
        pltpu.sync_copy(ones_v, cnt.at[dst_v.at[j]], add=True)
        return 0

    lax.fori_loop(0, CCH, ebody, 0)

    plsc.subcore_barrier()
    pltpu.sync_copy(cnt.at[pl.ds(s * TPR, TPR)],
                    cnt_out.at[c, pl.ds(s * TPR, TPR)])


def _tc_gru_body(a00, a01, a10, a11, c0a, c0b, c1a, c1b, s0, s1, tw, tb, gk,
                 gr, bi, br, out):
    w0 = tw[0]
    w1 = tw[1]
    c0 = c0a[0] + c0b[0]
    c1 = c1a[0] + c1b[0]
    msgs = (jnp.dot(a00[0], w0[:HD, :], preferred_element_type=jnp.float32)
            + jnp.dot(a10[0], w0[HD:, :], preferred_element_type=jnp.float32)
            + jnp.dot(a01[0], w1[:HD, :], preferred_element_type=jnp.float32)
            + jnp.dot(a11[0], w1[HD:, :], preferred_element_type=jnp.float32)
            + c0[:, 0:1] * tb[0:1, :] + c1[:, 0:1] * tb[1:2, :])
    h = jnp.concatenate([s0[0], s1[0]], axis=1)
    xm = jnp.dot(msgs, gk[:], preferred_element_type=jnp.float32) + bi[0:1, :]
    hm = jnp.dot(h, gr[:], preferred_element_type=jnp.float32) + br[0:1, :]
    z = jax.nn.sigmoid(xm[:, :D] + hm[:, :D])
    r = jax.nn.sigmoid(xm[:, D:2 * D] + hm[:, D:2 * D])
    hh = jnp.tanh(xm[:, 2 * D:] + r * hm[:, 2 * D:])
    hn = z * h + (1.0 - z) * hh
    out[0] = hn[:, :HD]
    out[1] = hn[:, HD:]


_BR = 1280


def _tc_gru(a, cnt, states, type_W, type_b, gk, gr, bi, br):
    grid = (NNP // _BR,)
    return pl.pallas_call(
        _tc_gru_body,
        grid=grid,
        in_specs=[
            pl.BlockSpec((1, _BR, HD), lambda i: (0, i, 0)),
            pl.BlockSpec((1, _BR, HD), lambda i: (0, i + 8, 0)),
            pl.BlockSpec((1, _BR, HD), lambda i: (1, i, 0)),
            pl.BlockSpec((1, _BR, HD), lambda i: (1, i + 8, 0)),
            pl.BlockSpec((1, _BR, LANES), lambda i: (0, i, 0)),
            pl.BlockSpec((1, _BR, LANES), lambda i: (1, i, 0)),
            pl.BlockSpec((1, _BR, LANES), lambda i: (0, i + 8, 0)),
            pl.BlockSpec((1, _BR, LANES), lambda i: (1, i + 8, 0)),
            pl.BlockSpec((1, _BR, HD), lambda i: (0, i, 0)),
            pl.BlockSpec((1, _BR, HD), lambda i: (1, i, 0)),
            pl.BlockSpec((NT, D, D), lambda i: (0, 0, 0)),
            pl.BlockSpec((NT, D), lambda i: (0, 0)),
            pl.BlockSpec((D, 3 * D), lambda i: (0, 0)),
            pl.BlockSpec((D, 3 * D), lambda i: (0, 0)),
            pl.BlockSpec((1, 3 * D), lambda i: (0, 0)),
            pl.BlockSpec((1, 3 * D), lambda i: (0, 0)),
        ],
        out_specs=pl.BlockSpec((NC, _BR, HD), lambda i: (0, i, 0)),
        out_shape=jax.ShapeDtypeStruct((NC, NNP, HD), jnp.float32),
    )(a, a, a, a, cnt, cnt, cnt, cnt, states, states, type_W, type_b, gk, gr,
      bi, br)


def _tc_att_body(s_ref, aw_ref, ab_ref, av_ref, out_ref):
    h = jnp.concatenate([s_ref[0, :NN, :], s_ref[1, :NN, :]], axis=1)
    scores = jnp.dot(h, aw_ref[:], preferred_element_type=jnp.float32) \
        + ab_ref[0, 0]
    m = jnp.max(scores)
    e = jnp.exp(scores - m)
    gid = lax.broadcasted_iota(jnp.int32, (NG, NN), 1) // (NN // NG)
    seg = (gid == lax.broadcasted_iota(jnp.int32, (NG, NN), 0)) \
        .astype(jnp.float32)
    sums = jnp.dot(seg, e, preferred_element_type=jnp.float32)
    vals = jnp.tanh(jnp.dot(h, av_ref[:], preferred_element_type=jnp.float32))
    num = jnp.dot(seg, e * vals, preferred_element_type=jnp.float32)
    out_ref[:] = num / (sums + 1e-16)


def _tc_att(states, att_w, att_b, att_v):
    return pl.pallas_call(
        _tc_att_body,
        out_shape=jax.ShapeDtypeStruct((NG, D), jnp.float32),
    )(states, att_w, att_b, att_v)


def kernel(nodes, node_positions, edges, graph_sizes, embed, pos_enc, type_W,
           type_b, gru_kernel, gru_rec, gru_b_in, gru_b_rec, att_w, att_b,
           att_v):
    i32 = jnp.int32
    et = edges[:, 0] % NT
    src = edges[:, 1]
    dst = edges[:, 2]
    padn = NEP - NE
    src_p = jnp.concatenate([src, jnp.zeros((padn,), i32)])
    dstrow = et * NNP + dst
    dst_p = jnp.concatenate([dstrow, jnp.full((padn,), TRASH, i32)])
    src2 = jnp.stack([src_p, src_p + NNP]).reshape(NC, NS, ECH, 1, CE)
    dst2 = jnp.broadcast_to(dst_p, (NC, NEP)).reshape(NC, NS, ECH, 1, CE)
    idx_st = jnp.concatenate([src2, dst2], axis=3)
    dst_c = dst_p.reshape(NC, NS, CCH, 128)

    nodes_p = jnp.concatenate([nodes, jnp.zeros((NNP - NN,), i32)])
    pp = jnp.where(node_positions != 0, node_positions, 64).astype(i32)
    pp_p = jnp.concatenate([pp, jnp.full((NNP - NN,), 64, i32)])
    idxn = jnp.stack([2 * nodes_p, 2 * nodes_p + 1]).reshape(NC, NS, 640)
    idxp = jnp.stack([2 * pp_p, 2 * pp_p + 1]).reshape(NC, NS, 640)

    embed_r = embed.reshape(-1, HD)
    posx = jnp.concatenate(
        [pos_enc, jnp.zeros((8, D), jnp.float32)]).reshape(-1, HD)

    bi = gru_b_in.reshape(1, 3 * D)
    br = gru_b_rec.reshape(1, 3 * D)
    ab = att_b.reshape(1, 1)

    states = _sc_embed(embed_r, posx, idxn, idxp)
    cnt = _sc_counts(dst_c)
    for step in range(2):
        a = _sc_edge(states.reshape(-1, HD), idx_st)
        states = _tc_gru(a, cnt, states, type_W, type_b, gru_kernel, gru_rec,
                         bi, br)
    return _tc_att(states, att_w, ab, att_v)

# --- scband reference (transcript-rebuilt; emitter-appended) ---
"""Pipeline reference for scband-tf2-sandwich-model-10977936408828 (READ-ONLY COPY).

The authoritative reference and input builder live on the scoring server;
editing this copy changes nothing except your own understanding.
"""

import jax, jax.numpy as jnp
import numpy as np

N_NODES = 10000
N_EDGES = 160000
D = 128
NUM_EDGE_TYPES = 2
TIME_STEPS = 2
VOCAB = 10000
MAX_POS = 64
N_GRAPHS = 100


def positional_encoding(dim, sentence_length):
    encoded_vec = np.array([pos / np.power(10000, 2 * i / dim) for pos in range(sentence_length) for i in range(dim)])
    encoded_vec[::2] = np.sin(encoded_vec[::2])
    encoded_vec[1::2] = np.cos(encoded_vec[1::2])
    return jnp.asarray(encoded_vec.reshape(sentence_length, dim), dtype=jnp.float32)


def segment_softmax(values, segments, num_segments):
    values = values - jax.lax.stop_gradient(jnp.max(values))
    values = jnp.exp(values)
    sums = jax.ops.segment_sum(values, segments, num_segments=num_segments)
    return values / (sums[segments] + 1e-16)


def setup_inputs(seed: int = 0):
    key = jax.random.key(seed)
    ks = jax.random.split(key, 16)
    stddev = D ** (-0.5)
    nodes = jax.random.randint(ks[0], (N_NODES,), 0, VOCAB, dtype=jnp.int32)
    node_positions = jax.random.randint(ks[1], (N_NODES,), 0, MAX_POS, dtype=jnp.int32)
    etype = jax.random.randint(ks[2], (N_EDGES,), 0, NUM_EDGE_TYPES, dtype=jnp.int32)
    src = jax.random.randint(ks[3], (N_EDGES,), 0, N_NODES, dtype=jnp.int32)
    dst = jax.random.randint(ks[4], (N_EDGES,), 0, N_NODES, dtype=jnp.int32)
    edges = jnp.stack([etype, src, dst], axis=1)
    graph_sizes = jnp.full((N_GRAPHS,), N_NODES // N_GRAPHS, dtype=jnp.int32)
    embed = jax.random.normal(ks[5], (VOCAB, D), dtype=jnp.float32) * stddev
    pos_enc = positional_encoding(D, MAX_POS)
    type_W = jax.random.normal(ks[6], (NUM_EDGE_TYPES, D, D), dtype=jnp.float32) * stddev
    type_b = jax.random.normal(ks[7], (NUM_EDGE_TYPES, D), dtype=jnp.float32) * stddev
    gru_kernel = jax.random.normal(ks[8], (D, 3 * D), dtype=jnp.float32) * stddev
    gru_rec = jax.random.normal(ks[9], (D, 3 * D), dtype=jnp.float32) * stddev
    gru_b_in = jnp.zeros((3 * D,), dtype=jnp.float32)
    gru_b_rec = jnp.zeros((3 * D,), dtype=jnp.float32)
    att_w = jax.random.normal(ks[10], (D, 1), dtype=jnp.float32) * stddev
    att_b = jnp.zeros((1,), dtype=jnp.float32)
    att_v = jax.random.normal(ks[11], (D, D), dtype=jnp.float32) * stddev
    return {"nodes": nodes, "node_positions": node_positions, "edges": edges, "graph_sizes": graph_sizes,
            "embed": embed, "pos_enc": pos_enc, "type_W": type_W, "type_b": type_b,
            "gru_kernel": gru_kernel, "gru_rec": gru_rec, "gru_b_in": gru_b_in, "gru_b_rec": gru_b_rec,
            "att_w": att_w, "att_b": att_b, "att_v": att_v}


def _gru_cell(x, h, kernel, rec, b_in, b_rec):
    xm = x @ kernel + b_in
    hm = h @ rec + b_rec
    z = jax.nn.sigmoid(xm[:, :D] + hm[:, :D])
    r = jax.nn.sigmoid(xm[:, D:2 * D] + hm[:, D:2 * D])
    hh = jnp.tanh(xm[:, 2 * D:] + r * hm[:, 2 * D:])
    return z * h + (1.0 - z) * hh


def reference(nodes, node_positions, edges, graph_sizes, embed, pos_enc, type_W, type_b, gru_kernel, gru_rec, gru_b_in, gru_b_rec, att_w, att_b, att_v):
    # NodeEmbeddingLayer: token embedding + positional encoding on leaf nodes (node_positions != 0)
    states = jnp.take(embed, nodes, axis=0)
    leaf = node_positions != 0
    states = states + jnp.where(leaf[:, None], jnp.take(pos_enc, node_positions, axis=0), 0.0)
    # GGNNLayer: per-edge-type linear message + scatter-add to targets, GRUCell node update
    et = edges[:, 0] % NUM_EDGE_TYPES
    src = edges[:, 1]
    dst = edges[:, 2]
    for _ in range(TIME_STEPS):
        h_src = jnp.take(states, src, axis=0)
        msgs = jnp.zeros((N_NODES, D), dtype=states.dtype)
        for t in range(NUM_EDGE_TYPES):
            m = h_src @ type_W[t] + type_b[t]
            m = m * (et == t).astype(states.dtype)[:, None]
            msgs = msgs.at[dst].add(m)
        states = _gru_cell(msgs, states, gru_kernel, gru_rec, gru_b_in, gru_b_rec)
    # GlobalAttentionLayer: segment softmax attention pooling per graph
    graph_ids = jnp.repeat(jnp.arange(N_GRAPHS, dtype=jnp.int32), graph_sizes, total_repeat_length=N_NODES)
    scores = (states @ att_w)[:, 0] + att_b[0]
    a = segment_softmax(scores, graph_ids, N_GRAPHS)
    vals = jnp.tanh(states @ att_v)
    return jax.ops.segment_sum(a[:, None] * vals, graph_ids, num_segments=N_GRAPHS)

if __name__ == "__main__":
    import jax
    _d = setup_inputs()
    print(jax.jit(kernel)(*tuple(_d.values())))

</pallas_src>

<mosaic_0001>
#map = affine_map<(d0, d1) -> (0, 0)>
#map1 = affine_map<(d0, d1) -> (0, 0, 0)>
module attributes {stable_mosaic.version = 14 : i64} {
  func.func @_sc_embed(%arg0: i32, %arg1: i32, %arg2: memref<20000x64xf32, #tpu.memory_space<hbm>>, %arg3: memref<144x64xf32, #tpu.memory_space<hbm>>, %arg4: memref<2x16x640xi32, #tpu.memory_space<hbm>>, %arg5: memref<2x16x640xi32, #tpu.memory_space<hbm>>, %arg6: memref<2x10240x64xf32, #tpu.memory_space<hbm>>, %arg7: memref<640xi32, #tpu.memory_space<vmem>>, %arg8: memref<640xi32, #tpu.memory_space<vmem>>, %arg9: memref<640x64xf32, #tpu.memory_space<vmem>>, %arg10: memref<!tpu.dma_semaphore, #tpu.memory_space<semaphore_mem>>) attributes {dimension_semantics = [#tpu.dimension_semantics<core_parallel>, #tpu.dimension_semantics<subcore_parallel>], iteration_bounds = array<i64: 2, 16>, scalar_prefetch = 0 : i64, scratch_operands = 4 : i64, tpu.core_type = #tpu.core_type<sc_vector_subcore>, window_params = [{transform_indices = #map}, {transform_indices = #map}, {transform_indices = #map1}, {transform_indices = #map1}, {transform_indices = #map1}]} {
    "tpu.region"() ({
      %run_scoped3A = tpu.sem_alloc : memref<!tpu.dma_semaphore, #tpu.memory_space<semaphore_mem>>
      %dma_start3A_11 = arith.constant 0 : i32
      %dma_start3A_12 = tpu.memref_slice %arg4[%arg0, %arg1, %dma_start3A_11] : memref<2x16x640xi32, #tpu.memory_space<hbm>> -> memref<1x1x640xi32, #tpu.memory_space<hbm>>
      %dma_start3A_13 = tpu.memref_squeeze %dma_start3A_12 : memref<1x1x640xi32, #tpu.memory_space<hbm>> -> memref<640xi32, #tpu.memory_space<hbm>>
      %dma_start3A_14 = arith.constant 0 : i32
      %dma_start3A_15 = tpu.memref_slice %arg4[%arg0, %arg1, %dma_start3A_14] : memref<2x16x640xi32, #tpu.memory_space<hbm>> -> memref<1x1x640xi32, #tpu.memory_space<hbm>>
      %dma_start3A_16 = tpu.memref_squeeze %dma_start3A_15 : memref<1x1x640xi32, #tpu.memory_space<hbm>> -> memref<640xi32, #tpu.memory_space<hbm>>
      tpu.enqueue_dma source(%dma_start3A_16 : memref<640xi32, #tpu.memory_space<hbm>>) target(%arg7 : memref<640xi32, #tpu.memory_space<vmem>>) target_semaphore(%run_scoped3A : memref<!tpu.dma_semaphore, #tpu.memory_space<semaphore_mem>>)
      %dma_wait3A_17 = arith.constant 0 : i32
      %dma_wait3A_18 = tpu.memref_slice %arg4[%arg0, %arg1, %dma_wait3A_17] : memref<2x16x640xi32, #tpu.memory_space<hbm>> -> memref<1x1x640xi32, #tpu.memory_space<hbm>>
      %dma_wait3A_19 = tpu.memref_squeeze %dma_wait3A_18 : memref<1x1x640xi32, #tpu.memory_space<hbm>> -> memref<640xi32, #tpu.memory_space<hbm>>
      %dma_wait3A_20 = arith.constant 0 : i32
      %dma_wait3A_21 = tpu.memref_slice %arg4[%arg0, %arg1, %dma_wait3A_20] : memref<2x16x640xi32, #tpu.memory_space<hbm>> -> memref<1x1x640xi32, #tpu.memory_space<hbm>>
      %dma_wait3A_22 = tpu.memref_squeeze %dma_wait3A_21 : memref<1x1x640xi32, #tpu.memory_space<hbm>> -> memref<640xi32, #tpu.memory_space<hbm>>
      tpu.wait_dma2 semaphore(%run_scoped3A : memref<!tpu.dma_semaphore, #tpu.memory_space<semaphore_mem>>) src(%dma_wait3A_22 : memref<640xi32, #tpu.memory_space<hbm>>) dst(%arg7 : memref<640xi32, #tpu.memory_space<vmem>>)
      tpu.yield
    }) : () -> ()
    "tpu.region"() ({
      %run_scoped3A = tpu.sem_alloc : memref<!tpu.dma_semaphore, #tpu.memory_space<semaphore_mem>>
      %dma_start3A_11 = arith.constant 0 : i32
      %dma_start3A_12 = tpu.memref_slice %arg5[%arg0, %arg1, %dma_start3A_11] : memref<2x16x640xi32, #tpu.memory_space<hbm>> -> memref<1x1x640xi32, #tpu.memory_space<hbm>>
      %dma_start3A_13 = tpu.memref_squeeze %dma_start3A_12 : memref<1x1x640xi32, #tpu.memory_space<hbm>> -> memref<640xi32, #tpu.memory_space<hbm>>
      %dma_start3A_14 = arith.constant 0 : i32
      %dma_start3A_15 = tpu.memref_slice %arg5[%arg0, %arg1, %dma_start3A_14] : memref<2x16x640xi32, #tpu.memory_space<hbm>> -> memref<1x1x640xi32, #tpu.memory_space<hbm>>
      %dma_start3A_16 = tpu.memref_squeeze %dma_start3A_15 : memref<1x1x640xi32, #tpu.memory_space<hbm>> -> memref<640xi32, #tpu.memory_space<hbm>>
      tpu.enqueue_dma source(%dma_start3A_16 : memref<640xi32, #tpu.memory_space<hbm>>) target(%arg8 : memref<640xi32, #tpu.memory_space<vmem>>) target_semaphore(%run_scoped3A : memref<!tpu.dma_semaphore, #tpu.memory_space<semaphore_mem>>)
      %dma_wait3A_17 = arith.constant 0 : i32
      %dma_wait3A_18 = tpu.memref_slice %arg5[%arg0, %arg1, %dma_wait3A_17] : memref<2x16x640xi32, #tpu.memory_space<hbm>> -> memref<1x1x640xi32, #tpu.memory_space<hbm>>
      %dma_wait3A_19 = tpu.memref_squeeze %dma_wait3A_18 : memref<1x1x640xi32, #tpu.memory_space<hbm>> -> memref<640xi32, #tpu.memory_space<hbm>>
      %dma_wait3A_20 = arith.constant 0 : i32
      %dma_wait3A_21 = tpu.memref_slice %arg5[%arg0, %arg1, %dma_wait3A_20] : memref<2x16x640xi32, #tpu.memory_space<hbm>> -> memref<1x1x640xi32, #tpu.memory_space<hbm>>
      %dma_wait3A_22 = tpu.memref_squeeze %dma_wait3A_21 : memref<1x1x640xi32, #tpu.memory_space<hbm>> -> memref<640xi32, #tpu.memory_space<hbm>>
      tpu.wait_dma2 semaphore(%run_scoped3A : memref<!tpu.dma_semaphore, #tpu.memory_space<semaphore_mem>>) src(%dma_wait3A_22 : memref<640xi32, #tpu.memory_space<hbm>>) dst(%arg8 : memref<640xi32, #tpu.memory_space<vmem>>)
      tpu.yield
    }) : () -> ()
    %dma_start3A = arith.constant 0 : i32
    %dma_start3A_0 = arith.constant 0 : i32
    %dma_start3A_1 = tpu.memref_slice %arg2[%dma_start3A, %dma_start3A_0] : memref<20000x64xf32, #tpu.memory_space<hbm>> -> memref<20000x64xf32, #tpu.memory_space<hbm>>
    tpu.enqueue_indirect_dma source(%dma_start3A_1 : memref<20000x64xf32, #tpu.memory_space<hbm>>) target(%arg9 : memref<640x64xf32, #tpu.memory_space<vmem>>) offsets(%arg7 : memref<640xi32, #tpu.memory_space<vmem>>) semaphore(%arg10 : memref<!tpu.dma_semaphore, #tpu.memory_space<semaphore_mem>>)
    %dma_wait3A = arith.constant 0 : i32
    %dma_wait3A_2 = arith.constant 0 : i32
    %dma_wait3A_3 = tpu.memref_slice %arg2[%dma_wait3A, %dma_wait3A_2] : memref<20000x64xf32, #tpu.memory_space<hbm>> -> memref<20000x64xf32, #tpu.memory_space<hbm>>
    tpu.wait_indirect_dma semaphore(%arg10 : memref<!tpu.dma_semaphore, #tpu.memory_space<semaphore_mem>>) src(%dma_wait3A_3 : memref<20000x64xf32, #tpu.memory_space<hbm>>) dst(%arg9 : memref<640x64xf32, #tpu.memory_space<vmem>>)
    %dma_start3A_4 = arith.constant 0 : i32
    %dma_start3A_5 = arith.constant 0 : i32
    %dma_start3A_6 = tpu.memref_slice %arg3[%dma_start3A_4, %dma_start3A_5] : memref<144x64xf32, #tpu.memory_space<hbm>> -> memref<144x64xf32, #tpu.memory_space<hbm>>
    tpu.enqueue_indirect_dma source(%dma_start3A_6 : memref<144x64xf32, #tpu.memory_space<hbm>>) target(%arg9 : memref<640x64xf32, #tpu.memory_space<vmem>>) offsets(%arg8 : memref<640xi32, #tpu.memory_space<vmem>>) semaphore(%arg10 : memref<!tpu.dma_semaphore, #tpu.memory_space<semaphore_mem>>) {add = true}
    %dma_wait3A_7 = arith.constant 0 : i32
    %dma_wait3A_8 = arith.constant 0 : i32
    %dma_wait3A_9 = tpu.memref_slice %arg3[%dma_wait3A_7, %dma_wait3A_8] : memref<144x64xf32, #tpu.memory_space<hbm>> -> memref<144x64xf32, #tpu.memory_space<hbm>>
    tpu.wait_indirect_dma semaphore(%arg10 : memref<!tpu.dma_semaphore, #tpu.memory_space<semaphore_mem>>) src(%dma_wait3A_9 : memref<144x64xf32, #tpu.memory_space<hbm>>) dst(%arg9 : memref<640x64xf32, #tpu.memory_space<vmem>>)
    %mul3A = arith.constant 640 : i32
    %mul3A_10 = arith.muli %arg1, %mul3A : i32
    "tpu.region"() ({
      %run_scoped3A = tpu.sem_alloc : memref<!tpu.dma_semaphore, #tpu.memory_space<semaphore_mem>>
      %dma_start3A_11 = arith.constant 0 : i32
      %dma_start3A_12 = tpu.memref_slice %arg6[%arg0, %mul3A_10, %dma_start3A_11] : memref<2x10240x64xf32, #tpu.memory_space<hbm>> -> memref<1x640x64xf32, #tpu.memory_space<hbm>>
      %dma_start3A_13 = tpu.memref_squeeze %dma_start3A_12 : memref<1x640x64xf32, #tpu.memory_space<hbm>> -> memref<640x64xf32, #tpu.memory_space<hbm>>
      %dma_start3A_14 = arith.constant 0 : i32
      %dma_start3A_15 = tpu.memref_slice %arg6[%arg0, %mul3A_10, %dma_start3A_14] : memref<2x10240x64xf32, #tpu.memory_space<hbm>> -> memref<1x640x64xf32, #tpu.memory_space<hbm>>
      %dma_start3A_16 = tpu.memref_squeeze %dma_start3A_15 : memref<1x640x64xf32, #tpu.memory_space<hbm>> -> memref<640x64xf32, #tpu.memory_space<hbm>>
      tpu.enqueue_dma source(%arg9 : memref<640x64xf32, #tpu.memory_space<vmem>>) target(%dma_start3A_16 : memref<640x64xf32, #tpu.memory_space<hbm>>) target_semaphore(%run_scoped3A : memref<!tpu.dma_semaphore, #tpu.memory_space<semaphore_mem>>)
      %dma_wait3A_17 = arith.constant 0 : i32
      %dma_wait3A_18 = tpu.memref_slice %arg6[%arg0, %mul3A_10, %dma_wait3A_17] : memref<2x10240x64xf32, #tpu.memory_space<hbm>> -> memref<1x640x64xf32, #tpu.memory_space<hbm>>
      %dma_wait3A_19 = tpu.memref_squeeze %dma_wait3A_18 : memref<1x640x64xf32, #tpu.memory_space<hbm>> -> memref<640x64xf32, #tpu.memory_space<hbm>>
      %dma_wait3A_20 = arith.constant 0 : i32
      %dma_wait3A_21 = tpu.memref_slice %arg6[%arg0, %mul3A_10, %dma_wait3A_20] : memref<2x10240x64xf32, #tpu.memory_space<hbm>> -> memref<1x640x64xf32, #tpu.memory_space<hbm>>
      %dma_wait3A_22 = tpu.memref_squeeze %dma_wait3A_21 : memref<1x640x64xf32, #tpu.memory_space<hbm>> -> memref<640x64xf32, #tpu.memory_space<hbm>>
      tpu.wait_dma2 semaphore(%run_scoped3A : memref<!tpu.dma_semaphore, #tpu.memory_space<semaphore_mem>>) src(%arg9 : memref<640x64xf32, #tpu.memory_space<vmem>>) dst(%dma_wait3A_22 : memref<640x64xf32, #tpu.memory_space<hbm>>)
      tpu.yield
    }) : () -> ()
    return
  }
}

#map = affine_map<(d0, d1) -> (0, 0)>
#map1 = affine_map<(d0, d1) -> (0, 0, 0, 0, 0)>
#map2 = affine_map<(d0, d1) -> (0, 0, 0)>
module attributes {stable_mosaic.version = 14 : i64} {
  func.func @_sc_edge(%arg0: i32, %arg1: i32, %arg2: memref<20480x64xf32, #tpu.memory_space<hbm>>, %arg3: memref<2x16x40x2x256xi32, #tpu.memory_space<hbm>>, %arg4: memref<2x20544x64xf32, #tpu.memory_space<hbm>>, %arg5: memref<20x2x256xi32, #tpu.memory_space<vmem>>, %arg6: memref<256x64xf32, #tpu.memory_space<vmem>>, %arg7: memref<256x64xf32, #tpu.memory_space<vmem>>, %arg8: memref<20544x64xf32, #tpu.memory_space<vmem_shared>>, %arg9: memref<!tpu.dma_semaphore, #tpu.memory_space<semaphore_mem>>, %arg10: memref<!tpu.dma_semaphore, #tpu.memory_space<semaphore_mem>>) attributes {dimension_semantics = [#tpu.dimension_semantics<core_parallel>, #tpu.dimension_semantics<subcore_parallel>], iteration_bounds = array<i64: 2, 16>, scalar_prefetch = 0 : i64, scratch_operands = 6 : i64, tpu.core_type = #tpu.core_type<sc_vector_subcore>, window_params = [{transform_indices = #map}, {transform_indices = #map1}, {transform_indices = #map2}]} {
    %broadcast_in_dim3A = arith.constant 0.000000e+00 : f32
    %broadcast_in_dim3A_0 = vector.broadcast %broadcast_in_dim3A : f32 to vector<16xf32>
    %scan3A = arith.constant 0 : i32
    %scan3A_1 = arith.constant 0 : i32
    %scan3A_2 = arith.constant 256 : i32
    %scan3A_3 = arith.addi %scan3A_1, %scan3A_2 : i32
    %scan3A_4 = arith.constant 1 : i32
    %scan3A_5 = scf.for %scan3A_28 = %scan3A_1 to %scan3A_3 step %scan3A_4 iter_args(%scan3A_29 = %scan3A) -> (i32)  : i32 {
      %swap3A = arith.index_cast %scan3A_28 : i32 to index
      %swap3A_30 = arith.constant 0 : index
      %swap3A_31 = tpu.vector_load %arg6[%swap3A, %swap3A_30] {strides = array<i32>} : memref<256x64xf32, #tpu.memory_space<vmem>>, vector<1x16xf32>,
      %swap3A_32 = vector.shape_cast %swap3A_31 : vector<1x16xf32> to vector<16xf32>
      %swap3A_33 = vector.shape_cast %broadcast_in_dim3A_0 : vector<16xf32> to vector<1x16xf32>
      tpu.vector_store %arg6[%swap3A, %swap3A_30], %swap3A_33 {strides = array<i32>} : memref<256x64xf32, #tpu.memory_space<vmem>>, vector<1x16xf32>,
      %swap3A_34 = arith.index_cast %scan3A_28 : i32 to index
      %swap3A_35 = arith.constant 16 : index
      %swap3A_36 = tpu.vector_load %arg6[%swap3A_34, %swap3A_35] {strides = array<i32>} : memref<256x64xf32, #tpu.memory_space<vmem>>, vector<1x16xf32>,
      %swap3A_37 = vector.shape_cast %swap3A_36 : vector<1x16xf32> to vector<16xf32>
      %swap3A_38 = vector.shape_cast %broadcast_in_dim3A_0 : vector<16xf32> to vector<1x16xf32>
      tpu.vector_store %arg6[%swap3A_34, %swap3A_35], %swap3A_38 {strides = array<i32>} : memref<256x64xf32, #tpu.memory_space<vmem>>, vector<1x16xf32>,
      %swap3A_39 = arith.index_cast %scan3A_28 : i32 to index
      %swap3A_40 = arith.constant 32 : index
      %swap3A_41 = tpu.vector_load %arg6[%swap3A_39, %swap3A_40] {strides = array<i32>} : memref<256x64xf32, #tpu.memory_space<vmem>>, vector<1x16xf32>,
      %swap3A_42 = vector.shape_cast %swap3A_41 : vector<1x16xf32> to vector<16xf32>
      %swap3A_43 = vector.shape_cast %broadcast_in_dim3A_0 : vector<16xf32> to vector<1x16xf32>
      tpu.vector_store %arg6[%swap3A_39, %swap3A_40], %swap3A_43 {strides = array<i32>} : memref<256x64xf32, #tpu.memory_space<vmem>>, vector<1x16xf32>,
      %swap3A_44 = arith.index_cast %scan3A_28 : i32 to index
      %swap3A_45 = arith.constant 48 : index
      %swap3A_46 = tpu.vector_load %arg6[%swap3A_44, %swap3A_45] {strides = array<i32>} : memref<256x64xf32, #tpu.memory_space<vmem>>, vector<1x16xf32>,
      %swap3A_47 = vector.shape_cast %swap3A_46 : vector<1x16xf32> to vector<16xf32>
      %swap3A_48 = vector.shape_cast %broadcast_in_dim3A_0 : vector<16xf32> to vector<1x16xf32>
      tpu.vector_store %arg6[%swap3A_44, %swap3A_45], %swap3A_48 {strides = array<i32>} : memref<256x64xf32, #tpu.memory_space<vmem>>, vector<1x16xf32>,
      %scan3A_49 = arith.constant 0 : i32
      scf.yield %scan3A_49 : i32
    }
    %scan3A_6 = arith.constant 256 : i32
    %scan3A_7 = arith.constant 0 : i32
    %scan3A_8 = arith.constant 0 : i32
    %scan3A_9 = arith.constant 20 : i32
    %scan3A_10 = arith.addi %scan3A_8, %scan3A_9 : i32
    %scan3A_11 = arith.constant 1 : i32
    %scan3A_12 = scf.for %scan3A_28 = %scan3A_8 to %scan3A_10 step %scan3A_11 iter_args(%scan3A_29 = %scan3A_7) -> (i32)  : i32 {
      %mul3A_30 = arith.constant 1284 : i32
      %mul3A_31 = arith.muli %arg1, %mul3A_30 : i32
      %mul3A_32 = arith.constant 64 : i32
      %mul3A_33 = arith.muli %scan3A_28, %mul3A_32 : i32
      %add3A_34 = arith.addi %mul3A_31, %mul3A_33 : i32
      "tpu.region"() ({
        %run_scoped3A = tpu.sem_alloc : memref<!tpu.dma_semaphore, #tpu.memory_space<semaphore_mem>>
        %dma_start3A = arith.constant 0 : i32
        %dma_start3A_36 = arith.constant 0 : i32
        %dma_start3A_37 = tpu.memref_slice %arg6[%dma_start3A, %dma_start3A_36] : memref<256x64xf32, #tpu.memory_space<vmem>> -> memref<64x64xf32, #tpu.memory_space<vmem>>
        %dma_start3A_38 = arith.constant 0 : i32
        %dma_start3A_39 = tpu.memref_slice %arg8[%add3A_34, %dma_start3A_38] : memref<20544x64xf32, #tpu.memory_space<vmem_shared>> -> memref<64x64xf32, #tpu.memory_space<vmem_shared>>
        %dma_start3A_40 = arith.constant 0 : i32
        %dma_start3A_41 = tpu.memref_slice %arg8[%add3A_34, %dma_start3A_40] : memref<20544x64xf32, #tpu.memory_space<vmem_shared>> -> memref<64x64xf32, #tpu.memory_space<vmem_shared>>
        %dma_start3A_42 = arith.constant 0 : i32
        %dma_start3A_43 = arith.constant 0 : i32
        %dma_start3A_44 = tpu.memref_slice %arg6[%dma_start3A_42, %dma_start3A_43] : memref<256x64xf32, #tpu.memory_space<vmem>> -> memref<64x64xf32, #tpu.memory_space<vmem>>
        tpu.enqueue_dma source(%dma_start3A_44 : memref<64x64xf32, #tpu.memory_space<vmem>>) target(%dma_start3A_41 : memref<64x64xf32, #tpu.memory_space<vmem_shared>>) target_semaphore(%run_scoped3A : memref<!tpu.dma_semaphore, #tpu.memory_space<semaphore_mem>>)
        %dma_wait3A = arith.constant 0 : i32
        %dma_wait3A_45 = arith.constant 0 : i32
        %dma_wait3A_46 = tpu.memref_slice %arg6[%dma_wait3A, %dma_wait3A_45] : memref<256x64xf32, #tpu.memory_space<vmem>> -> memref<64x64xf32, #tpu.memory_space<vmem>>
        %dma_wait3A_47 = arith.constant 0 : i32
        %dma_wait3A_48 = tpu.memref_slice %arg8[%add3A_34, %dma_wait3A_47] : memref<20544x64xf32, #tpu.memory_space<vmem_shared>> -> memref<64x64xf32, #tpu.memory_space<vmem_shared>>
        %dma_wait3A_49 = arith.constant 0 : i32
        %dma_wait3A_50 = tpu.memref_slice %arg8[%add3A_34, %dma_wait3A_49] : memref<20544x64xf32, #tpu.memory_space<vmem_shared>> -> memref<64x64xf32, #tpu.memory_space<vmem_shared>>
        %dma_wait3A_51 = arith.constant 0 : i32
        %dma_wait3A_52 = arith.constant 0 : i32
        %dma_wait3A_53 = tpu.memref_slice %arg6[%dma_wait3A_51, %dma_wait3A_52] : memref<256x64xf32, #tpu.memory_space<vmem>> -> memref<64x64xf32, #tpu.memory_space<vmem>>
        tpu.wait_dma2 semaphore(%run_scoped3A : memref<!tpu.dma_semaphore, #tpu.memory_space<semaphore_mem>>) src(%dma_wait3A_53 : memref<64x64xf32, #tpu.memory_space<vmem>>) dst(%dma_wait3A_50 : memref<64x64xf32, #tpu.memory_space<vmem_shared>>)
        tpu.yield
      }) : () -> ()
      %scan3A_35 = arith.constant 0 : i32
      scf.yield %scan3A_35 : i32
    }
    %scan3A_13 = arith.constant 20 : i32
    %mul3A = arith.constant 1284 : i32
    %mul3A_14 = arith.muli %arg1, %mul3A : i32
    %add3A = arith.constant 1280 : i32
    %add3A_15 = arith.addi %mul3A_14, %add3A : i32
    "tpu.region"() ({
      %run_scoped3A = tpu.sem_alloc : memref<!tpu.dma_semaphore, #tpu.memory_space<semaphore_mem>>
      %dma_start3A = arith.constant 0 : i32
      %dma_start3A_28 = arith.constant 0 : i32
      %dma_start3A_29 = tpu.memref_slice %arg6[%dma_start3A, %dma_start3A_28] : memref<256x64xf32, #tpu.memory_space<vmem>> -> memref<4x64xf32, #tpu.memory_space<vmem>>
      %dma_start3A_30 = arith.constant 0 : i32
      %dma_start3A_31 = tpu.memref_slice %arg8[%add3A_15, %dma_start3A_30] : memref<20544x64xf32, #tpu.memory_space<vmem_shared>> -> memref<4x64xf32, #tpu.memory_space<vmem_shared>>
      %dma_start3A_32 = arith.constant 0 : i32
      %dma_start3A_33 = tpu.memref_slice %arg8[%add3A_15, %dma_start3A_32] : memref<20544x64xf32, #tpu.memory_space<vmem_shared>> -> memref<4x64xf32, #tpu.memory_space<vmem_shared>>
      %dma_start3A_34 = arith.constant 0 : i32
      %dma_start3A_35 = arith.constant 0 : i32
      %dma_start3A_36 = tpu.memref_slice %arg6[%dma_start3A_34, %dma_start3A_35] : memref<256x64xf32, #tpu.memory_space<vmem>> -> memref<4x64xf32, #tpu.memory_space<vmem>>
      tpu.enqueue_dma source(%dma_start3A_36 : memref<4x64xf32, #tpu.memory_space<vmem>>) target(%dma_start3A_33 : memref<4x64xf32, #tpu.memory_space<vmem_shared>>) target_semaphore(%run_scoped3A : memref<!tpu.dma_semaphore, #tpu.memory_space<semaphore_mem>>)
      %dma_wait3A = arith.constant 0 : i32
      %dma_wait3A_37 = arith.constant 0 : i32
      %dma_wait3A_38 = tpu.memref_slice %arg6[%dma_wait3A, %dma_wait3A_37] : memref<256x64xf32, #tpu.memory_space<vmem>> -> memref<4x64xf32, #tpu.memory_space<vmem>>
      %dma_wait3A_39 = arith.constant 0 : i32
      %dma_wait3A_40 = tpu.memref_slice %arg8[%add3A_15, %dma_wait3A_39] : memref<20544x64xf32, #tpu.memory_space<vmem_shared>> -> memref<4x64xf32, #tpu.memory_space<vmem_shared>>
      %dma_wait3A_41 = arith.constant 0 : i32
      %dma_wait3A_42 = tpu.memref_slice %arg8[%add3A_15, %dma_wait3A_41] : memref<20544x64xf32, #tpu.memory_space<vmem_shared>> -> memref<4x64xf32, #tpu.memory_space<vmem_shared>>
      %dma_wait3A_43 = arith.constant 0 : i32
      %dma_wait3A_44 = arith.constant 0 : i32
      %dma_wait3A_45 = tpu.memref_slice %arg6[%dma_wait3A_43, %dma_wait3A_44] : memref<256x64xf32, #tpu.memory_space<vmem>> -> memref<4x64xf32, #tpu.memory_space<vmem>>
      tpu.wait_dma2 semaphore(%run_scoped3A : memref<!tpu.dma_semaphore, #tpu.memory_space<semaphore_mem>>) src(%dma_wait3A_45 : memref<4x64xf32, #tpu.memory_space<vmem>>) dst(%dma_wait3A_42 : memref<4x64xf32, #tpu.memory_space<vmem_shared>>)
      tpu.yield
    }) : () -> ()
    %barrier3A = arith.constant 0 : index
    tpu.barrier barrier_id(%barrier3A)
    %scan3A_16 = arith.constant 0 : i32
    %scan3A_17 = arith.constant 0 : i32
    %scan3A_18 = arith.constant 2 : i32
    %scan3A_19 = arith.addi %scan3A_17, %scan3A_18 : i32
    %scan3A_20 = arith.constant 1 : i32
    %scan3A_21 = scf.for %scan3A_28 = %scan3A_17 to %scan3A_19 step %scan3A_20 iter_args(%scan3A_29 = %scan3A_16) -> (i32)  : i32 {
      %mul3A_30 = arith.constant 20 : i32
      %mul3A_31 = arith.muli %scan3A_28, %mul3A_30 : i32
      "tpu.region"() ({
        %run_scoped3A = tpu.sem_alloc : memref<!tpu.dma_semaphore, #tpu.memory_space<semaphore_mem>>
        %dma_start3A = arith.constant 0 : i32
        %dma_start3A_40 = arith.constant 0 : i32
        %dma_start3A_41 = tpu.memref_slice %arg3[%arg0, %arg1, %mul3A_31, %dma_start3A, %dma_start3A_40] : memref<2x16x40x2x256xi32, #tpu.memory_space<hbm>> -> memref<1x1x20x2x256xi32, #tpu.memory_space<hbm>>
        %dma_start3A_42 = tpu.memref_squeeze %dma_start3A_41 : memref<1x1x20x2x256xi32, #tpu.memory_space<hbm>> -> memref<20x2x256xi32, #tpu.memory_space<hbm>>
        %dma_start3A_43 = arith.constant 0 : i32
        %dma_start3A_44 = arith.constant 0 : i32
        %dma_start3A_45 = tpu.memref_slice %arg3[%arg0, %arg1, %mul3A_31, %dma_start3A_43, %dma_start3A_44] : memref<2x16x40x2x256xi32, #tpu.memory_space<hbm>> -> memref<1x1x20x2x256xi32, #tpu.memory_space<hbm>>
        %dma_start3A_46 = tpu.memref_squeeze %dma_start3A_45 : memref<1x1x20x2x256xi32, #tpu.memory_space<hbm>> -> memref<20x2x256xi32, #tpu.memory_space<hbm>>
        tpu.enqueue_dma source(%dma_start3A_46 : memref<20x2x256xi32, #tpu.memory_space<hbm>>) target(%arg5 : memref<20x2x256xi32, #tpu.memory_space<vmem>>) target_semaphore(%run_scoped3A : memref<!tpu.dma_semaphore, #tpu.memory_space<semaphore_mem>>)
        %dma_wait3A = arith.constant 0 : i32
        %dma_wait3A_47 = arith.constant 0 : i32
        %dma_wait3A_48 = tpu.memref_slice %arg3[%arg0, %arg1, %mul3A_31, %dma_wait3A, %dma_wait3A_47] : memref<2x16x40x2x256xi32, #tpu.memory_space<hbm>> -> memref<1x1x20x2x256xi32, #tpu.memory_space<hbm>>
        %dma_wait3A_49 = tpu.memref_squeeze %dma_wait3A_48 : memref<1x1x20x2x256xi32, #tpu.memory_space<hbm>> -> memref<20x2x256xi32, #tpu.memory_space<hbm>>
        %dma_wait3A_50 = arith.constant 0 : i32
        %dma_wait3A_51 = arith.constant 0 : i32
        %dma_wait3A_52 = tpu.memref_slice %arg3[%arg0, %arg1, %mul3A_31, %dma_wait3A_50, %dma_wait3A_51] : memref<2x16x40x2x256xi32, #tpu.memory_space<hbm>> -> memref<1x1x20x2x256xi32, #tpu.memory_space<hbm>>
        %dma_wait3A_53 = tpu.memref_squeeze %dma_wait3A_52 : memref<1x1x20x2x256xi32, #tpu.memory_space<hbm>> -> memref<20x2x256xi32, #tpu.memory_space<hbm>>
        tpu.wait_dma2 semaphore(%run_scoped3A : memref<!tpu.dma_semaphore, #tpu.memory_space<semaphore_mem>>) src(%dma_wait3A_53 : memref<20x2x256xi32, #tpu.memory_space<hbm>>) dst(%arg5 : memref<20x2x256xi32, #tpu.memory_space<vmem>>)
        tpu.yield
      }) : () -> ()
      %scan3A_32 = arith.constant 0 : i32
      %scan3A_33 = arith.constant 0 : i32
      %scan3A_34 = arith.constant 10 : i32
      %scan3A_35 = arith.addi %scan3A_33, %scan3A_34 : i32
      %scan3A_36 = arith.constant 1 : i32
      %scan3A_37 = scf.for %scan3A_40 = %scan3A_33 to %scan3A_35 step %scan3A_36 iter_args(%scan3A_41 = %scan3A_32) -> (i32)  : i32 {
        %mul3A_42 = arith.constant 2 : i32
        %mul3A_43 = arith.muli %mul3A_42, %scan3A_40 : i32
        %dma_start3A = arith.constant 0 : i32
        %dma_start3A_44 = arith.constant 0 : i32
        %dma_start3A_45 = tpu.memref_slice %arg5[%mul3A_43, %dma_start3A, %dma_start3A_44] : memref<20x2x256xi32, #tpu.memory_space<vmem>> -> memref<1x1x256xi32, #tpu.memory_space<vmem>>
        %dma_start3A_46 = tpu.memref_squeeze %dma_start3A_45 : memref<1x1x256xi32, #tpu.memory_space<vmem>> -> memref<256xi32, #tpu.memory_space<vmem>>
        %dma_start3A_47 = arith.constant 0 : i32
        %dma_start3A_48 = arith.constant 0 : i32
        %dma_start3A_49 = tpu.memref_slice %arg2[%dma_start3A_47, %dma_start3A_48] : memref<20480x64xf32, #tpu.memory_space<hbm>> -> memref<20480x64xf32, #tpu.memory_space<hbm>>
        tpu.enqueue_indirect_dma source(%dma_start3A_49 : memref<20480x64xf32, #tpu.memory_space<hbm>>) target(%arg6 : memref<256x64xf32, #tpu.memory_space<vmem>>) offsets(%dma_start3A_46 : memref<256xi32, #tpu.memory_space<vmem>>) semaphore(%arg9 : memref<!tpu.dma_semaphore, #tpu.memory_space<semaphore_mem>>)
        %mul3A_50 = arith.constant 2 : i32
        %mul3A_51 = arith.muli %mul3A_50, %scan3A_40 : i32
        %add3A_52 = arith.constant 1 : i32
        %add3A_53 = arith.addi %mul3A_51, %add3A_52 : i32
        %dma_start3A_54 = arith.constant 0 : i32
        %dma_start3A_55 = arith.constant 0 : i32
        %dma_start3A_56 = tpu.memref_slice %arg5[%add3A_53, %dma_start3A_54, %dma_start3A_55] : memref<20x2x256xi32, #tpu.memory_space<vmem>> -> memref<1x1x256xi32, #tpu.memory_space<vmem>>
        %dma_start3A_57 = tpu.memref_squeeze %dma_start3A_56 : memref<1x1x256xi32, #tpu.memory_space<vmem>> -> memref<256xi32, #tpu.memory_space<vmem>>
        %dma_start3A_58 = arith.constant 0 : i32
        %dma_start3A_59 = arith.constant 0 : i32
        %dma_start3A_60 = tpu.memref_slice %arg2[%dma_start3A_58, %dma_start3A_59] : memref<20480x64xf32, #tpu.memory_space<hbm>> -> memref<20480x64xf32, #tpu.memory_space<hbm>>
        tpu.enqueue_indirect_dma source(%dma_start3A_60 : memref<20480x64xf32, #tpu.memory_space<hbm>>) target(%arg7 : memref<256x64xf32, #tpu.memory_space<vmem>>) offsets(%dma_start3A_57 : memref<256xi32, #tpu.memory_space<vmem>>) semaphore(%arg10 : memref<!tpu.dma_semaphore, #tpu.memory_space<semaphore_mem>>)
        %dma_wait3A = arith.constant 0 : i32
        %dma_wait3A_61 = arith.constant 0 : i32
        %dma_wait3A_62 = tpu.memref_slice %arg5[%mul3A_43, %dma_wait3A, %dma_wait3A_61] : memref<20x2x256xi32, #tpu.memory_space<vmem>> -> memref<1x1x256xi32, #tpu.memory_space<vmem>>
        %dma_wait3A_63 = tpu.memref_squeeze %dma_wait3A_62 : memref<1x1x256xi32, #tpu.memory_space<vmem>> -> memref<256xi32, #tpu.memory_space<vmem>>
        %dma_wait3A_64 = arith.constant 0 : i32
        %dma_wait3A_65 = arith.constant 0 : i32
        %dma_wait3A_66 = tpu.memref_slice %arg2[%dma_wait3A_64, %dma_wait3A_65] : memref<20480x64xf32, #tpu.memory_space<hbm>> -> memref<20480x64xf32, #tpu.memory_space<hbm>>
        tpu.wait_indirect_dma semaphore(%arg9 : memref<!tpu.dma_semaphore, #tpu.memory_space<semaphore_mem>>) src(%dma_wait3A_66 : memref<20480x64xf32, #tpu.memory_space<hbm>>) dst(%arg6 : memref<256x64xf32, #tpu.memory_space<vmem>>)
        %mul3A_67 = arith.constant 2 : i32
        %mul3A_68 = arith.muli %mul3A_67, %scan3A_40 : i32
        %run_scoped3A = arith.constant 1 : i32
        "tpu.region"() ({
          %run_scoped3A_82 = tpu.sem_alloc : memref<!tpu.dma_semaphore, #tpu.memory_space<semaphore_mem>>
          %dma_start3A_83 = arith.constant 0 : i32
          %dma_start3A_84 = tpu.memref_slice %arg5[%mul3A_68, %run_scoped3A, %dma_start3A_83] : memref<20x2x256xi32, #tpu.memory_space<vmem>> -> memref<1x1x256xi32, #tpu.memory_space<vmem>>
          %dma_start3A_85 = tpu.memref_squeeze %dma_start3A_84 : memref<1x1x256xi32, #tpu.memory_space<vmem>> -> memref<256xi32, #tpu.memory_space<vmem>>
          %dma_start3A_86 = arith.constant 0 : i32
          %dma_start3A_87 = arith.constant 0 : i32
          %dma_start3A_88 = tpu.memref_slice %arg8[%dma_start3A_86, %dma_start3A_87] : memref<20544x64xf32, #tpu.memory_space<vmem_shared>> -> memref<20544x64xf32, #tpu.memory_space<vmem_shared>>
          tpu.enqueue_indirect_dma source(%arg6 : memref<256x64xf32, #tpu.memory_space<vmem>>) target(%dma_start3A_88 : memref<20544x64xf32, #tpu.memory_space<vmem_shared>>) offsets(%dma_start3A_85 : memref<256xi32, #tpu.memory_space<vmem>>) semaphore(%run_scoped3A_82 : memref<!tpu.dma_semaphore, #tpu.memory_space<semaphore_mem>>) {add = true}
          %dma_wait3A_89 = arith.constant 0 : i32
          %dma_wait3A_90 = tpu.memref_slice %arg5[%mul3A_68, %run_scoped3A, %dma_wait3A_89] : memref<20x2x256xi32, #tpu.memory_space<vmem>> -> memref<1x1x256xi32, #tpu.memory_space<vmem>>
          %dma_wait3A_91 = tpu.memref_squeeze %dma_wait3A_90 : memref<1x1x256xi32, #tpu.memory_space<vmem>> -> memref<256xi32, #tpu.memory_space<vmem>>
          %dma_wait3A_92 = arith.constant 0 : i32
          %dma_wait3A_93 = arith.constant 0 : i32
          %dma_wait3A_94 = tpu.memref_slice %arg8[%dma_wait3A_92, %dma_wait3A_93] : memref<20544x64xf32, #tpu.memory_space<vmem_shared>> -> memref<20544x64xf32, #tpu.memory_space<vmem_shared>>
          tpu.wait_indirect_dma semaphore(%run_scoped3A_82 : memref<!tpu.dma_semaphore, #tpu.memory_space<semaphore_mem>>) src(%arg6 : memref<256x64xf32, #tpu.memory_space<vmem>>) dst(%dma_wait3A_94 : memref<20544x64xf32, #tpu.memory_space<vmem_shared>>)
          tpu.yield
        }) : () -> ()
        %dma_wait3A_69 = arith.constant 0 : i32
        %dma_wait3A_70 = arith.constant 0 : i32
        %dma_wait3A_71 = tpu.memref_slice %arg5[%add3A_53, %dma_wait3A_69, %dma_wait3A_70] : memref<20x2x256xi32, #tpu.memory_space<vmem>> -> memref<1x1x256xi32, #tpu.memory_space<vmem>>
        %dma_wait3A_72 = tpu.memref_squeeze %dma_wait3A_71 : memref<1x1x256xi32, #tpu.memory_space<vmem>> -> memref<256xi32, #tpu.memory_space<vmem>>
        %dma_wait3A_73 = arith.constant 0 : i32
        %dma_wait3A_74 = arith.constant 0 : i32
        %dma_wait3A_75 = tpu.memref_slice %arg2[%dma_wait3A_73, %dma_wait3A_74] : memref<20480x64xf32, #tpu.memory_space<hbm>> -> memref<20480x64xf32, #tpu.memory_space<hbm>>
        tpu.wait_indirect_dma semaphore(%arg10 : memref<!tpu.dma_semaphore, #tpu.memory_space<semaphore_mem>>) src(%dma_wait3A_75 : memref<20480x64xf32, #tpu.memory_space<hbm>>) dst(%arg7 : memref<256x64xf32, #tpu.memory_space<vmem>>)
        %mul3A_76 = arith.constant 2 : i32
        %mul3A_77 = arith.muli %mul3A_76, %scan3A_40 : i32
        %add3A_78 = arith.constant 1 : i32
        %add3A_79 = arith.addi %mul3A_77, %add3A_78 : i32
        %run_scoped3A_80 = arith.constant 1 : i32
        "tpu.region"() ({
          %run_scoped3A_82 = tpu.sem_alloc : memref<!tpu.dma_semaphore, #tpu.memory_space<semaphore_mem>>
          %dma_start3A_83 = arith.constant 0 : i32
          %dma_start3A_84 = tpu.memref_slice %arg5[%add3A_79, %run_scoped3A_80, %dma_start3A_83] : memref<20x2x256xi32, #tpu.memory_space<vmem>> -> memref<1x1x256xi32, #tpu.memory_space<vmem>>
          %dma_start3A_85 = tpu.memref_squeeze %dma_start3A_84 : memref<1x1x256xi32, #tpu.memory_space<vmem>> -> memref<256xi32, #tpu.memory_space<vmem>>
          %dma_start3A_86 = arith.constant 0 : i32
          %dma_start3A_87 = arith.constant 0 : i32
          %dma_start3A_88 = tpu.memref_slice %arg8[%dma_start3A_86, %dma_start3A_87] : memref<20544x64xf32, #tpu.memory_space<vmem_shared>> -> memref<20544x64xf32, #tpu.memory_space<vmem_shared>>
          tpu.enqueue_indirect_dma source(%arg7 : memref<256x64xf32, #tpu.memory_space<vmem>>) target(%dma_start3A_88 : memref<20544x64xf32, #tpu.memory_space<vmem_shared>>) offsets(%dma_start3A_85 : memref<256xi32, #tpu.memory_space<vmem>>) semaphore(%run_scoped3A_82 : memref<!tpu.dma_semaphore, #tpu.memory_space<semaphore_mem>>) {add = true}
          %dma_wait3A_89 = arith.constant 0 : i32
          %dma_wait3A_90 = tpu.memref_slice %arg5[%add3A_79, %run_scoped3A_80, %dma_wait3A_89] : memref<20x2x256xi32, #tpu.memory_space<vmem>> -> memref<1x1x256xi32, #tpu.memory_space<vmem>>
          %dma_wait3A_91 = tpu.memref_squeeze %dma_wait3A_90 : memref<1x1x256xi32, #tpu.memory_space<vmem>> -> memref<256xi32, #tpu.memory_space<vmem>>
          %dma_wait3A_92 = arith.constant 0 : i32
          %dma_wait3A_93 = arith.constant 0 : i32
          %dma_wait3A_94 = tpu.memref_slice %arg8[%dma_wait3A_92, %dma_wait3A_93] : memref<20544x64xf32, #tpu.memory_space<vmem_shared>> -> memref<20544x64xf32, #tpu.memory_space<vmem_shared>>
          tpu.wait_indirect_dma semaphore(%run_scoped3A_82 : memref<!tpu.dma_semaphore, #tpu.memory_space<semaphore_mem>>) src(%arg7 : memref<256x64xf32, #tpu.memory_space<vmem>>) dst(%dma_wait3A_94 : memref<20544x64xf32, #tpu.memory_space<vmem_shared>>)
          tpu.yield
        }) : () -> ()
        %scan3A_81 = arith.constant 0 : i32
        scf.yield %scan3A_81 : i32
      }
      %scan3A_38 = arith.constant 10 : i32
      %scan3A_39 = arith.constant 0 : i32
      scf.yield %scan3A_39 : i32
    }
    %scan3A_22 = arith.constant 2 : i32
    %barrier3A_23 = arith.constant 0 : index
    tpu.barrier barrier_id(%barrier3A_23)
    %mul3A_24 = arith.constant 1284 : i32
    %mul3A_25 = arith.muli %arg1, %mul3A_24 : i32
    %mul3A_26 = arith.constant 1284 : i32
    %mul3A_27 = arith.muli %arg1, %mul3A_26 : i32
    "tpu.region"() ({
      %run_scoped3A = tpu.sem_alloc : memref<!tpu.dma_semaphore, #tpu.memory_space<semaphore_mem>>
      %dma_start3A = arith.constant 0 : i32
      %dma_start3A_28 = tpu.memref_slice %arg4[%arg0, %mul3A_27, %dma_start3A] : memref<2x20544x64xf32, #tpu.memory_space<hbm>> -> memref<1x1284x64xf32, #tpu.memory_space<hbm>>
      %dma_start3A_29 = tpu.memref_squeeze %dma_start3A_28 : memref<1x1284x64xf32, #tpu.memory_space<hbm>> -> memref<1284x64xf32, #tpu.memory_space<hbm>>
      %dma_start3A_30 = arith.constant 0 : i32
      %dma_start3A_31 = tpu.memref_slice %arg8[%mul3A_25, %dma_start3A_30] : memref<20544x64xf32, #tpu.memory_space<vmem_shared>> -> memref<1284x64xf32, #tpu.memory_space<vmem_shared>>
      tpu.enqueue_dma source(%dma_start3A_31 : memref<1284x64xf32, #tpu.memory_space<vmem_shared>>) target(%dma_start3A_29 : memref<1284x64xf32, #tpu.memory_space<hbm>>) target_semaphore(%run_scoped3A : memref<!tpu.dma_semaphore, #tpu.memory_space<semaphore_mem>>)
      %dma_wait3A = arith.constant 0 : i32
      %dma_wait3A_32 = tpu.memref_slice %arg4[%arg0, %mul3A_27, %dma_wait3A] : memref<2x20544x64xf32, #tpu.memory_space<hbm>> -> memref<1x1284x64xf32, #tpu.memory_space<hbm>>
      %dma_wait3A_33 = tpu.memref_squeeze %dma_wait3A_32 : memref<1x1284x64xf32, #tpu.memory_space<hbm>> -> memref<1284x64xf32, #tpu.memory_space<hbm>>
      %dma_wait3A_34 = arith.constant 0 : i32
      %dma_wait3A_35 = tpu.memref_slice %arg8[%mul3A_25, %dma_wait3A_34] : memref<20544x64xf32, #tpu.memory_space<vmem_shared>> -> memref<1284x64xf32, #tpu.memory_space<vmem_shared>>
      tpu.wait_dma2 semaphore(%run_scoped3A : memref<!tpu.dma_semaphore, #tpu.memory_space<semaphore_mem>>) src(%dma_wait3A_35 : memref<1284x64xf32, #tpu.memory_space<vmem_shared>>) dst(%dma_wait3A_33 : memref<1284x64xf32, #tpu.memory_space<hbm>>)
      tpu.yield
    }) : () -> ()
    return
  }
}

#map = affine_map<(d0, d1) -> (0, 0)>
#map1 = affine_map<(d0, d1) -> (0, 0, 0, 0, 0)>
#map2 = affine_map<(d0, d1) -> (0, 0, 0)>
module attributes {stable_mosaic.version = 14 : i64} {
  func.func @_sc_edge(%arg0: i32, %arg1: i32, %arg2: memref<20480x64xf32, #tpu.memory_space<hbm>>, %arg3: memref<2x16x40x2x256xi32, #tpu.memory_space<hbm>>, %arg4: memref<2x20544x64xf32, #tpu.memory_space<hbm>>, %arg5: memref<20x2x256xi32, #tpu.memory_space<vmem>>, %arg6: memref<256x64xf32, #tpu.memory_space<vmem>>, %arg7: memref<256x64xf32, #tpu.memory_space<vmem>>, %arg8: memref<20544x64xf32, #tpu.memory_space<vmem_shared>>, %arg9: memref<!tpu.dma_semaphore, #tpu.memory_space<semaphore_mem>>, %arg10: memref<!tpu.dma_semaphore, #tpu.memory_space<semaphore_mem>>) attributes {dimension_semantics = [#tpu.dimension_semantics<core_parallel>, #tpu.dimension_semantics<subcore_parallel>], iteration_bounds = array<i64: 2, 16>, scalar_prefetch = 0 : i64, scratch_operands = 6 : i64, tpu.core_type = #tpu.core_type<sc_vector_subcore>, window_params = [{transform_indices = #map}, {transform_indices = #map1}, {transform_indices = #map2}]} {
    %broadcast_in_dim3A = arith.constant 0.000000e+00 : f32
    %broadcast_in_dim3A_0 = vector.broadcast %broadcast_in_dim3A : f32 to vector<16xf32>
    %scan3A = arith.constant 0 : i32
    %scan3A_1 = arith.constant 0 : i32
    %scan3A_2 = arith.constant 256 : i32
    %scan3A_3 = arith.addi %scan3A_1, %scan3A_2 : i32
    %scan3A_4 = arith.constant 1 : i32
    %scan3A_5 = scf.for %scan3A_28 = %scan3A_1 to %scan3A_3 step %scan3A_4 iter_args(%scan3A_29 = %scan3A) -> (i32)  : i32 {
      %swap3A = arith.index_cast %scan3A_28 : i32 to index
      %swap3A_30 = arith.constant 0 : index
      %swap3A_31 = tpu.vector_load %arg6[%swap3A, %swap3A_30] {strides = array<i32>} : memref<256x64xf32, #tpu.memory_space<vmem>>, vector<1x16xf32>,
      %swap3A_32 = vector.shape_cast %swap3A_31 : vector<1x16xf32> to vector<16xf32>
      %swap3A_33 = vector.shape_cast %broadcast_in_dim3A_0 : vector<16xf32> to vector<1x16xf32>
      tpu.vector_store %arg6[%swap3A, %swap3A_30], %swap3A_33 {strides = array<i32>} : memref<256x64xf32, #tpu.memory_space<vmem>>, vector<1x16xf32>,
      %swap3A_34 = arith.index_cast %scan3A_28 : i32 to index
      %swap3A_35 = arith.constant 16 : index
      %swap3A_36 = tpu.vector_load %arg6[%swap3A_34, %swap3A_35] {strides = array<i32>} : memref<256x64xf32, #tpu.memory_space<vmem>>, vector<1x16xf32>,
      %swap3A_37 = vector.shape_cast %swap3A_36 : vector<1x16xf32> to vector<16xf32>
      %swap3A_38 = vector.shape_cast %broadcast_in_dim3A_0 : vector<16xf32> to vector<1x16xf32>
      tpu.vector_store %arg6[%swap3A_34, %swap3A_35], %swap3A_38 {strides = array<i32>} : memref<256x64xf32, #tpu.memory_space<vmem>>, vector<1x16xf32>,
      %swap3A_39 = arith.index_cast %scan3A_28 : i32 to index
      %swap3A_40 = arith.constant 32 : index
      %swap3A_41 = tpu.vector_load %arg6[%swap3A_39, %swap3A_40] {strides = array<i32>} : memref<256x64xf32, #tpu.memory_space<vmem>>, vector<1x16xf32>,
      %swap3A_42 = vector.shape_cast %swap3A_41 : vector<1x16xf32> to vector<16xf32>
      %swap3A_43 = vector.shape_cast %broadcast_in_dim3A_0 : vector<16xf32> to vector<1x16xf32>
      tpu.vector_store %arg6[%swap3A_39, %swap3A_40], %swap3A_43 {strides = array<i32>} : memref<256x64xf32, #tpu.memory_space<vmem>>, vector<1x16xf32>,
      %swap3A_44 = arith.index_cast %scan3A_28 : i32 to index
      %swap3A_45 = arith.constant 48 : index
      %swap3A_46 = tpu.vector_load %arg6[%swap3A_44, %swap3A_45] {strides = array<i32>} : memref<256x64xf32, #tpu.memory_space<vmem>>, vector<1x16xf32>,
      %swap3A_47 = vector.shape_cast %swap3A_46 : vector<1x16xf32> to vector<16xf32>
      %swap3A_48 = vector.shape_cast %broadcast_in_dim3A_0 : vector<16xf32> to vector<1x16xf32>
      tpu.vector_store %arg6[%swap3A_44, %swap3A_45], %swap3A_48 {strides = array<i32>} : memref<256x64xf32, #tpu.memory_space<vmem>>, vector<1x16xf32>,
      %scan3A_49 = arith.constant 0 : i32
      scf.yield %scan3A_49 : i32
    }
    %scan3A_6 = arith.constant 256 : i32
    %scan3A_7 = arith.constant 0 : i32
    %scan3A_8 = arith.constant 0 : i32
    %scan3A_9 = arith.constant 20 : i32
    %scan3A_10 = arith.addi %scan3A_8, %scan3A_9 : i32
    %scan3A_11 = arith.constant 1 : i32
    %scan3A_12 = scf.for %scan3A_28 = %scan3A_8 to %scan3A_10 step %scan3A_11 iter_args(%scan3A_29 = %scan3A_7) -> (i32)  : i32 {
      %mul3A_30 = arith.constant 1284 : i32
      %mul3A_31 = arith.muli %arg1, %mul3A_30 : i32
      %mul3A_32 = arith.constant 64 : i32
      %mul3A_33 = arith.muli %scan3A_28, %mul3A_32 : i32
      %add3A_34 = arith.addi %mul3A_31, %mul3A_33 : i32
      "tpu.region"() ({
        %run_scoped3A = tpu.sem_alloc : memref<!tpu.dma_semaphore, #tpu.memory_space<semaphore_mem>>
        %dma_start3A = arith.constant 0 : i32
        %dma_start3A_36 = arith.constant 0 : i32
        %dma_start3A_37 = tpu.memref_slice %arg6[%dma_start3A, %dma_start3A_36] : memref<256x64xf32, #tpu.memory_space<vmem>> -> memref<64x64xf32, #tpu.memory_space<vmem>>
        %dma_start3A_38 = arith.constant 0 : i32
        %dma_start3A_39 = tpu.memref_slice %arg8[%add3A_34, %dma_start3A_38] : memref<20544x64xf32, #tpu.memory_space<vmem_shared>> -> memref<64x64xf32, #tpu.memory_space<vmem_shared>>
        %dma_start3A_40 = arith.constant 0 : i32
        %dma_start3A_41 = tpu.memref_slice %arg8[%add3A_34, %dma_start3A_40] : memref<20544x64xf32, #tpu.memory_space<vmem_shared>> -> memref<64x64xf32, #tpu.memory_space<vmem_shared>>
        %dma_start3A_42 = arith.constant 0 : i32
        %dma_start3A_43 = arith.constant 0 : i32
        %dma_start3A_44 = tpu.memref_slice %arg6[%dma_start3A_42, %dma_start3A_43] : memref<256x64xf32, #tpu.memory_space<vmem>> -> memref<64x64xf32, #tpu.memory_space<vmem>>
        tpu.enqueue_dma source(%dma_start3A_44 : memref<64x64xf32, #tpu.memory_space<vmem>>) target(%dma_start3A_41 : memref<64x64xf32, #tpu.memory_space<vmem_shared>>) target_semaphore(%run_scoped3A : memref<!tpu.dma_semaphore, #tpu.memory_space<semaphore_mem>>)
        %dma_wait3A = arith.constant 0 : i32
        %dma_wait3A_45 = arith.constant 0 : i32
        %dma_wait3A_46 = tpu.memref_slice %arg6[%dma_wait3A, %dma_wait3A_45] : memref<256x64xf32, #tpu.memory_space<vmem>> -> memref<64x64xf32, #tpu.memory_space<vmem>>
        %dma_wait3A_47 = arith.constant 0 : i32
        %dma_wait3A_48 = tpu.memref_slice %arg8[%add3A_34, %dma_wait3A_47] : memref<20544x64xf32, #tpu.memory_space<vmem_shared>> -> memref<64x64xf32, #tpu.memory_space<vmem_shared>>
        %dma_wait3A_49 = arith.constant 0 : i32
        %dma_wait3A_50 = tpu.memref_slice %arg8[%add3A_34, %dma_wait3A_49] : memref<20544x64xf32, #tpu.memory_space<vmem_shared>> -> memref<64x64xf32, #tpu.memory_space<vmem_shared>>
        %dma_wait3A_51 = arith.constant 0 : i32
        %dma_wait3A_52 = arith.constant 0 : i32
        %dma_wait3A_53 = tpu.memref_slice %arg6[%dma_wait3A_51, %dma_wait3A_52] : memref<256x64xf32, #tpu.memory_space<vmem>> -> memref<64x64xf32, #tpu.memory_space<vmem>>
        tpu.wait_dma2 semaphore(%run_scoped3A : memref<!tpu.dma_semaphore, #tpu.memory_space<semaphore_mem>>) src(%dma_wait3A_53 : memref<64x64xf32, #tpu.memory_space<vmem>>) dst(%dma_wait3A_50 : memref<64x64xf32, #tpu.memory_space<vmem_shared>>)
        tpu.yield
      }) : () -> ()
      %scan3A_35 = arith.constant 0 : i32
      scf.yield %scan3A_35 : i32
    }
    %scan3A_13 = arith.constant 20 : i32
    %mul3A = arith.constant 1284 : i32
    %mul3A_14 = arith.muli %arg1, %mul3A : i32
    %add3A = arith.constant 1280 : i32
    %add3A_15 = arith.addi %mul3A_14, %add3A : i32
    "tpu.region"() ({
      %run_scoped3A = tpu.sem_alloc : memref<!tpu.dma_semaphore, #tpu.memory_space<semaphore_mem>>
      %dma_start3A = arith.constant 0 : i32
      %dma_start3A_28 = arith.constant 0 : i32
      %dma_start3A_29 = tpu.memref_slice %arg6[%dma_start3A, %dma_start3A_28] : memref<256x64xf32, #tpu.memory_space<vmem>> -> memref<4x64xf32, #tpu.memory_space<vmem>>
      %dma_start3A_30 = arith.constant 0 : i32
      %dma_start3A_31 = tpu.memref_slice %arg8[%add3A_15, %dma_start3A_30] : memref<20544x64xf32, #tpu.memory_space<vmem_shared>> -> memref<4x64xf32, #tpu.memory_space<vmem_shared>>
      %dma_start3A_32 = arith.constant 0 : i32
      %dma_start3A_33 = tpu.memref_slice %arg8[%add3A_15, %dma_start3A_32] : memref<20544x64xf32, #tpu.memory_space<vmem_shared>> -> memref<4x64xf32, #tpu.memory_space<vmem_shared>>
      %dma_start3A_34 = arith.constant 0 : i32
      %dma_start3A_35 = arith.constant 0 : i32
      %dma_start3A_36 = tpu.memref_slice %arg6[%dma_start3A_34, %dma_start3A_35] : memref<256x64xf32, #tpu.memory_space<vmem>> -> memref<4x64xf32, #tpu.memory_space<vmem>>
      tpu.enqueue_dma source(%dma_start3A_36 : memref<4x64xf32, #tpu.memory_space<vmem>>) target(%dma_start3A_33 : memref<4x64xf32, #tpu.memory_space<vmem_shared>>) target_semaphore(%run_scoped3A : memref<!tpu.dma_semaphore, #tpu.memory_space<semaphore_mem>>)
      %dma_wait3A = arith.constant 0 : i32
      %dma_wait3A_37 = arith.constant 0 : i32
      %dma_wait3A_38 = tpu.memref_slice %arg6[%dma_wait3A, %dma_wait3A_37] : memref<256x64xf32, #tpu.memory_space<vmem>> -> memref<4x64xf32, #tpu.memory_space<vmem>>
      %dma_wait3A_39 = arith.constant 0 : i32
      %dma_wait3A_40 = tpu.memref_slice %arg8[%add3A_15, %dma_wait3A_39] : memref<20544x64xf32, #tpu.memory_space<vmem_shared>> -> memref<4x64xf32, #tpu.memory_space<vmem_shared>>
      %dma_wait3A_41 = arith.constant 0 : i32
      %dma_wait3A_42 = tpu.memref_slice %arg8[%add3A_15, %dma_wait3A_41] : memref<20544x64xf32, #tpu.memory_space<vmem_shared>> -> memref<4x64xf32, #tpu.memory_space<vmem_shared>>
      %dma_wait3A_43 = arith.constant 0 : i32
      %dma_wait3A_44 = arith.constant 0 : i32
      %dma_wait3A_45 = tpu.memref_slice %arg6[%dma_wait3A_43, %dma_wait3A_44] : memref<256x64xf32, #tpu.memory_space<vmem>> -> memref<4x64xf32, #tpu.memory_space<vmem>>
      tpu.wait_dma2 semaphore(%run_scoped3A : memref<!tpu.dma_semaphore, #tpu.memory_space<semaphore_mem>>) src(%dma_wait3A_45 : memref<4x64xf32, #tpu.memory_space<vmem>>) dst(%dma_wait3A_42 : memref<4x64xf32, #tpu.memory_space<vmem_shared>>)
      tpu.yield
    }) : () -> ()
    %barrier3A = arith.constant 0 : index
    tpu.barrier barrier_id(%barrier3A)
    %scan3A_16 = arith.constant 0 : i32
    %scan3A_17 = arith.constant 0 : i32
    %scan3A_18 = arith.constant 2 : i32
    %scan3A_19 = arith.addi %scan3A_17, %scan3A_18 : i32
    %scan3A_20 = arith.constant 1 : i32
    %scan3A_21 = scf.for %scan3A_28 = %scan3A_17 to %scan3A_19 step %scan3A_20 iter_args(%scan3A_29 = %scan3A_16) -> (i32)  : i32 {
      %mul3A_30 = arith.constant 20 : i32
      %mul3A_31 = arith.muli %scan3A_28, %mul3A_30 : i32
      "tpu.region"() ({
        %run_scoped3A = tpu.sem_alloc : memref<!tpu.dma_semaphore, #tpu.memory_space<semaphore_mem>>
        %dma_start3A = arith.constant 0 : i32
        %dma_start3A_40 = arith.constant 0 : i32
        %dma_start3A_41 = tpu.memref_slice %arg3[%arg0, %arg1, %mul3A_31, %dma_start3A, %dma_start3A_40] : memref<2x16x40x2x256xi32, #tpu.memory_space<hbm>> -> memref<1x1x20x2x256xi32, #tpu.memory_space<hbm>>
        %dma_start3A_42 = tpu.memref_squeeze %dma_start3A_41 : memref<1x1x20x2x256xi32, #tpu.memory_space<hbm>> -> memref<20x2x256xi32, #tpu.memory_space<hbm>>
        %dma_start3A_43 = arith.constant 0 : i32
        %dma_start3A_44 = arith.constant 0 : i32
        %dma_start3A_45 = tpu.memref_slice %arg3[%arg0, %arg1, %mul3A_31, %dma_start3A_43, %dma_start3A_44] : memref<2x16x40x2x256xi32, #tpu.memory_space<hbm>> -> memref<1x1x20x2x256xi32, #tpu.memory_space<hbm>>
        %dma_start3A_46 = tpu.memref_squeeze %dma_start3A_45 : memref<1x1x20x2x256xi32, #tpu.memory_space<hbm>> -> memref<20x2x256xi32, #tpu.memory_space<hbm>>
        tpu.enqueue_dma source(%dma_start3A_46 : memref<20x2x256xi32, #tpu.memory_space<hbm>>) target(%arg5 : memref<20x2x256xi32, #tpu.memory_space<vmem>>) target_semaphore(%run_scoped3A : memref<!tpu.dma_semaphore, #tpu.memory_space<semaphore_mem>>)
        %dma_wait3A = arith.constant 0 : i32
        %dma_wait3A_47 = arith.constant 0 : i32
        %dma_wait3A_48 = tpu.memref_slice %arg3[%arg0, %arg1, %mul3A_31, %dma_wait3A, %dma_wait3A_47] : memref<2x16x40x2x256xi32, #tpu.memory_space<hbm>> -> memref<1x1x20x2x256xi32, #tpu.memory_space<hbm>>
        %dma_wait3A_49 = tpu.memref_squeeze %dma_wait3A_48 : memref<1x1x20x2x256xi32, #tpu.memory_space<hbm>> -> memref<20x2x256xi32, #tpu.memory_space<hbm>>
        %dma_wait3A_50 = arith.constant 0 : i32
        %dma_wait3A_51 = arith.constant 0 : i32
        %dma_wait3A_52 = tpu.memref_slice %arg3[%arg0, %arg1, %mul3A_31, %dma_wait3A_50, %dma_wait3A_51] : memref<2x16x40x2x256xi32, #tpu.memory_space<hbm>> -> memref<1x1x20x2x256xi32, #tpu.memory_space<hbm>>
        %dma_wait3A_53 = tpu.memref_squeeze %dma_wait3A_52 : memref<1x1x20x2x256xi32, #tpu.memory_space<hbm>> -> memref<20x2x256xi32, #tpu.memory_space<hbm>>
        tpu.wait_dma2 semaphore(%run_scoped3A : memref<!tpu.dma_semaphore, #tpu.memory_space<semaphore_mem>>) src(%dma_wait3A_53 : memref<20x2x256xi32, #tpu.memory_space<hbm>>) dst(%arg5 : memref<20x2x256xi32, #tpu.memory_space<vmem>>)
        tpu.yield
      }) : () -> ()
      %scan3A_32 = arith.constant 0 : i32
      %scan3A_33 = arith.constant 0 : i32
      %scan3A_34 = arith.constant 10 : i32
      %scan3A_35 = arith.addi %scan3A_33, %scan3A_34 : i32
      %scan3A_36 = arith.constant 1 : i32
      %scan3A_37 = scf.for %scan3A_40 = %scan3A_33 to %scan3A_35 step %scan3A_36 iter_args(%scan3A_41 = %scan3A_32) -> (i32)  : i32 {
        %mul3A_42 = arith.constant 2 : i32
        %mul3A_43 = arith.muli %mul3A_42, %scan3A_40 : i32
        %dma_start3A = arith.constant 0 : i32
        %dma_start3A_44 = arith.constant 0 : i32
        %dma_start3A_45 = tpu.memref_slice %arg5[%mul3A_43, %dma_start3A, %dma_start3A_44] : memref<20x2x256xi32, #tpu.memory_space<vmem>> -> memref<1x1x256xi32, #tpu.memory_space<vmem>>
        %dma_start3A_46 = tpu.memref_squeeze %dma_start3A_45 : memref<1x1x256xi32, #tpu.memory_space<vmem>> -> memref<256xi32, #tpu.memory_space<vmem>>
        %dma_start3A_47 = arith.constant 0 : i32
        %dma_start3A_48 = arith.constant 0 : i32
        %dma_start3A_49 = tpu.memref_slice %arg2[%dma_start3A_47, %dma_start3A_48] : memref<20480x64xf32, #tpu.memory_space<hbm>> -> memref<20480x64xf32, #tpu.memory_space<hbm>>
        tpu.enqueue_indirect_dma source(%dma_start3A_49 : memref<20480x64xf32, #tpu.memory_space<hbm>>) target(%arg6 : memref<256x64xf32, #tpu.memory_space<vmem>>) offsets(%dma_start3A_46 : memref<256xi32, #tpu.memory_space<vmem>>) semaphore(%arg9 : memref<!tpu.dma_semaphore, #tpu.memory_space<semaphore_mem>>)
        %mul3A_50 = arith.constant 2 : i32
        %mul3A_51 = arith.muli %mul3A_50, %scan3A_40 : i32
        %add3A_52 = arith.constant 1 : i32
        %add3A_53 = arith.addi %mul3A_51, %add3A_52 : i32
        %dma_start3A_54 = arith.constant 0 : i32
        %dma_start3A_55 = arith.constant 0 : i32
        %dma_start3A_56 = tpu.memref_slice %arg5[%add3A_53, %dma_start3A_54, %dma_start3A_55] : memref<20x2x256xi32, #tpu.memory_space<vmem>> -> memref<1x1x256xi32, #tpu.memory_space<vmem>>
        %dma_start3A_57 = tpu.memref_squeeze %dma_start3A_56 : memref<1x1x256xi32, #tpu.memory_space<vmem>> -> memref<256xi32, #tpu.memory_space<vmem>>
        %dma_start3A_58 = arith.constant 0 : i32
        %dma_start3A_59 = arith.constant 0 : i32
        %dma_start3A_60 = tpu.memref_slice %arg2[%dma_start3A_58, %dma_start3A_59] : memref<20480x64xf32, #tpu.memory_space<hbm>> -> memref<20480x64xf32, #tpu.memory_space<hbm>>
        tpu.enqueue_indirect_dma source(%dma_start3A_60 : memref<20480x64xf32, #tpu.memory_space<hbm>>) target(%arg7 : memref<256x64xf32, #tpu.memory_space<vmem>>) offsets(%dma_start3A_57 : memref<256xi32, #tpu.memory_space<vmem>>) semaphore(%arg10 : memref<!tpu.dma_semaphore, #tpu.memory_space<semaphore_mem>>)
        %dma_wait3A = arith.constant 0 : i32
        %dma_wait3A_61 = arith.constant 0 : i32
        %dma_wait3A_62 = tpu.memref_slice %arg5[%mul3A_43, %dma_wait3A, %dma_wait3A_61] : memref<20x2x256xi32, #tpu.memory_space<vmem>> -> memref<1x1x256xi32, #tpu.memory_space<vmem>>
        %dma_wait3A_63 = tpu.memref_squeeze %dma_wait3A_62 : memref<1x1x256xi32, #tpu.memory_space<vmem>> -> memref<256xi32, #tpu.memory_space<vmem>>
        %dma_wait3A_64 = arith.constant 0 : i32
        %dma_wait3A_65 = arith.constant 0 : i32
        %dma_wait3A_66 = tpu.memref_slice %arg2[%dma_wait3A_64, %dma_wait3A_65] : memref<20480x64xf32, #tpu.memory_space<hbm>> -> memref<20480x64xf32, #tpu.memory_space<hbm>>
        tpu.wait_indirect_dma semaphore(%arg9 : memref<!tpu.dma_semaphore, #tpu.memory_space<semaphore_mem>>) src(%dma_wait3A_66 : memref<20480x64xf32, #tpu.memory_space<hbm>>) dst(%arg6 : memref<256x64xf32, #tpu.memory_space<vmem>>)
        %mul3A_67 = arith.constant 2 : i32
        %mul3A_68 = arith.muli %mul3A_67, %scan3A_40 : i32
        %run_scoped3A = arith.constant 1 : i32
        "tpu.region"() ({
          %run_scoped3A_82 = tpu.sem_alloc : memref<!tpu.dma_semaphore, #tpu.memory_space<semaphore_mem>>
          %dma_start3A_83 = arith.constant 0 : i32
          %dma_start3A_84 = tpu.memref_slice %arg5[%mul3A_68, %run_scoped3A, %dma_start3A_83] : memref<20x2x256xi32, #tpu.memory_space<vmem>> -> memref<1x1x256xi32, #tpu.memory_space<vmem>>
          %dma_start3A_85 = tpu.memref_squeeze %dma_start3A_84 : memref<1x1x256xi32, #tpu.memory_space<vmem>> -> memref<256xi32, #tpu.memory_space<vmem>>
          %dma_start3A_86 = arith.constant 0 : i32
          %dma_start3A_87 = arith.constant 0 : i32
          %dma_start3A_88 = tpu.memref_slice %arg8[%dma_start3A_86, %dma_start3A_87] : memref<20544x64xf32, #tpu.memory_space<vmem_shared>> -> memref<20544x64xf32, #tpu.memory_space<vmem_shared>>
          tpu.enqueue_indirect_dma source(%arg6 : memref<256x64xf32, #tpu.memory_space<vmem>>) target(%dma_start3A_88 : memref<20544x64xf32, #tpu.memory_space<vmem_shared>>) offsets(%dma_start3A_85 : memref<256xi32, #tpu.memory_space<vmem>>) semaphore(%run_scoped3A_82 : memref<!tpu.dma_semaphore, #tpu.memory_space<semaphore_mem>>) {add = true}
          %dma_wait3A_89 = arith.constant 0 : i32
          %dma_wait3A_90 = tpu.memref_slice %arg5[%mul3A_68, %run_scoped3A, %dma_wait3A_89] : memref<20x2x256xi32, #tpu.memory_space<vmem>> -> memref<1x1x256xi32, #tpu.memory_space<vmem>>
          %dma_wait3A_91 = tpu.memref_squeeze %dma_wait3A_90 : memref<1x1x256xi32, #tpu.memory_space<vmem>> -> memref<256xi32, #tpu.memory_space<vmem>>
          %dma_wait3A_92 = arith.constant 0 : i32
          %dma_wait3A_93 = arith.constant 0 : i32
          %dma_wait3A_94 = tpu.memref_slice %arg8[%dma_wait3A_92, %dma_wait3A_93] : memref<20544x64xf32, #tpu.memory_space<vmem_shared>> -> memref<20544x64xf32, #tpu.memory_space<vmem_shared>>
          tpu.wait_indirect_dma semaphore(%run_scoped3A_82 : memref<!tpu.dma_semaphore, #tpu.memory_space<semaphore_mem>>) src(%arg6 : memref<256x64xf32, #tpu.memory_space<vmem>>) dst(%dma_wait3A_94 : memref<20544x64xf32, #tpu.memory_space<vmem_shared>>)
          tpu.yield
        }) : () -> ()
        %dma_wait3A_69 = arith.constant 0 : i32
        %dma_wait3A_70 = arith.constant 0 : i32
        %dma_wait3A_71 = tpu.memref_slice %arg5[%add3A_53, %dma_wait3A_69, %dma_wait3A_70] : memref<20x2x256xi32, #tpu.memory_space<vmem>> -> memref<1x1x256xi32, #tpu.memory_space<vmem>>
        %dma_wait3A_72 = tpu.memref_squeeze %dma_wait3A_71 : memref<1x1x256xi32, #tpu.memory_space<vmem>> -> memref<256xi32, #tpu.memory_space<vmem>>
        %dma_wait3A_73 = arith.constant 0 : i32
        %dma_wait3A_74 = arith.constant 0 : i32
        %dma_wait3A_75 = tpu.memref_slice %arg2[%dma_wait3A_73, %dma_wait3A_74] : memref<20480x64xf32, #tpu.memory_space<hbm>> -> memref<20480x64xf32, #tpu.memory_space<hbm>>
        tpu.wait_indirect_dma semaphore(%arg10 : memref<!tpu.dma_semaphore, #tpu.memory_space<semaphore_mem>>) src(%dma_wait3A_75 : memref<20480x64xf32, #tpu.memory_space<hbm>>) dst(%arg7 : memref<256x64xf32, #tpu.memory_space<vmem>>)
        %mul3A_76 = arith.constant 2 : i32
        %mul3A_77 = arith.muli %mul3A_76, %scan3A_40 : i32
        %add3A_78 = arith.constant 1 : i32
        %add3A_79 = arith.addi %mul3A_77, %add3A_78 : i32
        %run_scoped3A_80 = arith.constant 1 : i32
        "tpu.region"() ({
          %run_scoped3A_82 = tpu.sem_alloc : memref<!tpu.dma_semaphore, #tpu.memory_space<semaphore_mem>>
          %dma_start3A_83 = arith.constant 0 : i32
          %dma_start3A_84 = tpu.memref_slice %arg5[%add3A_79, %run_scoped3A_80, %dma_start3A_83] : memref<20x2x256xi32, #tpu.memory_space<vmem>> -> memref<1x1x256xi32, #tpu.memory_space<vmem>>
          %dma_start3A_85 = tpu.memref_squeeze %dma_start3A_84 : memref<1x1x256xi32, #tpu.memory_space<vmem>> -> memref<256xi32, #tpu.memory_space<vmem>>
          %dma_start3A_86 = arith.constant 0 : i32
          %dma_start3A_87 = arith.constant 0 : i32
          %dma_start3A_88 = tpu.memref_slice %arg8[%dma_start3A_86, %dma_start3A_87] : memref<20544x64xf32, #tpu.memory_space<vmem_shared>> -> memref<20544x64xf32, #tpu.memory_space<vmem_shared>>
          tpu.enqueue_indirect_dma source(%arg7 : memref<256x64xf32, #tpu.memory_space<vmem>>) target(%dma_start3A_88 : memref<20544x64xf32, #tpu.memory_space<vmem_shared>>) offsets(%dma_start3A_85 : memref<256xi32, #tpu.memory_space<vmem>>) semaphore(%run_scoped3A_82 : memref<!tpu.dma_semaphore, #tpu.memory_space<semaphore_mem>>) {add = true}
          %dma_wait3A_89 = arith.constant 0 : i32
          %dma_wait3A_90 = tpu.memref_slice %arg5[%add3A_79, %run_scoped3A_80, %dma_wait3A_89] : memref<20x2x256xi32, #tpu.memory_space<vmem>> -> memref<1x1x256xi32, #tpu.memory_space<vmem>>
          %dma_wait3A_91 = tpu.memref_squeeze %dma_wait3A_90 : memref<1x1x256xi32, #tpu.memory_space<vmem>> -> memref<256xi32, #tpu.memory_space<vmem>>
          %dma_wait3A_92 = arith.constant 0 : i32
          %dma_wait3A_93 = arith.constant 0 : i32
          %dma_wait3A_94 = tpu.memref_slice %arg8[%dma_wait3A_92, %dma_wait3A_93] : memref<20544x64xf32, #tpu.memory_space<vmem_shared>> -> memref<20544x64xf32, #tpu.memory_space<vmem_shared>>
          tpu.wait_indirect_dma semaphore(%run_scoped3A_82 : memref<!tpu.dma_semaphore, #tpu.memory_space<semaphore_mem>>) src(%arg7 : memref<256x64xf32, #tpu.memory_space<vmem>>) dst(%dma_wait3A_94 : memref<20544x64xf32, #tpu.memory_space<vmem_shared>>)
          tpu.yield
        }) : () -> ()
        %scan3A_81 = arith.constant 0 : i32
        scf.yield %scan3A_81 : i32
      }
      %scan3A_38 = arith.constant 10 : i32
      %scan3A_39 = arith.constant 0 : i32
      scf.yield %scan3A_39 : i32
    }
    %scan3A_22 = arith.constant 2 : i32
    %barrier3A_23 = arith.constant 0 : index
    tpu.barrier barrier_id(%barrier3A_23)
    %mul3A_24 = arith.constant 1284 : i32
    %mul3A_25 = arith.muli %arg1, %mul3A_24 : i32
    %mul3A_26 = arith.constant 1284 : i32
    %mul3A_27 = arith.muli %arg1, %mul3A_26 : i32
    "tpu.region"() ({
      %run_scoped3A = tpu.sem_alloc : memref<!tpu.dma_semaphore, #tpu.memory_space<semaphore_mem>>
      %dma_start3A = arith.constant 0 : i32
      %dma_start3A_28 = tpu.memref_slice %arg4[%arg0, %mul3A_27, %dma_start3A] : memref<2x20544x64xf32, #tpu.memory_space<hbm>> -> memref<1x1284x64xf32, #tpu.memory_space<hbm>>
      %dma_start3A_29 = tpu.memref_squeeze %dma_start3A_28 : memref<1x1284x64xf32, #tpu.memory_space<hbm>> -> memref<1284x64xf32, #tpu.memory_space<hbm>>
      %dma_start3A_30 = arith.constant 0 : i32
      %dma_start3A_31 = tpu.memref_slice %arg8[%mul3A_25, %dma_start3A_30] : memref<20544x64xf32, #tpu.memory_space<vmem_shared>> -> memref<1284x64xf32, #tpu.memory_space<vmem_shared>>
      tpu.enqueue_dma source(%dma_start3A_31 : memref<1284x64xf32, #tpu.memory_space<vmem_shared>>) target(%dma_start3A_29 : memref<1284x64xf32, #tpu.memory_space<hbm>>) target_semaphore(%run_scoped3A : memref<!tpu.dma_semaphore, #tpu.memory_space<semaphore_mem>>)
      %dma_wait3A = arith.constant 0 : i32
      %dma_wait3A_32 = tpu.memref_slice %arg4[%arg0, %mul3A_27, %dma_wait3A] : memref<2x20544x64xf32, #tpu.memory_space<hbm>> -> memref<1x1284x64xf32, #tpu.memory_space<hbm>>
      %dma_wait3A_33 = tpu.memref_squeeze %dma_wait3A_32 : memref<1x1284x64xf32, #tpu.memory_space<hbm>> -> memref<1284x64xf32, #tpu.memory_space<hbm>>
      %dma_wait3A_34 = arith.constant 0 : i32
      %dma_wait3A_35 = tpu.memref_slice %arg8[%mul3A_25, %dma_wait3A_34] : memref<20544x64xf32, #tpu.memory_space<vmem_shared>> -> memref<1284x64xf32, #tpu.memory_space<vmem_shared>>
      tpu.wait_dma2 semaphore(%run_scoped3A : memref<!tpu.dma_semaphore, #tpu.memory_space<semaphore_mem>>) src(%dma_wait3A_35 : memref<1284x64xf32, #tpu.memory_space<vmem_shared>>) dst(%dma_wait3A_33 : memref<1284x64xf32, #tpu.memory_space<hbm>>)
      tpu.yield
    }) : () -> ()
    return
  }
}

#map = affine_map<(d0, d1) -> (0, 0, 0, 0)>
#map1 = affine_map<(d0, d1) -> (0, 0, 0)>
module attributes {stable_mosaic.version = 14 : i64} {
  func.func @_sc_counts(%arg0: i32, %arg1: i32, %arg2: memref<2x16x40x128xi32, #tpu.memory_space<hbm>>, %arg3: memref<2x20544x16xf32, #tpu.memory_space<hbm>>, %arg4: memref<40x128xi32, #tpu.memory_space<vmem>>, %arg5: memref<128x16xf32, #tpu.memory_space<vmem>>, %arg6: memref<64x16xf32, #tpu.memory_space<vmem>>, %arg7: memref<20544x16xf32, #tpu.memory_space<vmem_shared>>) attributes {dimension_semantics = [#tpu.dimension_semantics<core_parallel>, #tpu.dimension_semantics<subcore_parallel>], iteration_bounds = array<i64: 2, 16>, scalar_prefetch = 0 : i64, scratch_operands = 4 : i64, tpu.core_type = #tpu.core_type<sc_vector_subcore>, window_params = [{transform_indices = #map}, {transform_indices = #map1}]} {
    %broadcast_in_dim3A = arith.constant 0.000000e+00 : f32
    %broadcast_in_dim3A_0 = vector.broadcast %broadcast_in_dim3A : f32 to vector<16xf32>
    %scan3A = arith.constant 0 : i32
    %scan3A_1 = arith.constant 0 : i32
    %scan3A_2 = arith.constant 64 : i32
    %scan3A_3 = arith.addi %scan3A_1, %scan3A_2 : i32
    %scan3A_4 = arith.constant 1 : i32
    %scan3A_5 = scf.for %scan3A_37 = %scan3A_1 to %scan3A_3 step %scan3A_4 iter_args(%scan3A_38 = %scan3A) -> (i32)  : i32 {
      %swap3A = arith.index_cast %scan3A_37 : i32 to index
      %swap3A_39 = arith.constant 0 : index
      %swap3A_40 = tpu.vector_load %arg6[%swap3A, %swap3A_39] {strides = array<i32>} : memref<64x16xf32, #tpu.memory_space<vmem>>, vector<1x16xf32>,
      %swap3A_41 = vector.shape_cast %swap3A_40 : vector<1x16xf32> to vector<16xf32>
      %swap3A_42 = vector.shape_cast %broadcast_in_dim3A_0 : vector<16xf32> to vector<1x16xf32>
      tpu.vector_store %arg6[%swap3A, %swap3A_39], %swap3A_42 {strides = array<i32>} : memref<64x16xf32, #tpu.memory_space<vmem>>, vector<1x16xf32>,
      %scan3A_43 = arith.constant 0 : i32
      scf.yield %scan3A_43 : i32
    }
    %scan3A_6 = arith.constant 64 : i32
    %broadcast_in_dim3A_7 = arith.constant 1.000000e+00 : f32
    %broadcast_in_dim3A_8 = vector.broadcast %broadcast_in_dim3A_7 : f32 to vector<16xf32>
    %scan3A_9 = arith.constant 0 : i32
    %scan3A_10 = arith.constant 0 : i32
    %scan3A_11 = arith.constant 128 : i32
    %scan3A_12 = arith.addi %scan3A_10, %scan3A_11 : i32
    %scan3A_13 = arith.constant 1 : i32
    %scan3A_14 = scf.for %scan3A_37 = %scan3A_10 to %scan3A_12 step %scan3A_13 iter_args(%scan3A_38 = %scan3A_9) -> (i32)  : i32 {
      %swap3A = arith.index_cast %scan3A_37 : i32 to index
      %swap3A_39 = arith.constant 0 : index
      %swap3A_40 = tpu.vector_load %arg5[%swap3A, %swap3A_39] {strides = array<i32>} : memref<128x16xf32, #tpu.memory_space<vmem>>, vector<1x16xf32>,
      %swap3A_41 = vector.shape_cast %swap3A_40 : vector<1x16xf32> to vector<16xf32>
      %swap3A_42 = vector.shape_cast %broadcast_in_dim3A_8 : vector<16xf32> to vector<1x16xf32>
      tpu.vector_store %arg5[%swap3A, %swap3A_39], %swap3A_42 {strides = array<i32>} : memref<128x16xf32, #tpu.memory_space<vmem>>, vector<1x16xf32>,
      %scan3A_43 = arith.constant 0 : i32
      scf.yield %scan3A_43 : i32
    }
    %scan3A_15 = arith.constant 128 : i32
    %scan3A_16 = arith.constant 0 : i32
    %scan3A_17 = arith.constant 0 : i32
    %scan3A_18 = arith.constant 20 : i32
    %scan3A_19 = arith.addi %scan3A_17, %scan3A_18 : i32
    %scan3A_20 = arith.constant 1 : i32
    %scan3A_21 = scf.for %scan3A_37 = %scan3A_17 to %scan3A_19 step %scan3A_20 iter_args(%scan3A_38 = %scan3A_16) -> (i32)  : i32 {
      %mul3A_39 = arith.constant 1284 : i32
      %mul3A_40 = arith.muli %arg1, %mul3A_39 : i32
      %mul3A_41 = arith.constant 64 : i32
      %mul3A_42 = arith.muli %scan3A_37, %mul3A_41 : i32
      %add3A_43 = arith.addi %mul3A_40, %mul3A_42 : i32
      "tpu.region"() ({
        %run_scoped3A = tpu.sem_alloc : memref<!tpu.dma_semaphore, #tpu.memory_space<semaphore_mem>>
        %dma_start3A = arith.constant 0 : i32
        %dma_start3A_45 = tpu.memref_slice %arg7[%add3A_43, %dma_start3A] : memref<20544x16xf32, #tpu.memory_space<vmem_shared>> -> memref<64x16xf32, #tpu.memory_space<vmem_shared>>
        %dma_start3A_46 = arith.constant 0 : i32
        %dma_start3A_47 = tpu.memref_slice %arg7[%add3A_43, %dma_start3A_46] : memref<20544x16xf32, #tpu.memory_space<vmem_shared>> -> memref<64x16xf32, #tpu.memory_space<vmem_shared>>
        tpu.enqueue_dma source(%arg6 : memref<64x16xf32, #tpu.memory_space<vmem>>) target(%dma_start3A_47 : memref<64x16xf32, #tpu.memory_space<vmem_shared>>) target_semaphore(%run_scoped3A : memref<!tpu.dma_semaphore, #tpu.memory_space<semaphore_mem>>)
        %dma_wait3A = arith.constant 0 : i32
        %dma_wait3A_48 = tpu.memref_slice %arg7[%add3A_43, %dma_wait3A] : memref<20544x16xf32, #tpu.memory_space<vmem_shared>> -> memref<64x16xf32, #tpu.memory_space<vmem_shared>>
        %dma_wait3A_49 = arith.constant 0 : i32
        %dma_wait3A_50 = tpu.memref_slice %arg7[%add3A_43, %dma_wait3A_49] : memref<20544x16xf32, #tpu.memory_space<vmem_shared>> -> memref<64x16xf32, #tpu.memory_space<vmem_shared>>
        tpu.wait_dma2 semaphore(%run_scoped3A : memref<!tpu.dma_semaphore, #tpu.memory_space<semaphore_mem>>) src(%arg6 : memref<64x16xf32, #tpu.memory_space<vmem>>) dst(%dma_wait3A_50 : memref<64x16xf32, #tpu.memory_space<vmem_shared>>)
        tpu.yield
      }) : () -> ()
      %scan3A_44 = arith.constant 0 : i32
      scf.yield %scan3A_44 : i32
    }
    %scan3A_22 = arith.constant 20 : i32
    %mul3A = arith.constant 1284 : i32
    %mul3A_23 = arith.muli %arg1, %mul3A : i32
    %add3A = arith.constant 1280 : i32
    %add3A_24 = arith.addi %mul3A_23, %add3A : i32
    "tpu.region"() ({
      %run_scoped3A = tpu.sem_alloc : memref<!tpu.dma_semaphore, #tpu.memory_space<semaphore_mem>>
      %dma_start3A = arith.constant 0 : i32
      %dma_start3A_37 = arith.constant 0 : i32
      %dma_start3A_38 = tpu.memref_slice %arg6[%dma_start3A, %dma_start3A_37] : memref<64x16xf32, #tpu.memory_space<vmem>> -> memref<4x16xf32, #tpu.memory_space<vmem>>
      %dma_start3A_39 = arith.constant 0 : i32
      %dma_start3A_40 = tpu.memref_slice %arg7[%add3A_24, %dma_start3A_39] : memref<20544x16xf32, #tpu.memory_space<vmem_shared>> -> memref<4x16xf32, #tpu.memory_space<vmem_shared>>
      %dma_start3A_41 = arith.constant 0 : i32
      %dma_start3A_42 = tpu.memref_slice %arg7[%add3A_24, %dma_start3A_41] : memref<20544x16xf32, #tpu.memory_space<vmem_shared>> -> memref<4x16xf32, #tpu.memory_space<vmem_shared>>
      %dma_start3A_43 = arith.constant 0 : i32
      %dma_start3A_44 = arith.constant 0 : i32
      %dma_start3A_45 = tpu.memref_slice %arg6[%dma_start3A_43, %dma_start3A_44] : memref<64x16xf32, #tpu.memory_space<vmem>> -> memref<4x16xf32, #tpu.memory_space<vmem>>
      tpu.enqueue_dma source(%dma_start3A_45 : memref<4x16xf32, #tpu.memory_space<vmem>>) target(%dma_start3A_42 : memref<4x16xf32, #tpu.memory_space<vmem_shared>>) target_semaphore(%run_scoped3A : memref<!tpu.dma_semaphore, #tpu.memory_space<semaphore_mem>>)
      %dma_wait3A = arith.constant 0 : i32
      %dma_wait3A_46 = arith.constant 0 : i32
      %dma_wait3A_47 = tpu.memref_slice %arg6[%dma_wait3A, %dma_wait3A_46] : memref<64x16xf32, #tpu.memory_space<vmem>> -> memref<4x16xf32, #tpu.memory_space<vmem>>
      %dma_wait3A_48 = arith.constant 0 : i32
      %dma_wait3A_49 = tpu.memref_slice %arg7[%add3A_24, %dma_wait3A_48] : memref<20544x16xf32, #tpu.memory_space<vmem_shared>> -> memref<4x16xf32, #tpu.memory_space<vmem_shared>>
      %dma_wait3A_50 = arith.constant 0 : i32
      %dma_wait3A_51 = tpu.memref_slice %arg7[%add3A_24, %dma_wait3A_50] : memref<20544x16xf32, #tpu.memory_space<vmem_shared>> -> memref<4x16xf32, #tpu.memory_space<vmem_shared>>
      %dma_wait3A_52 = arith.constant 0 : i32
      %dma_wait3A_53 = arith.constant 0 : i32
      %dma_wait3A_54 = tpu.memref_slice %arg6[%dma_wait3A_52, %dma_wait3A_53] : memref<64x16xf32, #tpu.memory_space<vmem>> -> memref<4x16xf32, #tpu.memory_space<vmem>>
      tpu.wait_dma2 semaphore(%run_scoped3A : memref<!tpu.dma_semaphore, #tpu.memory_space<semaphore_mem>>) src(%dma_wait3A_54 : memref<4x16xf32, #tpu.memory_space<vmem>>) dst(%dma_wait3A_51 : memref<4x16xf32, #tpu.memory_space<vmem_shared>>)
      tpu.yield
    }) : () -> ()
    %barrier3A = arith.constant 0 : index
    tpu.barrier barrier_id(%barrier3A)
    "tpu.region"() ({
      %run_scoped3A = tpu.sem_alloc : memref<!tpu.dma_semaphore, #tpu.memory_space<semaphore_mem>>
      %dma_start3A = arith.constant 0 : i32
      %dma_start3A_37 = arith.constant 0 : i32
      %dma_start3A_38 = tpu.memref_slice %arg2[%arg0, %arg1, %dma_start3A, %dma_start3A_37] : memref<2x16x40x128xi32, #tpu.memory_space<hbm>> -> memref<1x1x40x128xi32, #tpu.memory_space<hbm>>
      %dma_start3A_39 = tpu.memref_squeeze %dma_start3A_38 : memref<1x1x40x128xi32, #tpu.memory_space<hbm>> -> memref<40x128xi32, #tpu.memory_space<hbm>>
      %dma_start3A_40 = arith.constant 0 : i32
      %dma_start3A_41 = arith.constant 0 : i32
      %dma_start3A_42 = tpu.memref_slice %arg2[%arg0, %arg1, %dma_start3A_40, %dma_start3A_41] : memref<2x16x40x128xi32, #tpu.memory_space<hbm>> -> memref<1x1x40x128xi32, #tpu.memory_space<hbm>>
      %dma_start3A_43 = tpu.memref_squeeze %dma_start3A_42 : memref<1x1x40x128xi32, #tpu.memory_space<hbm>> -> memref<40x128xi32, #tpu.memory_space<hbm>>
      tpu.enqueue_dma source(%dma_start3A_43 : memref<40x128xi32, #tpu.memory_space<hbm>>) target(%arg4 : memref<40x128xi32, #tpu.memory_space<vmem>>) target_semaphore(%run_scoped3A : memref<!tpu.dma_semaphore, #tpu.memory_space<semaphore_mem>>)
      %dma_wait3A = arith.constant 0 : i32
      %dma_wait3A_44 = arith.constant 0 : i32
      %dma_wait3A_45 = tpu.memref_slice %arg2[%arg0, %arg1, %dma_wait3A, %dma_wait3A_44] : memref<2x16x40x128xi32, #tpu.memory_space<hbm>> -> memref<1x1x40x128xi32, #tpu.memory_space<hbm>>
      %dma_wait3A_46 = tpu.memref_squeeze %dma_wait3A_45 : memref<1x1x40x128xi32, #tpu.memory_space<hbm>> -> memref<40x128xi32, #tpu.memory_space<hbm>>
      %dma_wait3A_47 = arith.constant 0 : i32
      %dma_wait3A_48 = arith.constant 0 : i32
      %dma_wait3A_49 = tpu.memref_slice %arg2[%arg0, %arg1, %dma_wait3A_47, %dma_wait3A_48] : memref<2x16x40x128xi32, #tpu.memory_space<hbm>> -> memref<1x1x40x128xi32, #tpu.memory_space<hbm>>
      %dma_wait3A_50 = tpu.memref_squeeze %dma_wait3A_49 : memref<1x1x40x128xi32, #tpu.memory_space<hbm>> -> memref<40x128xi32, #tpu.memory_space<hbm>>
      tpu.wait_dma2 semaphore(%run_scoped3A : memref<!tpu.dma_semaphore, #tpu.memory_space<semaphore_mem>>) src(%dma_wait3A_50 : memref<40x128xi32, #tpu.memory_space<hbm>>) dst(%arg4 : memref<40x128xi32, #tpu.memory_space<vmem>>)
      tpu.yield
    }) : () -> ()
    %scan3A_25 = arith.constant 0 : i32
    %scan3A_26 = arith.constant 0 : i32
    %scan3A_27 = arith.constant 40 : i32
    %scan3A_28 = arith.addi %scan3A_26, %scan3A_27 : i32
    %scan3A_29 = arith.constant 1 : i32
    %scan3A_30 = scf.for %scan3A_37 = %scan3A_26 to %scan3A_28 step %scan3A_29 iter_args(%scan3A_38 = %scan3A_25) -> (i32)  : i32 {
      "tpu.region"() ({
        %run_scoped3A = tpu.sem_alloc : memref<!tpu.dma_semaphore, #tpu.memory_space<semaphore_mem>>
        %dma_start3A = arith.constant 0 : i32
        %dma_start3A_40 = tpu.memref_slice %arg4[%scan3A_37, %dma_start3A] : memref<40x128xi32, #tpu.memory_space<vmem>> -> memref<1x128xi32, #tpu.memory_space<vmem>>
        %dma_start3A_41 = tpu.memref_squeeze %dma_start3A_40 : memref<1x128xi32, #tpu.memory_space<vmem>> -> memref<128xi32, #tpu.memory_space<vmem>>
        %dma_start3A_42 = arith.constant 0 : i32
        %dma_start3A_43 = arith.constant 0 : i32
        %dma_start3A_44 = tpu.memref_slice %arg7[%dma_start3A_42, %dma_start3A_43] : memref<20544x16xf32, #tpu.memory_space<vmem_shared>> -> memref<20544x16xf32, #tpu.memory_space<vmem_shared>>
        tpu.enqueue_indirect_dma source(%arg5 : memref<128x16xf32, #tpu.memory_space<vmem>>) target(%dma_start3A_44 : memref<20544x16xf32, #tpu.memory_space<vmem_shared>>) offsets(%dma_start3A_41 : memref<128xi32, #tpu.memory_space<vmem>>) semaphore(%run_scoped3A : memref<!tpu.dma_semaphore, #tpu.memory_space<semaphore_mem>>) {add = true}
        %dma_wait3A = arith.constant 0 : i32
        %dma_wait3A_45 = tpu.memref_slice %arg4[%scan3A_37, %dma_wait3A] : memref<40x128xi32, #tpu.memory_space<vmem>> -> memref<1x128xi32, #tpu.memory_space<vmem>>
        %dma_wait3A_46 = tpu.memref_squeeze %dma_wait3A_45 : memref<1x128xi32, #tpu.memory_space<vmem>> -> memref<128xi32, #tpu.memory_space<vmem>>
        %dma_wait3A_47 = arith.constant 0 : i32
        %dma_wait3A_48 = arith.constant 0 : i32
        %dma_wait3A_49 = tpu.memref_slice %arg7[%dma_wait3A_47, %dma_wait3A_48] : memref<20544x16xf32, #tpu.memory_space<vmem_shared>> -> memref<20544x16xf32, #tpu.memory_space<vmem_shared>>
        tpu.wait_indirect_dma semaphore(%run_scoped3A : memref<!tpu.dma_semaphore, #tpu.memory_space<semaphore_mem>>) src(%arg5 : memref<128x16xf32, #tpu.memory_space<vmem>>) dst(%dma_wait3A_49 : memref<20544x16xf32, #tpu.memory_space<vmem_shared>>)
        tpu.yield
      }) : () -> ()
      %scan3A_39 = arith.constant 0 : i32
      scf.yield %scan3A_39 : i32
    }
    %scan3A_31 = arith.constant 40 : i32
    %barrier3A_32 = arith.constant 0 : index
    tpu.barrier barrier_id(%barrier3A_32)
    %mul3A_33 = arith.constant 1284 : i32
    %mul3A_34 = arith.muli %arg1, %mul3A_33 : i32
    %mul3A_35 = arith.constant 1284 : i32
    %mul3A_36 = arith.muli %arg1, %mul3A_35 : i32
    "tpu.region"() ({
      %run_scoped3A = tpu.sem_alloc : memref<!tpu.dma_semaphore, #tpu.memory_space<semaphore_mem>>
      %dma_start3A = arith.constant 0 : i32
      %dma_start3A_37 = tpu.memref_slice %arg3[%arg0, %mul3A_36, %dma_start3A] : memref<2x20544x16xf32, #tpu.memory_space<hbm>> -> memref<1x1284x16xf32, #tpu.memory_space<hbm>>
      %dma_start3A_38 = tpu.memref_squeeze %dma_start3A_37 : memref<1x1284x16xf32, #tpu.memory_space<hbm>> -> memref<1284x16xf32, #tpu.memory_space<hbm>>
      %dma_start3A_39 = arith.constant 0 : i32
      %dma_start3A_40 = tpu.memref_slice %arg7[%mul3A_34, %dma_start3A_39] : memref<20544x16xf32, #tpu.memory_space<vmem_shared>> -> memref<1284x16xf32, #tpu.memory_space<vmem_shared>>
      tpu.enqueue_dma source(%dma_start3A_40 : memref<1284x16xf32, #tpu.memory_space<vmem_shared>>) target(%dma_start3A_38 : memref<1284x16xf32, #tpu.memory_space<hbm>>) target_semaphore(%run_scoped3A : memref<!tpu.dma_semaphore, #tpu.memory_space<semaphore_mem>>)
      %dma_wait3A = arith.constant 0 : i32
      %dma_wait3A_41 = tpu.memref_slice %arg3[%arg0, %mul3A_36, %dma_wait3A] : memref<2x20544x16xf32, #tpu.memory_space<hbm>> -> memref<1x1284x16xf32, #tpu.memory_space<hbm>>
      %dma_wait3A_42 = tpu.memref_squeeze %dma_wait3A_41 : memref<1x1284x16xf32, #tpu.memory_space<hbm>> -> memref<1284x16xf32, #tpu.memory_space<hbm>>
      %dma_wait3A_43 = arith.constant 0 : i32
      %dma_wait3A_44 = tpu.memref_slice %arg7[%mul3A_34, %dma_wait3A_43] : memref<20544x16xf32, #tpu.memory_space<vmem_shared>> -> memref<1284x16xf32, #tpu.memory_space<vmem_shared>>
      tpu.wait_dma2 semaphore(%run_scoped3A : memref<!tpu.dma_semaphore, #tpu.memory_space<semaphore_mem>>) src(%dma_wait3A_44 : memref<1284x16xf32, #tpu.memory_space<vmem_shared>>) dst(%dma_wait3A_42 : memref<1284x16xf32, #tpu.memory_space<hbm>>)
      tpu.yield
    }) : () -> ()
    return
  }
}

module attributes {stable_mosaic.version = 14 : i64} {
  func.func @_tc_gru_body(%arg0: i32, %arg1: memref<1x1280x64xf32, #tpu.memory_space<vmem>>, %arg2: memref<1x1280x64xf32, #tpu.memory_space<vmem>>, %arg3: memref<1x1280x64xf32, #tpu.memory_space<vmem>>, %arg4: memref<1x1280x64xf32, #tpu.memory_space<vmem>>, %arg5: memref<1x1280x16xf32, #tpu.memory_space<vmem>>, %arg6: memref<1x1280x16xf32, #tpu.memory_space<vmem>>, %arg7: memref<1x1280x16xf32, #tpu.memory_space<vmem>>, %arg8: memref<1x1280x16xf32, #tpu.memory_space<vmem>>, %arg9: memref<1x1280x64xf32, #tpu.memory_space<vmem>>, %arg10: memref<1x1280x64xf32, #tpu.memory_space<vmem>>, %arg11: memref<2x128x128xf32, #tpu.memory_space<vmem>>, %arg12: memref<2x128xf32, #tpu.memory_space<vmem>>, %arg13: memref<128x384xf32, #tpu.memory_space<vmem>>, %arg14: memref<128x384xf32, #tpu.memory_space<vmem>>, %arg15: memref<1x384xf32, #tpu.memory_space<vmem>>, %arg16: memref<1x384xf32, #tpu.memory_space<vmem>>, %arg17: memref<2x1280x64xf32, #tpu.memory_space<vmem>>) attributes {dimension_semantics = [#tpu.dimension_semantics<arbitrary>], iteration_bounds = array<i64: 8>, scalar_prefetch = 0 : i64, scratch_operands = 0 : i64, tpu.core_type = #tpu.core_type<tc>, window_params = [{transform_indices = @transform_0, window_bounds = array<i64: 1, 1280, 64>}, {transform_indices = @transform_1, window_bounds = array<i64: 1, 1280, 64>}, {transform_indices = @transform_2, window_bounds = array<i64: 1, 1280, 64>}, {transform_indices = @transform_3, window_bounds = array<i64: 1, 1280, 64>}, {transform_indices = @transform_4, window_bounds = array<i64: 1, 1280, 16>}, {transform_indices = @transform_5, window_bounds = array<i64: 1, 1280, 16>}, {transform_indices = @transform_6, window_bounds = array<i64: 1, 1280, 16>}, {transform_indices = @transform_7, window_bounds = array<i64: 1, 1280, 16>}, {transform_indices = @transform_8, window_bounds = array<i64: 1, 1280, 64>}, {transform_indices = @transform_9, window_bounds = array<i64: 1, 1280, 64>}, {pipeline_mode = #tpu.pipeline_mode<synchronous>, transform_indices = @transform_10, window_bounds = array<i64: 2, 128, 128>}, {pipeline_mode = #tpu.pipeline_mode<synchronous>, transform_indices = @transform_11, window_bounds = array<i64: 2, 128>}, {pipeline_mode = #tpu.pipeline_mode<synchronous>, transform_indices = @transform_12, window_bounds = array<i64: 128, 384>}, {pipeline_mode = #tpu.pipeline_mode<synchronous>, transform_indices = @transform_13, window_bounds = array<i64: 128, 384>}, {pipeline_mode = #tpu.pipeline_mode<synchronous>, transform_indices = @transform_14, window_bounds = array<i64: 1, 384>}, {pipeline_mode = #tpu.pipeline_mode<synchronous>, transform_indices = @transform_15, window_bounds = array<i64: 1, 384>}, {transform_indices = @transform_16, window_bounds = array<i64: 2, 1280, 64>}]} {
    %get3A = arith.constant 0 : index
    %get3A_0 = arith.constant 0 : index
    %get3A_1 = arith.constant 0 : index
    %get3A_2 = vector.load %arg11[%get3A, %get3A_0, %get3A_1] : memref<2x128x128xf32, #tpu.memory_space<vmem>>, vector<1x128x128xf32>
    %get3A_3 = vector.shape_cast %get3A_2 : vector<1x128x128xf32> to vector<128x128xf32>
    %get3A_4 = arith.constant 1 : index
    %get3A_5 = arith.constant 0 : index
    %get3A_6 = arith.constant 0 : index
    %get3A_7 = vector.load %arg11[%get3A_4, %get3A_5, %get3A_6] : memref<2x128x128xf32, #tpu.memory_space<vmem>>, vector<1x128x128xf32>
    %get3A_8 = vector.shape_cast %get3A_7 : vector<1x128x128xf32> to vector<128x128xf32>
    %get3A_9 = arith.constant 0 : index
    %get3A_10 = arith.constant 0 : index
    %get3A_11 = arith.constant 0 : index
    %get3A_12 = vector.load %arg5[%get3A_9, %get3A_10, %get3A_11] : memref<1x1280x16xf32, #tpu.memory_space<vmem>>, vector<1x1280x16xf32>
    %get3A_13 = vector.shape_cast %get3A_12 : vector<1x1280x16xf32> to vector<1280x16xf32>
    %get3A_14 = arith.constant 0 : index
    %get3A_15 = arith.constant 0 : index
    %get3A_16 = arith.constant 0 : index
    %get3A_17 = vector.load %arg6[%get3A_14, %get3A_15, %get3A_16] : memref<1x1280x16xf32, #tpu.memory_space<vmem>>, vector<1x1280x16xf32>
    %get3A_18 = vector.shape_cast %get3A_17 : vector<1x1280x16xf32> to vector<1280x16xf32>
    %add3A = arith.addf %get3A_13, %get3A_18 : vector<1280x16xf32>
    %get3A_19 = arith.constant 0 : index
    %get3A_20 = arith.constant 0 : index
    %get3A_21 = arith.constant 0 : index
    %get3A_22 = vector.load %arg7[%get3A_19, %get3A_20, %get3A_21] : memref<1x1280x16xf32, #tpu.memory_space<vmem>>, vector<1x1280x16xf32>
    %get3A_23 = vector.shape_cast %get3A_22 : vector<1x1280x16xf32> to vector<1280x16xf32>
    %get3A_24 = arith.constant 0 : index
    %get3A_25 = arith.constant 0 : index
    %get3A_26 = arith.constant 0 : index
    %get3A_27 = vector.load %arg8[%get3A_24, %get3A_25, %get3A_26] : memref<1x1280x16xf32, #tpu.memory_space<vmem>>, vector<1x1280x16xf32>
    %get3A_28 = vector.shape_cast %get3A_27 : vector<1x1280x16xf32> to vector<1280x16xf32>
    %add3A_29 = arith.addf %get3A_23, %get3A_28 : vector<1280x16xf32>
    %get3A_30 = arith.constant 0 : index
    %get3A_31 = arith.constant 0 : index
    %get3A_32 = arith.constant 0 : index
    %get3A_33 = vector.load %arg1[%get3A_30, %get3A_31, %get3A_32] : memref<1x1280x64xf32, #tpu.memory_space<vmem>>, vector<1x1280x64xf32>
    %get3A_34 = vector.shape_cast %get3A_33 : vector<1x1280x64xf32> to vector<1280x64xf32>
    %slice3A = vector.extract_strided_slice %get3A_3 {offsets = [0, 0], sizes = [64, 128], strides = [1, 1]} : vector<128x128xf32> to vector<64x128xf32>
    %dot_general3A = arith.constant dense<0.000000e+00> : vector<1280x128xf32>
    %dot_general3A_35 = tpu.matmul %get3A_34, %slice3A, %dot_general3A {dimension_numbers = #tpu.dot_dimension_numbers<[1], [0], [0], [1], [0, 0, 1, 1], [], []>, transpose_lhs_hint = false} : vector<1280x64xf32>, vector<64x128xf32>, vector<1280x128xf32> -> vector<1280x128xf32>
    %get3A_36 = arith.constant 0 : index
    %get3A_37 = arith.constant 0 : index
    %get3A_38 = arith.constant 0 : index
    %get3A_39 = vector.load %arg3[%get3A_36, %get3A_37, %get3A_38] : memref<1x1280x64xf32, #tpu.memory_space<vmem>>, vector<1x1280x64xf32>
    %get3A_40 = vector.shape_cast %get3A_39 : vector<1x1280x64xf32> to vector<1280x64xf32>
    %slice3A_41 = vector.extract_strided_slice %get3A_3 {offsets = [64, 0], sizes = [64, 128], strides = [1, 1]} : vector<128x128xf32> to vector<64x128xf32>
    %dot_general3A_42 = arith.constant dense<0.000000e+00> : vector<1280x128xf32>
    %dot_general3A_43 = tpu.matmul %get3A_40, %slice3A_41, %dot_general3A_42 {dimension_numbers = #tpu.dot_dimension_numbers<[1], [0], [0], [1], [0, 0, 1, 1], [], []>, transpose_lhs_hint = false} : vector<1280x64xf32>, vector<64x128xf32>, vector<1280x128xf32> -> vector<1280x128xf32>
    %add3A_44 = arith.addf %dot_general3A_35, %dot_general3A_43 : vector<1280x128xf32>
    %get3A_45 = arith.constant 0 : index
    %get3A_46 = arith.constant 0 : index
    %get3A_47 = arith.constant 0 : index
    %get3A_48 = vector.load %arg2[%get3A_45, %get3A_46, %get3A_47] : memref<1x1280x64xf32, #tpu.memory_space<vmem>>, vector<1x1280x64xf32>
    %get3A_49 = vector.shape_cast %get3A_48 : vector<1x1280x64xf32> to vector<1280x64xf32>
    %slice3A_50 = vector.extract_strided_slice %get3A_8 {offsets = [0, 0], sizes = [64, 128], strides = [1, 1]} : vector<128x128xf32> to vector<64x128xf32>
    %dot_general3A_51 = arith.constant dense<0.000000e+00> : vector<1280x128xf32>
    %dot_general3A_52 = tpu.matmul %get3A_49, %slice3A_50, %dot_general3A_51 {dimension_numbers = #tpu.dot_dimension_numbers<[1], [0], [0], [1], [0, 0, 1, 1], [], []>, transpose_lhs_hint = false} : vector<1280x64xf32>, vector<64x128xf32>, vector<1280x128xf32> -> vector<1280x128xf32>
    %add3A_53 = arith.addf %add3A_44, %dot_general3A_52 : vector<1280x128xf32>
    %get3A_54 = arith.constant 0 : index
    %get3A_55 = arith.constant 0 : index
    %get3A_56 = arith.constant 0 : index
    %get3A_57 = vector.load %arg4[%get3A_54, %get3A_55, %get3A_56] : memref<1x1280x64xf32, #tpu.memory_space<vmem>>, vector<1x1280x64xf32>
    %get3A_58 = vector.shape_cast %get3A_57 : vector<1x1280x64xf32> to vector<1280x64xf32>
    %slice3A_59 = vector.extract_strided_slice %get3A_8 {offsets = [64, 0], sizes = [64, 128], strides = [1, 1]} : vector<128x128xf32> to vector<64x128xf32>
    %dot_general3A_60 = arith.constant dense<0.000000e+00> : vector<1280x128xf32>
    %dot_general3A_61 = tpu.matmul %get3A_58, %slice3A_59, %dot_general3A_60 {dimension_numbers = #tpu.dot_dimension_numbers<[1], [0], [0], [1], [0, 0, 1, 1], [], []>, transpose_lhs_hint = false} : vector<1280x64xf32>, vector<64x128xf32>, vector<1280x128xf32> -> vector<1280x128xf32>
    %add3A_62 = arith.addf %add3A_53, %dot_general3A_61 : vector<1280x128xf32>
    %slice3A_63 = vector.extract_strided_slice %add3A {offsets = [0, 0], sizes = [1280, 1], strides = [1, 1]} : vector<1280x16xf32> to vector<1280x1xf32>
    %get3A_64 = arith.constant 0 : index
    %get3A_65 = arith.constant 0 : index
    %get3A_66 = vector.load %arg12[%get3A_64, %get3A_65] : memref<2x128xf32, #tpu.memory_space<vmem>>, vector<1x128xf32>
    %mul3A = vector.broadcast %slice3A_63 : vector<1280x1xf32> to vector<1280x128xf32>
    %mul3A_67 = vector.broadcast %get3A_66 : vector<1x128xf32> to vector<1280x128xf32>
    %mul3A_68 = arith.mulf %mul3A, %mul3A_67 : vector<1280x128xf32>
    %add3A_69 = arith.addf %add3A_62, %mul3A_68 : vector<1280x128xf32>
    %slice3A_70 = vector.extract_strided_slice %add3A_29 {offsets = [0, 0], sizes = [1280, 1], strides = [1, 1]} : vector<1280x16xf32> to vector<1280x1xf32>
    %get3A_71 = arith.constant 1 : index
    %get3A_72 = arith.constant 0 : index
    %get3A_73 = vector.load %arg12[%get3A_71, %get3A_72] : memref<2x128xf32, #tpu.memory_space<vmem>>, vector<1x128xf32>
    %mul3A_74 = vector.broadcast %slice3A_70 : vector<1280x1xf32> to vector<1280x128xf32>
    %mul3A_75 = vector.broadcast %get3A_73 : vector<1x128xf32> to vector<1280x128xf32>
    %mul3A_76 = arith.mulf %mul3A_74, %mul3A_75 : vector<1280x128xf32>
    %add3A_77 = arith.addf %add3A_69, %mul3A_76 : vector<1280x128xf32>
    %get3A_78 = arith.constant 0 : index
    %get3A_79 = arith.constant 0 : index
    %get3A_80 = arith.constant 0 : index
    %get3A_81 = vector.load %arg9[%get3A_78, %get3A_79, %get3A_80] : memref<1x1280x64xf32, #tpu.memory_space<vmem>>, vector<1x1280x64xf32>
    %get3A_82 = vector.shape_cast %get3A_81 : vector<1x1280x64xf32> to vector<1280x64xf32>
    %get3A_83 = arith.constant 0 : index
    %get3A_84 = arith.constant 0 : index
    %get3A_85 = arith.constant 0 : index
    %get3A_86 = vector.load %arg10[%get3A_83, %get3A_84, %get3A_85] : memref<1x1280x64xf32, #tpu.memory_space<vmem>>, vector<1x1280x64xf32>
    %get3A_87 = vector.shape_cast %get3A_86 : vector<1x1280x64xf32> to vector<1280x64xf32>
    %concatenate3A = tpu.concatenate %get3A_82, %get3A_87 in 1 : vector<1280x64xf32>, vector<1280x64xf32> -> vector<1280x128xf32>
    %get3A_88 = arith.constant 0 : index
    %get3A_89 = arith.constant 0 : index
    %get3A_90 = vector.load %arg13[%get3A_88, %get3A_89] : memref<128x384xf32, #tpu.memory_space<vmem>>, vector<128x384xf32>
    %dot_general3A_91 = arith.constant dense<0.000000e+00> : vector<1280x384xf32>
    %dot_general3A_92 = tpu.matmul %add3A_77, %get3A_90, %dot_general3A_91 {dimension_numbers = #tpu.dot_dimension_numbers<[1], [0], [0], [1], [0, 0, 1, 1], [], []>, transpose_lhs_hint = false} : vector<1280x128xf32>, vector<128x384xf32>, vector<1280x384xf32> -> vector<1280x384xf32>
    %get3A_93 = arith.constant 0 : index
    %get3A_94 = arith.constant 0 : index
    %get3A_95 = vector.load %arg15[%get3A_93, %get3A_94] : memref<1x384xf32, #tpu.memory_space<vmem>>, vector<1x384xf32>
    %add3A_96 = vector.broadcast %get3A_95 : vector<1x384xf32> to vector<1280x384xf32>
    %add3A_97 = arith.addf %dot_general3A_92, %add3A_96 : vector<1280x384xf32>
    %get3A_98 = arith.constant 0 : index
    %get3A_99 = arith.constant 0 : index
    %get3A_100 = vector.load %arg14[%get3A_98, %get3A_99] : memref<128x384xf32, #tpu.memory_space<vmem>>, vector<128x384xf32>
    %dot_general3A_101 = arith.constant dense<0.000000e+00> : vector<1280x384xf32>
    %dot_general3A_102 = tpu.matmul %concatenate3A, %get3A_100, %dot_general3A_101 {dimension_numbers = #tpu.dot_dimension_numbers<[1], [0], [0], [1], [0, 0, 1, 1], [], []>, transpose_lhs_hint = false} : vector<1280x128xf32>, vector<128x384xf32>, vector<1280x384xf32> -> vector<1280x384xf32>
    %get3A_103 = arith.constant 0 : index
    %get3A_104 = arith.constant 0 : index
    %get3A_105 = vector.load %arg16[%get3A_103, %get3A_104] : memref<1x384xf32, #tpu.memory_space<vmem>>, vector<1x384xf32>
    %add3A_106 = vector.broadcast %get3A_105 : vector<1x384xf32> to vector<1280x384xf32>
    %add3A_107 = arith.addf %dot_general3A_102, %add3A_106 : vector<1280x384xf32>
    %slice3A_108 = vector.extract_strided_slice %add3A_97 {offsets = [0, 0], sizes = [1280, 128], strides = [1, 1]} : vector<1280x384xf32> to vector<1280x128xf32>
    %slice3A_109 = vector.extract_strided_slice %add3A_107 {offsets = [0, 0], sizes = [1280, 128], strides = [1, 1]} : vector<1280x384xf32> to vector<1280x128xf32>
    %add3A_110 = arith.addf %slice3A_108, %slice3A_109 : vector<1280x128xf32>
    %logistic3A = arith.negf %add3A_110 : vector<1280x128xf32>
    %logistic3A_111 = math.exp %logistic3A : vector<1280x128xf32>
    %logistic3A_112 = arith.constant 1.000000e+00 : f32
    %logistic3A_113 = vector.broadcast %logistic3A_112 : f32 to vector<1280x128xf32>
    %logistic3A_114 = arith.addf %logistic3A_113, %logistic3A_111 : vector<1280x128xf32>
    %logistic3A_115 = arith.divf %logistic3A_113, %logistic3A_114 : vector<1280x128xf32>
    %slice3A_116 = vector.extract_strided_slice %add3A_97 {offsets = [0, 128], sizes = [1280, 128], strides = [1, 1]} : vector<1280x384xf32> to vector<1280x128xf32>
    %slice3A_117 = vector.extract_strided_slice %add3A_107 {offsets = [0, 128], sizes = [1280, 128], strides = [1, 1]} : vector<1280x384xf32> to vector<1280x128xf32>
    %add3A_118 = arith.addf %slice3A_116, %slice3A_117 : vector<1280x128xf32>
    %logistic3A_119 = arith.negf %add3A_118 : vector<1280x128xf32>
    %logistic3A_120 = math.exp %logistic3A_119 : vector<1280x128xf32>
    %logistic3A_121 = arith.constant 1.000000e+00 : f32
    %logistic3A_122 = vector.broadcast %logistic3A_121 : f32 to vector<1280x128xf32>
    %logistic3A_123 = arith.addf %logistic3A_122, %logistic3A_120 : vector<1280x128xf32>
    %logistic3A_124 = arith.divf %logistic3A_122, %logistic3A_123 : vector<1280x128xf32>
    %slice3A_125 = vector.extract_strided_slice %add3A_97 {offsets = [0, 256], sizes = [1280, 128], strides = [1, 1]} : vector<1280x384xf32> to vector<1280x128xf32>
    %slice3A_126 = vector.extract_strided_slice %add3A_107 {offsets = [0, 256], sizes = [1280, 128], strides = [1, 1]} : vector<1280x384xf32> to vector<1280x128xf32>
    %mul3A_127 = arith.mulf %logistic3A_124, %slice3A_126 : vector<1280x128xf32>
    %add3A_128 = arith.addf %slice3A_125, %mul3A_127 : vector<1280x128xf32>
    %tanh3A = math.tanh %add3A_128 : vector<1280x128xf32>
    %mul3A_129 = arith.mulf %logistic3A_115, %concatenate3A : vector<1280x128xf32>
    %sub3A = arith.constant 1.000000e+00 : f32
    %sub3A_130 = vector.broadcast %sub3A : f32 to vector<1280x128xf32>
    %sub3A_131 = arith.subf %sub3A_130, %logistic3A_115 : vector<1280x128xf32>
    %mul3A_132 = arith.mulf %sub3A_131, %tanh3A : vector<1280x128xf32>
    %add3A_133 = arith.addf %mul3A_129, %mul3A_132 : vector<1280x128xf32>
    %slice3A_134 = vector.extract_strided_slice %add3A_133 {offsets = [0, 0], sizes = [1280, 64], strides = [1, 1]} : vector<1280x128xf32> to vector<1280x64xf32>
    %swap3A = arith.constant 0 : index
    %swap3A_135 = arith.constant 0 : index
    %swap3A_136 = arith.constant 0 : index
    %swap3A_137 = vector.load %arg17[%swap3A, %swap3A_135, %swap3A_136] : memref<2x1280x64xf32, #tpu.memory_space<vmem>>, vector<1x1280x64xf32>
    %swap3A_138 = vector.shape_cast %swap3A_137 : vector<1x1280x64xf32> to vector<1280x64xf32>
    %swap3A_139 = vector.shape_cast %slice3A_134 : vector<1280x64xf32> to vector<1x1280x64xf32>
    tpu.vector_store %arg17[%swap3A, %swap3A_135, %swap3A_136], %swap3A_139 {strides = array<i32>} : memref<2x1280x64xf32, #tpu.memory_space<vmem>>, vector<1x1280x64xf32>,
    %slice3A_140 = vector.extract_strided_slice %add3A_133 {offsets = [0, 64], sizes = [1280, 64], strides = [1, 1]} : vector<1280x128xf32> to vector<1280x64xf32>
    %swap3A_141 = arith.constant 1 : index
    %swap3A_142 = arith.constant 0 : index
    %swap3A_143 = arith.constant 0 : index
    %swap3A_144 = vector.load %arg17[%swap3A_141, %swap3A_142, %swap3A_143] : memref<2x1280x64xf32, #tpu.memory_space<vmem>>, vector<1x1280x64xf32>
    %swap3A_145 = vector.shape_cast %swap3A_144 : vector<1x1280x64xf32> to vector<1280x64xf32>
    %swap3A_146 = vector.shape_cast %slice3A_140 : vector<1280x64xf32> to vector<1x1280x64xf32>
    tpu.vector_store %arg17[%swap3A_141, %swap3A_142, %swap3A_143], %swap3A_146 {strides = array<i32>} : memref<2x1280x64xf32, #tpu.memory_space<vmem>>, vector<1x1280x64xf32>,
    return
  }
  func.func @transform_0(%arg0: i32) -> (i32, i32, i32) {
    %c0_i32 = arith.constant 0 : i32
    %c0_i32_0 = arith.constant 0 : i32
    %c0_i32_1 = arith.constant 0 : i32
    return %c0_i32, %arg0, %c0_i32_0 : i32, i32, i32
  }
  func.func @transform_1(%arg0: i32) -> (i32, i32, i32) {
    %add3A = arith.constant 8 : i32
    %add3A_0 = arith.addi %arg0, %add3A : i32
    %c0_i32 = arith.constant 0 : i32
    %c0_i32_1 = arith.constant 0 : i32
    %c0_i32_2 = arith.constant 0 : i32
    return %c0_i32, %add3A_0, %c0_i32_1 : i32, i32, i32
  }
  func.func @transform_2(%arg0: i32) -> (i32, i32, i32) {
    %c1_i32 = arith.constant 1 : i32
    %c0_i32 = arith.constant 0 : i32
    %c0_i32_0 = arith.constant 0 : i32
    return %c1_i32, %arg0, %c0_i32 : i32, i32, i32
  }
  func.func @transform_3(%arg0: i32) -> (i32, i32, i32) {
    %add3A = arith.constant 8 : i32
    %add3A_0 = arith.addi %arg0, %add3A : i32
    %c1_i32 = arith.constant 1 : i32
    %c0_i32 = arith.constant 0 : i32
    %c0_i32_1 = arith.constant 0 : i32
    return %c1_i32, %add3A_0, %c0_i32 : i32, i32, i32
  }
  func.func @transform_4(%arg0: i32) -> (i32, i32, i32) {
    %c0_i32 = arith.constant 0 : i32
    %c0_i32_0 = arith.constant 0 : i32
    %c0_i32_1 = arith.constant 0 : i32
    return %c0_i32, %arg0, %c0_i32_0 : i32, i32, i32
  }
  func.func @transform_5(%arg0: i32) -> (i32, i32, i32) {
    %c1_i32 = arith.constant 1 : i32
    %c0_i32 = arith.constant 0 : i32
    %c0_i32_0 = arith.constant 0 : i32
    return %c1_i32, %arg0, %c0_i32 : i32, i32, i32
  }
  func.func @transform_6(%arg0: i32) -> (i32, i32, i32) {
    %add3A = arith.constant 8 : i32
    %add3A_0 = arith.addi %arg0, %add3A : i32
    %c0_i32 = arith.constant 0 : i32
    %c0_i32_1 = arith.constant 0 : i32
    %c0_i32_2 = arith.constant 0 : i32
    return %c0_i32, %add3A_0, %c0_i32_1 : i32, i32, i32
  }
  func.func @transform_7(%arg0: i32) -> (i32, i32, i32) {
    %add3A = arith.constant 8 : i32
    %add3A_0 = arith.addi %arg0, %add3A : i32
    %c1_i32 = arith.constant 1 : i32
    %c0_i32 = arith.constant 0 : i32
    %c0_i32_1 = arith.constant 0 : i32
    return %c1_i32, %add3A_0, %c0_i32 : i32, i32, i32
  }
  func.func @transform_8(%arg0: i32) -> (i32, i32, i32) {
    %c0_i32 = arith.constant 0 : i32
    %c0_i32_0 = arith.constant 0 : i32
    %c0_i32_1 = arith.constant 0 : i32
    return %c0_i32, %arg0, %c0_i32_0 : i32, i32, i32
  }
  func.func @transform_9(%arg0: i32) -> (i32, i32, i32) {
    %c1_i32 = arith.constant 1 : i32
    %c0_i32 = arith.constant 0 : i32
    %c0_i32_0 = arith.constant 0 : i32
    return %c1_i32, %arg0, %c0_i32 : i32, i32, i32
  }
  func.func @transform_10(%arg0: i32) -> (i32, i32, i32) {
    %c0_i32 = arith.constant 0 : i32
    %c0_i32_0 = arith.constant 0 : i32
    %c0_i32_1 = arith.constant 0 : i32
    %c0_i32_2 = arith.constant 0 : i32
    return %c0_i32, %c0_i32_0, %c0_i32_1 : i32, i32, i32
  }
  func.func @transform_11(%arg0: i32) -> (i32, i32) {
    %c0_i32 = arith.constant 0 : i32
    %c0_i32_0 = arith.constant 0 : i32
    %c0_i32_1 = arith.constant 0 : i32
    return %c0_i32, %c0_i32_0 : i32, i32
  }
  func.func @transform_12(%arg0: i32) -> (i32, i32) {
    %c0_i32 = arith.constant 0 : i32
    %c0_i32_0 = arith.constant 0 : i32
    %c0_i32_1 = arith.constant 0 : i32
    return %c0_i32, %c0_i32_0 : i32, i32
  }
  func.func @transform_13(%arg0: i32) -> (i32, i32) {
    %c0_i32 = arith.constant 0 : i32
    %c0_i32_0 = arith.constant 0 : i32
    %c0_i32_1 = arith.constant 0 : i32
    return %c0_i32, %c0_i32_0 : i32, i32
  }
  func.func @transform_14(%arg0: i32) -> (i32, i32) {
    %c0_i32 = arith.constant 0 : i32
    %c0_i32_0 = arith.constant 0 : i32
    %c0_i32_1 = arith.constant 0 : i32
    return %c0_i32, %c0_i32_0 : i32, i32
  }
  func.func @transform_15(%arg0: i32) -> (i32, i32) {
    %c0_i32 = arith.constant 0 : i32
    %c0_i32_0 = arith.constant 0 : i32
    %c0_i32_1 = arith.constant 0 : i32
    return %c0_i32, %c0_i32_0 : i32, i32
  }
  func.func @transform_16(%arg0: i32) -> (i32, i32, i32) {
    %c0_i32 = arith.constant 0 : i32
    %c0_i32_0 = arith.constant 0 : i32
    %c0_i32_1 = arith.constant 0 : i32
    return %c0_i32, %arg0, %c0_i32_0 : i32, i32, i32
  }
}

module attributes {stable_mosaic.version = 14 : i64} {
  func.func @_tc_att_body(%arg0: memref<2x10240x64xf32, #tpu.memory_space<vmem>>, %arg1: memref<128x1xf32, #tpu.memory_space<vmem>>, %arg2: memref<1x1xf32, #tpu.memory_space<vmem>>, %arg3: memref<128x128xf32, #tpu.memory_space<vmem>>, %arg4: memref<100x128xf32, #tpu.memory_space<vmem>>) attributes {dimension_semantics = [], scalar_prefetch = 0 : i64, scratch_operands = 0 : i64, tpu.core_type = #tpu.core_type<tc>} {
    %get3A = arith.constant 0 : index
    %get3A_0 = arith.constant 0 : index
    %get3A_1 = arith.constant 0 : index
    %get3A_2 = vector.load %arg0[%get3A, %get3A_0, %get3A_1] : memref<2x10240x64xf32, #tpu.memory_space<vmem>>, vector<1x10000x64xf32>
    %get3A_3 = vector.shape_cast %get3A_2 : vector<1x10000x64xf32> to vector<10000x64xf32>
    %get3A_4 = arith.constant 1 : index
    %get3A_5 = arith.constant 0 : index
    %get3A_6 = arith.constant 0 : index
    %get3A_7 = vector.load %arg0[%get3A_4, %get3A_5, %get3A_6] : memref<2x10240x64xf32, #tpu.memory_space<vmem>>, vector<1x10000x64xf32>
    %get3A_8 = vector.shape_cast %get3A_7 : vector<1x10000x64xf32> to vector<10000x64xf32>
    %concatenate3A = tpu.concatenate %get3A_3, %get3A_8 in 1 : vector<10000x64xf32>, vector<10000x64xf32> -> vector<10000x128xf32>
    %get3A_9 = arith.constant 0 : index
    %get3A_10 = arith.constant 0 : index
    %get3A_11 = vector.load %arg1[%get3A_9, %get3A_10] : memref<128x1xf32, #tpu.memory_space<vmem>>, vector<128x1xf32>
    %dot_general3A = arith.constant dense<0.000000e+00> : vector<10000x1xf32>
    %dot_general3A_12 = tpu.matmul %concatenate3A, %get3A_11, %dot_general3A {dimension_numbers = #tpu.dot_dimension_numbers<[1], [0], [0], [1], [0, 0, 1, 1], [], []>, transpose_lhs_hint = false} : vector<10000x128xf32>, vector<128x1xf32>, vector<10000x1xf32> -> vector<10000x1xf32>
    %get3A_13 = arith.constant 0 : index
    %get3A_14 = arith.constant 0 : index
    %get3A_15 = vector.load %arg2[%get3A_13, %get3A_14] : memref<1x1xf32, #tpu.memory_space<vmem>>, vector<1x1xf32>
    %get3A_16 = vector.extract %get3A_15[0, 0] : f32 from vector<1x1xf32>
    %add3A = vector.broadcast %get3A_16 : f32 to vector<10000x1xf32>
    %add3A_17 = arith.addf %dot_general3A_12, %add3A : vector<10000x1xf32>
    %reduce_max3A = vector.shape_cast %add3A_17 : vector<10000x1xf32> to vector<1x10000x1xf32>
    %reduce_max3A_18 = arith.constant dense<0xFF800000> : vector<1xf32>
    %reduce_max3A_19 = vector.multi_reduction <maximumf>, %reduce_max3A, %reduce_max3A_18 [1, 2] : vector<1x10000x1xf32> to vector<1xf32>
    %reduce_max3A_20 = vector.shape_cast %reduce_max3A_19 : vector<1xf32> to vector<1x1x1xf32>
    %reduce_max3A_21 = vector.extract %reduce_max3A_20[0, 0, 0] : f32 from vector<1x1x1xf32>
    %sub3A = vector.broadcast %reduce_max3A_21 : f32 to vector<10000x1xf32>
    %sub3A_22 = arith.subf %add3A_17, %sub3A : vector<10000x1xf32>
    %exp3A = math.exp %sub3A_22 : vector<10000x1xf32>
    %iota3A = tpu.iota {dimensions = array<i32: 1>} : vector<100x10000xi32>
    %jit3A = arith.constant 100 : i32
    %div3A = vector.broadcast %jit3A : i32 to vector<100x10000xi32>
    %div3A_23 = arith.divsi %iota3A, %div3A : vector<100x10000xi32>
    %sign3A = arith.constant 0 : i32
    %sign3A_24 = vector.broadcast %sign3A : i32 to vector<100x10000xi32>
    %sign3A_25 = arith.cmpi sgt, %iota3A, %sign3A_24 : vector<100x10000xi32>
    %sign3A_26 = arith.extui %sign3A_25 : vector<100x10000xi1> to vector<100x10000xi32>
    %sign3A_27 = arith.constant 0 : i32
    %sign3A_28 = vector.broadcast %sign3A_27 : i32 to vector<100x10000xi32>
    %sign3A_29 = arith.cmpi slt, %iota3A, %sign3A_28 : vector<100x10000xi32>
    %sign3A_30 = arith.extui %sign3A_29 : vector<100x10000xi1> to vector<100x10000xi32>
    %sign3A_31 = arith.subi %sign3A_26, %sign3A_30 : vector<100x10000xi32>
    %sign3A_32 = arith.constant 0 : i32
    %sign3A_33 = arith.cmpi sgt, %jit3A, %sign3A_32 : i32
    %sign3A_34 = arith.extui %sign3A_33 : i1 to i32
    %sign3A_35 = arith.constant 0 : i32
    %sign3A_36 = arith.cmpi slt, %jit3A, %sign3A_35 : i32
    %sign3A_37 = arith.extui %sign3A_36 : i1 to i32
    %sign3A_38 = arith.subi %sign3A_34, %sign3A_37 : i32
    %ne3A = vector.broadcast %sign3A_38 : i32 to vector<100x10000xi32>
    %ne3A_39 = arith.cmpi ne, %sign3A_31, %ne3A : vector<100x10000xi32>
    %rem3A = vector.broadcast %jit3A : i32 to vector<100x10000xi32>
    %rem3A_40 = arith.remsi %iota3A, %rem3A : vector<100x10000xi32>
    %ne3A_41 = arith.constant 0 : i32
    %ne3A_42 = vector.broadcast %ne3A_41 : i32 to vector<100x10000xi32>
    %ne3A_43 = arith.cmpi ne, %rem3A_40, %ne3A_42 : vector<100x10000xi32>
    %and3A = arith.andi %ne3A_39, %ne3A_43 : vector<100x10000xi1>
    %sub3A_44 = arith.constant 1 : i32
    %sub3A_45 = vector.broadcast %sub3A_44 : i32 to vector<100x10000xi32>
    %sub3A_46 = arith.subi %div3A_23, %sub3A_45 : vector<100x10000xi32>
    %select_n3A = arith.select %and3A, %sub3A_46, %div3A_23 : vector<100x10000xi1>, vector<100x10000xi32>
    %iota3A_47 = tpu.iota {dimensions = array<i32: 0>} : vector<100x10000xi32>
    %eq3A = arith.cmpi eq, %select_n3A, %iota3A_47 : vector<100x10000xi32>
    %convert_element_type3A = arith.extui %eq3A : vector<100x10000xi1> to vector<100x10000xi32>
    %convert_element_type3A_48 = arith.sitofp %convert_element_type3A : vector<100x10000xi32> to vector<100x10000xf32>
    %dot_general3A_49 = arith.constant dense<0.000000e+00> : vector<100x1xf32>
    %dot_general3A_50 = tpu.matmul %convert_element_type3A_48, %exp3A, %dot_general3A_49 {dimension_numbers = #tpu.dot_dimension_numbers<[1], [0], [0], [1], [0, 0, 1, 1], [], []>, transpose_lhs_hint = false} : vector<100x10000xf32>, vector<10000x1xf32>, vector<100x1xf32> -> vector<100x1xf32>
    %get3A_51 = arith.constant 0 : index
    %get3A_52 = arith.constant 0 : index
    %get3A_53 = vector.load %arg3[%get3A_51, %get3A_52] : memref<128x128xf32, #tpu.memory_space<vmem>>, vector<128x128xf32>
    %dot_general3A_54 = arith.constant dense<0.000000e+00> : vector<10000x128xf32>
    %dot_general3A_55 = tpu.matmul %concatenate3A, %get3A_53, %dot_general3A_54 {dimension_numbers = #tpu.dot_dimension_numbers<[1], [0], [0], [1], [0, 0, 1, 1], [], []>, transpose_lhs_hint = false} : vector<10000x128xf32>, vector<128x128xf32>, vector<10000x128xf32> -> vector<10000x128xf32>
    %tanh3A = math.tanh %dot_general3A_55 : vector<10000x128xf32>
    %mul3A = vector.broadcast %exp3A : vector<10000x1xf32> to vector<10000x128xf32>
    %mul3A_56 = arith.mulf %mul3A, %tanh3A : vector<10000x128xf32>
    %dot_general3A_57 = arith.constant dense<0.000000e+00> : vector<100x128xf32>
    %dot_general3A_58 = tpu.matmul %convert_element_type3A_48, %mul3A_56, %dot_general3A_57 {dimension_numbers = #tpu.dot_dimension_numbers<[1], [0], [0], [1], [0, 0, 1, 1], [], []>, transpose_lhs_hint = false} : vector<100x10000xf32>, vector<10000x128xf32>, vector<100x128xf32> -> vector<100x128xf32>
    %add3A_59 = arith.constant 1.000000e-16 : f32
    %add3A_60 = vector.broadcast %add3A_59 : f32 to vector<100x1xf32>
    %add3A_61 = arith.addf %dot_general3A_50, %add3A_60 : vector<100x1xf32>
    %div3A_62 = vector.broadcast %add3A_61 : vector<100x1xf32> to vector<100x128xf32>
    %div3A_63 = arith.divf %dot_general3A_58, %div3A_62 : vector<100x128xf32>
    %swap3A = arith.constant 0 : index
    %swap3A_64 = arith.constant 0 : index
    %swap3A_65 = vector.load %arg4[%swap3A, %swap3A_64] : memref<100x128xf32, #tpu.memory_space<vmem>>, vector<100x128xf32>
    tpu.vector_store %arg4[%swap3A, %swap3A_64], %div3A_63 {strides = array<i32>} : memref<100x128xf32, #tpu.memory_space<vmem>>, vector<100x128xf32>,
    return
  }
}

</mosaic_0001>

<sc_bundles>
// kernel: kernel.12.cloned.1.call-start
scs
__scs_entry_jumppad:
0x0: {  	(pc) =	sbr.rel $0x88, $3  }
0x1: {  	(tag) =	ssettag $0x0;
	lr =	simm.s32 $0x1  }
0x2: {  	[smem:$0x3F93] =	sst lr;
	_ =	strace $0xD0000000  }
0x3: {  	_ = 	snop  }
0x4: {  	_ = 	snop  }
0x5: {  	_ = 	snop  }
0x6: {  	_ = 	snop  }
0x7: {  	_ = 	snop  }
__scs_overlays_trampoline_lowered:
0x8: {  	[smem:$0x3FA2] =	sst s0  }
0x9: {  	[smem:$0x3FA3] =	sst s1  }
0xa: {  	[smem:$0x3FA4] =	sst s2  }
0xb: {  	[smem:$0x3FA5] =	sst s3  }
0xc: {  	[smem:$0x3FA6] =	sst s4  }
0xd: {  	[smem:$0x3FA7] =	sst s5  }
0xe: {  	[smem:$0x3FA8] =	sst s6  }
0xf: {  	[smem:$0x3FA9] =	sst s7  }
0x10: {  	[smem:$0x3FAA] =	sst s8  }
0x11: {  	[smem:$0x3FAB] =	sst s9;
	s0 =	simm.s32 @!p0 $0x0  }
0x12: {  	s1 =	sld [smem:$0x3F91];
	s0 =	simm.s32 @p0 $0x1  }
0x13: {  	[smem:$0x3FAC] =	sst s0;
	s0 =	simm.s32 @!p1 $0x0  }
0x14: {  	s2 =	sld [smem:$0x3F90];
	s0 =	simm.s32 @p1 $0x1  }
0x15: {  	[smem:$0x3FAD] =	sst s0;
	s0 =	simm.s32 @!p2 $0x0  }
0x16: {  	s3 =	sld [smem:$0x3FDB];
	s0 =	simm.s32 @p2 $0x1  }
0x17: {  	s4 =	simm.s32 $0x1BF5;
	[smem:$0x3FAF] =	sst s0  }
0x18: {  	s0 =	sld [smem:$0x3F92];
	_ =	swait.ge [sflag:s4], $0x0  }
0x19: {  	s7 =	sld [smem:$0x3F93]  }
0x1a: {  	s8 =	sadd.s32 $0xFFFFE003, lr  }
0x1b: {  	s9 =	sadd.s32 $0xFFFFFEF7, lr;
	s5 =	simm.s32 $0xFFFFFFFF;
	p2 =	slt.u32 s8, $0xFFFFF086  }
0x1c: {  	p1 =	slt.u32 s9, $0xF7A;
	s5 =	simm.s32 @!p2 $0x0  }
0x1d: {  	s5 =	simm.s32 @p1 $0x1;
	p0 =	seq.s32 s7, s2  }
0x1e: {  	s7 =	smul.u32 @!p0 $0xF7A, s2;
	p2 =	seq.s32 @!p0 s5, $0x0  }
0x1f: {  	s9 =	smul.u32 $0xF7A, s1;
	s8 =	simm.s32 @!p0 $0x1BF5;
	p2 =	por !p2, p0  }
0x20: {  	[sflag:s8] =	ssyncset.s32 @!p0 $0xFFFFF086;
	s6 =	sadd.s32 @!p0 s3, s7;
	s7 =	simm.s32 @!p0 $0x108  }
0x21: {  	s3 =	sadd.s32 s3, s9;
	s6 =	sadd.s32 @!p0 $0x88, s6;
	s7 =	simm.s32 @p2 $0x1082  }
0x22: {  	[simem:s7], [sflag:s8] =	dma.local @!p0 [hbm:s6], $0xF7A  }
0x23: {  	s9 =	sor.u32 $0xD0000000, s2;
	s6 =	simm.s32 $0x108;
	_ =	swait.ge @!p0 [sflag:s8], $0x0  }
0x24: {  	s3 =	sadd.s32 $0x88, s3;
	s6 =	simm.s32 @!p1 $0x1082;
	[sflag:s4] =	ssyncset.s32 $0xFFFFF086  }
0x25: {  	[simem:s6], [sflag:s4] =	dma.local [hbm:s3], $0xF7A  }
0x26: {  	[smem:$0x3F93] =	sst s1;
	(tag) =	ssettag s2;
	_ =	strace s9  }
0x27: {  	s1 =	sld [smem:$0x3FA3]  }
0x28: {  	s2 =	sld [smem:$0x3FA4]  }
0x29: {  	s4 =	sld [smem:$0x3FA6]  }
0x2a: {  	p0 =	seq.s32 s5, $0x0;
	s5 =	sld [smem:$0x3FA7]  }
0x2b: {  	s6 =	sld [smem:$0x3FA8]  }
0x2c: {  	s7 =	sld [smem:$0x3FA9]  }
0x2d: {  	s3 =	simm.s32 $0x108;
	s8 =	sld [smem:$0x3FAA]  }
0x2e: {  	s3 =	simm.s32 @!p0 $0x1082;
	s9 =	sld [smem:$0x3FAB]  }
0x2f: {  	lr =	sadd.s32 s0, s3;
	s0 =	sld [smem:$0x3FA2]  }
0x30: {  	s3 =	sld [smem:$0x3FA5]  }
0x31: {  	[smem:$0x3FAE] =	sst s10  }
0x32: {  	s10 =	sld [smem:$0x3FAC];
	_ =	sdelay $0x3  }
0x33: {  	p0 =	seq.s32 s10, $0x1;
	s10 =	sld [smem:$0x3FAE];
	_ =	sdelay $0x3  }
0x34: {  	[smem:$0x3FAE] =	sst s10  }
0x35: {  	s10 =	sld [smem:$0x3FAD];
	_ =	sdelay $0x3  }
0x36: {  	p1 =	seq.s32 s10, $0x1;
	s10 =	sld [smem:$0x3FAE];
	_ =	sdelay $0x3  }
0x37: {  	[smem:$0x3FAE] =	sst s10  }
0x38: {  	s10 =	sld [smem:$0x3FAF]  }
0x39: {  	_ = 	snop;
	(pc) =	sbr.ind lr, $3  }
0x3a: {  	_ = 	snop  }
0x3b: {  	_ = 	snop  }
0x3c: {  	p2 =	seq.s32 s10, $0x1;
	s10 =	sld [smem:$0x3FAE]  }
0x3d: {  	_ =	shalt  }
0x3e: {  	_ =	shalt  }
0x3f: {  	_ =	shalt  }
0x40: {  	_ =	shalt  }
0x41: {  	_ =	shalt  }
0x42: {  	_ =	shalt  }
0x43: {  	_ =	shalt  }
0x44: {  	_ =	shalt  }
0x45: {  	_ =	shalt  }
0x46: {  	_ =	shalt  }
0x47: {  	_ =	shalt  }
0x48: {  	_ =	shalt  }
0x49: {  	_ =	shalt  }
0x4a: {  	_ =	shalt  }
0x4b: {  	_ =	shalt  }
0x4c: {  	_ =	shalt  }
0x4d: {  	_ =	shalt  }
0x4e: {  	_ =	shalt  }
0x4f: {  	_ =	shalt  }
0x50: {  	_ =	shalt  }
0x51: {  	_ =	shalt  }
0x52: {  	_ =	shalt  }
0x53: {  	_ =	shalt  }
0x54: {  	_ =	shalt  }
0x55: {  	_ =	shalt  }
0x56: {  	_ =	shalt  }
0x57: {  	_ =	shalt  }
0x58: {  	_ =	shalt  }
0x59: {  	_ =	shalt  }
0x5a: {  	_ =	shalt  }
0x5b: {  	_ =	shalt  }
0x5c: {  	_ =	shalt  }
0x5d: {  	_ =	shalt  }
0x5e: {  	_ =	shalt  }
0x5f: {  	_ =	shalt  }
0x60: {  	_ =	shalt  }
0x61: {  	_ =	shalt  }
0x62: {  	_ =	shalt  }
0x63: {  	_ =	shalt  }
0x64: {  	_ =	shalt  }
0x65: {  	_ =	shalt  }
0x66: {  	_ =	shalt  }
0x67: {  	_ =	shalt  }
0x68: {  	_ =	shalt  }
0x69: {  	_ =	shalt  }
0x6a: {  	_ =	shalt  }
0x6b: {  	_ =	shalt  }
0x6c: {  	_ =	shalt  }
0x6d: {  	_ =	shalt  }
0x6e: {  	_ =	shalt  }
0x6f: {  	_ =	shalt  }
0x70: {  	_ =	shalt  }
0x71: {  	_ =	shalt  }
0x72: {  	_ =	shalt  }
0x73: {  	_ =	shalt  }
0x74: {  	_ =	shalt  }
0x75: {  	_ =	shalt  }
0x76: {  	_ =	shalt  }
0x77: {  	_ =	shalt  }
0x78: {  	_ =	shalt  }
0x79: {  	_ =	shalt  }
0x7a: {  	_ =	shalt  }
0x7b: {  	_ =	shalt  }
0x7c: {  	_ =	shalt  }
0x7d: {  	_ =	shalt  }
0x7e: {  	_ =	shalt  }
0x7f: {  	_ =	shalt  }
0x80: {  	_ =	shalt  }
0x81: {  	_ =	shalt  }
0x82: {  	_ =	shalt  }
0x83: {  	_ =	shalt  }
0x84: {  	_ =	shalt  }
0x85: {  	_ =	shalt  }
0x86: {  	_ =	shalt  }
0x87: {  	_ =	shalt  }
.Lfunc_end0:
.L_simem_size_0:
called_computation.1_lowered:
.L_overlay_start_0:
0x88: {  	s2 =	sld [smem:$0x3FD9]  }
0x89: {  	s3 =	sld [smem:$0x3FFE];
	_ =	sdelay $0x1  }
0x8a: {  	s1 =	srdreg.scid  }
0x8b: {  	s0 =	sand.u32 $0x1, s1  }
0x8c: {  	s17 =	sshll.u32 s0, $0xA;
	s2 =	sadd.s32 s3, s2  }
0x8d: {  	s2 =	sadd.s32 s2, s17  }
0x8e: {  	[smem:$0x3FBA] =	sst s2  }
0x8f: {  	_ = 	snop  }
0x90: {  	(tm) =	ssettm $0x1  }
0x91: {  	s18 =	sld [smem:$0x3FFB];
	_ =	sdelay $0x3  }
0x92: {  	_ =	strace s18  }
0x93: {  	s2 =	sld [smem:$0x3FFC];
	_ =	sdelay $0x3  }
0x94: {  	_ =	strace s2  }
0x95: {  	s2 =	sld [smem:$0x3FFD];
	_ =	sdelay $0x3  }
0x96: {  	_ =	strace s2  }
0x97: {  	_ =	strace $0x8FFFFFFF  }
0x98: {  	s19 =	sld [smem:$0x3FDB];
	_ =	sdelay $0x1  }
0x99: {  	s20 =	simm.s32 $_scs_section_size  }
0x9a: {  	s4 =	simm.s32 $_size__tile_overlayer_lowered;
	s5 =	simm.s32 $_tile_overlayer_lowered  }
0x9b: {  	s6 =	simm.s32 $0x1BFF;
	s21 =	sshll.u32 s5, $0x1;
	s3 =	sadd.s32 s20, s19  }
0x9c: {  	s22 =	simm.s32 $0x0;
	s4 =	sshll.u32 s4, $0x1;
	s5 =	sadd.s32 s21, s3  }
0x9d: {  	[timem:s22], [sflag:s6] =	dma.local [hbm:s5], s4  }
0x9e: {  	_ =	swait.ge [sflag:s6], s4  }
0x9f: {  	s4 =	ssub.s32 $0x0, s4;
	[sflag:s6] =	ssyncset.done $0x0  }
0xa0: {  	[sflag:s6] =	ssyncadd.s32 s4;
	_ =	sdelay $0x1  }
0xa1: {  	s23 =	simm.s32 $0x1B8B  }
0xa2: {  	_ =	swait.ge [sflag:s23], $0x1  }
0xa3: {  	[sflag:s23] =	ssyncset.done $0x0  }
0xa4: {  	[sflag:s23] =	ssyncadd.s32 $0xFFFFFFFF  }
0xa5: {  	s4 =	sld [smem:$0x0]  }
0xa6: {  	s5 =	sand.u32 $0xFFFFFFFE, s1  }
0xa7: {  	p0 =	sne.s32 s1, s5  }
0xa8: {  	s5 =	sshll.u32 @p0 s5, $0xE  }
0xa9: {  	s5 =	sadd.s32 @p0 $0x11B8D, s5;
	s6 =	sshll.u32 @p0 s4, $0x11  }
0xaa: {  	s5 =	sor.u32 @p0 s6, s5  }
0xab: {  	[sflag:s5] =	ssyncadd.remote.s32 @p0 $0x1;
	_ =	sdelay $0x1  }
0xac: {  	s5 =	simm.s32 @p0 $0x1B8D  }
0xad: {  	_ =	swait.eq @p0 [sflag:s5], $0x1  }
0xae: {  	[sflag:s5] =	ssyncadd.s32 @p0 $0xFFFFFFFF  }
0xaf: {  	s6 =	sshll.u32 @!p0 s1, $0xE  }
0xb0: {  	s6 =	sor.u32 @!p0 $0x4000, s6;
	s5 =	simm.s32 @!p0 $0x1B8D  }
0xb1: {  	s4 =	sshll.u32 @!p0 s4, $0x11;
	s6 =	sadd.s32 @!p0 $0x11B8D, s6;
	_ =	swait.eq @!p0 [sflag:s5], $0x1  }
0xb2: {  	s4 =	sor.u32 @!p0 s4, s6;
	[sflag:s5] =	ssyncadd.s32 @!p0 $0xFFFFFFFF  }
0xb3: {  	s25 =	simm.s32 $0x1B8E;
	s24 =	sld [smem:$0x3FFE];
	[sflag:s4] =	ssyncadd.remote.s32 @!p0 $0x1  }
0xb4: {  	s26 =	simm.s32 $execute0_lowered;
	[smem:$0x3FD2] =	sst s25  }
0xb5: {  	s5 =	sshll.u32 s26, $0x1;
	_ =	strace $0x80000049;
	[dreg:$0x1] =	wrdreg $0xFFFFFFFF  }
0xb6: {  	s28 =	simm.s32 $_size_execute0_lowered;
	s3 =	sadd.s32 s3, s5;
	[dreg:$0x0] =	wrdreg $0x0  }
0xb7: {  	s5 =	sshll.u32 s28, $0x1;
	[dreg:$0x2] =	wrdreg s3  }
0xb8: {  	[dreg:$0x3] =	wrdreg s5  }
0xb9: {  	[dreg:$0x4] =	wrdreg $0xC0  }
0xba: {  	_ =	task [dreg:s22], $0x5FFFF  }
0xbb: {  	[dreg:$0x1] =	wrdreg $0xFFFFFFFF  }
0xbc: {  	[dreg:$0x0] =	wrdreg $0x60  }
0xbd: {  	[dreg:$0x2] =	wrdreg s24  }
0xbe: {  	[dreg:$0x3] =	wrdreg $0x20000  }
0xbf: {  	[dreg:$0x4] =	wrdreg $0x9  }
0xc0: {  	_ =	task.clear_ibuf [dreg:s22], $0x5FFFF;
	_ =	strace $0x90000049  }
0xc1: {  	s29 =	simm.s32 $0x9;
	_ =	strace $0x8000004B  }
0xc2: {  	_ =	swait.ge [sflag:s29], $0x1  }
0xc3: {  	[sflag:s29] =	ssyncadd.s32 $0xFFFFFFFF  }
0xc4: {  	_ =	strace $0x9000004B  }
0xc5: {  	_ =	sfence  }
0xc6: {  	s30 =	sld [smem:$0x0];
	_ =	sdelay $0x2  }
0xc7: {  	s31 =	sshll.u32 s1, $0xD;
	s1 =	sshrl.u32 s1, $0x2  }
0xc8: {  	s4 =	sand.u32 $0x4000, s31;
	s1 =	sadd.s32 s1, s30  }
0xc9: {  	s0 =	sor.u32 s4, s0;
	s1 =	sshll.u32 s1, $0x11  }
0xca: {  	s0 =	sor.u32 s1, s0  }
0xcb: {  	s0 =	sadd.s32 $0x8F2B, s0  }
0xcc: {  	[sflag:s0] =	ssyncadd.remote.s32 $0x1  }
0xcd: {  	_ =	sfence.sel $0xFFFF  }
0xce: {  	[dreg:$0x0] =	wrdreg $0xFFFFFFFF;
	(pc) =	sbr.abs _section_cstart, $3  }
0xcf: {  	[dreg:$0x1] =	wrdreg $0xFFFFFFFF  }
0xd0: {  	_ =	task.clear_ibuf [dreg:s22], $0x2FFFF;
	_ =	strace $0x9FFFFFFF  }
0xd1: {  	(tm) =	ssettm $0x7FFFFFFF  }
tec
execute0_lowered:
.L_overlay_start_1:
0x0: {  	(tag) =	ssettag $0x1  }
0x1: {  	s0 =	srdreg.scid;
	s7 =	stileid.u32  }
0x2: {  	s1 =	rddreg [dreg:$0x0];
	s5 =	smul.u32 $0x1400, s7  }
0x3: {  	s2 =	rddreg [dreg:$0x1];
	s3 =	simm.s32 $0x0;
	s21 =	smul.u32 $0x5040, s7  }
0x4: {  	s30 =	simm.s32 $0x1C00;
	s0 =	sand.u32 $0x1, s0;
	s7 =	smul.u32 $0x14100, s7  }
0x5: {  	s31 =	simm.s32 $0x1;
	[smem:$0x7FF] =	sst s3;
	s4 =	smul.u32 $0x14000, s0  }
0x6: {  	s6 =	smul.u32 $0x50400, s0;
	_ =	strace $0x8000004A;
	s0 =	ssub.s32 $0x2, s0  }
0x7: {  	s23 =	sshrl.u32 s7, $0x2;
	s24 =	sshrl.u32 s0, $0x1;
	s4 =	sadd.s32 s5, s4  }
0x8: {  	s26 =	sadd.s32 s21, s2;
	s22 =	sadd.s32 s21, s6;
	s4 =	sshrl.u32 s4, $0x3  }
0x9: {  	s0 =	ssub.s32 s0, s24;
	s8 =	sadd.s32 s4, s1;
	s4 =	sshrl.u32 s22, $0x3  }
0xa: {  	s1 =	sadd.s32 s4, s1;
	s4 =	sadd.s32 s23, s2;
	s25 =	sadd.s32 $0x2B200, s8  }
0xb: {  	s8 =	smax.u32 s0, $0x1;
	s0 =	simm.s32 $0x1400;
	s6 =	sadd.s32 $0x5000, s4  }
0xc: {  	[dreg:$0x4] =	wrdreg s25;
	s7 =	sadd.s32 $0x30200, s1;
	s9 =	sadd.s32 $0x400, s4  }
0xd: {  	s10 =	sadd.s32 $0x800, s4;
	s11 =	sadd.s32 $0xC00, s4;
	s12 =	sadd.s32 $0x1000, s4  }
0xe: {  	s13 =	sadd.s32 $0x1400, s4;
	s14 =	sadd.s32 $0x1800, s4;
	s15 =	sadd.s32 $0x1C00, s4  }
0xf: {  	s16 =	sadd.s32 $0x2000, s4;
	s17 =	sadd.s32 $0x2400, s4;
	s18 =	sadd.s32 $0x2800, s4  }
0x10: {  	s19 =	sadd.s32 $0x2C00, s4;
	s20 =	sadd.s32 $0x3000, s4;
	s21 =	sadd.s32 $0x3400, s4  }
0x11: {  	s22 =	sadd.s32 $0x3800, s4;
	s23 =	sadd.s32 $0x3C00, s4;
	s24 =	sadd.s32 $0x4000, s4  }
0x12: {  	s25 =	sshrl.u32 s26, $0x3;
	s26 =	sadd.s32 $0x4400, s4;
	s28 =	sadd.s32 $0x4800, s4  }
0x13: {  	v0 =	vimm.f32 $0.0e+00;
	v1 =	vimm.f32 $1.000000000e+00;
	s29 =	sadd.s32 $0x4C00, s4;
	s1 =	simm.s32 $0x80;
	[dreg:$0x3] =	wrdreg s6  }
.LBB2_1:
0x14: {  	s5 =	simm.s32 $0x0  }
.LBB2_2:
0x15: {  	p0 =	sne.s32 s5, $0xFC0  }
.Ltmp0:
0x16: {  	_ = 	snop;
	(pc) =	sbr.rel @p0 .LBB2_2-.Ltmp0, $3  }
0x17: {  	_ =	sdelay $0x1  }
0x18: {  	s6 =	sshra.s32 s5, $0x2  }
0x19: {  	s5 =	sadd.s32 $0x40, s5;
	[tilespmem:s6+$0x1C00] =	vst v0  }
0x1a: {  	s5 =	simm.s32 $0x40;
	s6 =	simm.s32 $0x0  }
.LBB2_4:
0x1b: {  	p0 =	sne.s32 s5, $0x1FC0;
	[tilespmem:s6+$0x1400] =	vst v1;
	s6 =	smov.u32 s5;
	s5 =	sadd.s32 $0x40, s5  }
.Ltmp1:
0x1c: {  	(pc) =	sbr.rel @p0 .LBB2_4-.Ltmp1, $2  }
0x1d: {  	_ =	sdelay $0x2  }
0x1e: {  	s6 =	sshra.s32 s6, $0x2  }
0x1f: {  	[tilespmem:s6+$0x1400] =	vst v1  }
0x20: {  	[spmem:s4] =	stream.linear.scatter [tilespmem:s30], [sflag:$0x1], $0x400, $0x38;
	[tilespmem:$0x7040] =	vst v63  }
0x21: {  	_ =	swait.ge [sflag:s31], $0x400  }
0x22: {  	[sflag:s31] =	ssyncset.done $0x0  }
0x23: {  	[sflag:s31] =	ssyncadd.s32 $0xFFFFFC00  }
0x24: {  	[spmem:s9] =	stream.linear.scatter [tilespmem:s30], [sflag:$0x1], $0x400, $0x38;
	[tilespmem:$0x7040] =	vst v63  }
0x25: {  	_ =	swait.ge [sflag:s31], $0x400  }
0x26: {  	[sflag:s31] =	ssyncset.done $0x0  }
0x27: {  	[sflag:s31] =	ssyncadd.s32 $0xFFFFFC00  }
0x28: {  	[spmem:s10] =	stream.linear.scatter [tilespmem:s30], [sflag:$0x1], $0x400, $0x38;
	[tilespmem:$0x7040] =	vst v63  }
0x29: {  	_ =	swait.ge [sflag:s31], $0x400  }
0x2a: {  	[sflag:s31] =	ssyncset.done $0x0  }
0x2b: {  	[sflag:s31] =	ssyncadd.s32 $0xFFFFFC00  }
0x2c: {  	[spmem:s11] =	stream.linear.scatter [tilespmem:s30], [sflag:$0x1], $0x400, $0x38;
	[tilespmem:$0x7040] =	vst v63  }
0x2d: {  	_ =	swait.ge [sflag:s31], $0x400  }
0x2e: {  	[sflag:s31] =	ssyncset.done $0x0  }
0x2f: {  	[sflag:s31] =	ssyncadd.s32 $0xFFFFFC00  }
0x30: {  	[spmem:s12] =	stream.linear.scatter [tilespmem:s30], [sflag:$0x1], $0x400, $0x38;
	[tilespmem:$0x7040] =	vst v63  }
0x31: {  	_ =	swait.ge [sflag:s31], $0x400  }
0x32: {  	[sflag:s31] =	ssyncset.done $0x0  }
0x33: {  	[sflag:s31] =	ssyncadd.s32 $0xFFFFFC00  }
0x34: {  	[spmem:s13] =	stream.linear.scatter [tilespmem:s30], [sflag:$0x1], $0x400, $0x38;
	[tilespmem:$0x7040] =	vst v63  }
0x35: {  	_ =	swait.ge [sflag:s31], $0x400  }
0x36: {  	[sflag:s31] =	ssyncset.done $0x0  }
0x37: {  	[sflag:s31] =	ssyncadd.s32 $0xFFFFFC00  }
0x38: {  	[spmem:s14] =	stream.linear.scatter [tilespmem:s30], [sflag:$0x1], $0x400, $0x38;
	[tilespmem:$0x7040] =	vst v63  }
0x39: {  	_ =	swait.ge [sflag:s31], $0x400  }
0x3a: {  	[sflag:s31] =	ssyncset.done $0x0  }
0x3b: {  	[sflag:s31] =	ssyncadd.s32 $0xFFFFFC00  }
0x3c: {  	[spmem:s15] =	stream.linear.scatter [tilespmem:s30], [sflag:$0x1], $0x400, $0x38;
	[tilespmem:$0x7040] =	vst v63  }
0x3d: {  	_ =	swait.ge [sflag:s31], $0x400  }
0x3e: {  	[sflag:s31] =	ssyncset.done $0x0  }
0x3f: {  	[sflag:s31] =	ssyncadd.s32 $0xFFFFFC00  }
0x40: {  	[spmem:s16] =	stream.linear.scatter [tilespmem:s30], [sflag:$0x1], $0x400, $0x38;
	[tilespmem:$0x7040] =	vst v63  }
0x41: {  	_ =	swait.ge [sflag:s31], $0x400  }
0x42: {  	[sflag:s31] =	ssyncset.done $0x0  }
0x43: {  	[sflag:s31] =	ssyncadd.s32 $0xFFFFFC00  }
0x44: {  	[spmem:s17] =	stream.linear.scatter [tilespmem:s30], [sflag:$0x1], $0x400, $0x38;
	[tilespmem:$0x7040] =	vst v63  }
0x45: {  	_ =	swait.ge [sflag:s31], $0x400  }
0x46: {  	[sflag:s31] =	ssyncset.done $0x0  }
0x47: {  	[sflag:s31] =	ssyncadd.s32 $0xFFFFFC00  }
0x48: {  	[spmem:s18] =	stream.linear.scatter [tilespmem:s30], [sflag:$0x1], $0x400, $0x38;
	[tilespmem:$0x7040] =	vst v63  }
0x49: {  	_ =	swait.ge [sflag:s31], $0x400  }
0x4a: {  	[sflag:s31] =	ssyncset.done $0x0  }
0x4b: {  	[sflag:s31] =	ssyncadd.s32 $0xFFFFFC00  }
0x4c: {  	[spmem:s19] =	stream.linear.scatter [tilespmem:s30], [sflag:$0x1], $0x400, $0x38;
	[tilespmem:$0x7040] =	vst v63  }
0x4d: {  	_ =	swait.ge [sflag:s31], $0x400  }
0x4e: {  	[sflag:s31] =	ssyncset.done $0x0  }
0x4f: {  	[sflag:s31] =	ssyncadd.s32 $0xFFFFFC00  }
0x50: {  	[spmem:s20] =	stream.linear.scatter [tilespmem:s30], [sflag:$0x1], $0x400, $0x38;
	[tilespmem:$0x7040] =	vst v63  }
0x51: {  	_ =	swait.ge [sflag:s31], $0x400  }
0x52: {  	[sflag:s31] =	ssyncset.done $0x0  }
0x53: {  	[sflag:s31] =	ssyncadd.s32 $0xFFFFFC00  }
0x54: {  	[spmem:s21] =	stream.linear.scatter [tilespmem:s30], [sflag:$0x1], $0x400, $0x38;
	[tilespmem:$0x7040] =	vst v63  }
0x55: {  	_ =	swait.ge [sflag:s31], $0x400  }
0x56: {  	[sflag:s31] =	ssyncset.done $0x0  }
0x57: {  	[sflag:s31] =	ssyncadd.s32 $0xFFFFFC00  }
0x58: {  	[spmem:s22] =	stream.linear.scatter [tilespmem:s30], [sflag:$0x1], $0x400, $0x38;
	[tilespmem:$0x7040] =	vst v63  }
0x59: {  	_ =	swait.ge [sflag:s31], $0x400  }
0x5a: {  	[sflag:s31] =	ssyncset.done $0x0  }
0x5b: {  	[sflag:s31] =	ssyncadd.s32 $0xFFFFFC00  }
0x5c: {  	[spmem:s23] =	stream.linear.scatter [tilespmem:s30], [sflag:$0x1], $0x400, $0x38;
	[tilespmem:$0x7040] =	vst v63  }
0x5d: {  	_ =	swait.ge [sflag:s31], $0x400  }
0x5e: {  	[sflag:s31] =	ssyncset.done $0x0  }
0x5f: {  	[sflag:s31] =	ssyncadd.s32 $0xFFFFFC00  }
0x60: {  	[spmem:s24] =	stream.linear.scatter [tilespmem:s30], [sflag:$0x1], $0x400, $0x38;
	[tilespmem:$0x7040] =	vst v63  }
0x61: {  	_ =	swait.ge [sflag:s31], $0x400  }
0x62: {  	[sflag:s31] =	ssyncset.done $0x0  }
0x63: {  	[sflag:s31] =	ssyncadd.s32 $0xFFFFFC00  }
0x64: {  	[spmem:s26] =	stream.linear.scatter [tilespmem:s30], [sflag:$0x1], $0x400, $0x38;
	[tilespmem:$0x7040] =	vst v63  }
0x65: {  	_ =	swait.ge [sflag:s31], $0x400  }
0x66: {  	[sflag:s31] =	ssyncset.done $0x0  }
0x67: {  	[sflag:s31] =	ssyncadd.s32 $0xFFFFFC00  }
0x68: {  	[spmem:s28] =	stream.linear.scatter [tilespmem:s30], [sflag:$0x1], $0x400, $0x38;
	[tilespmem:$0x7040] =	vst v63  }
0x69: {  	_ =	swait.ge [sflag:s31], $0x400  }
0x6a: {  	[sflag:s31] =	ssyncset.done $0x0  }
0x6b: {  	[sflag:s31] =	ssyncadd.s32 $0xFFFFFC00  }
0x6c: {  	[spmem:s29] =	stream.linear.scatter [tilespmem:s30], [sflag:$0x1], $0x400, $0x38;
	[tilespmem:$0x7040] =	vst v63  }
0x6d: {  	_ =	swait.ge [sflag:s31], $0x400  }
0x6e: {  	[sflag:s31] =	ssyncset.done $0x0  }
0x6f: {  	s5 =	rddreg [dreg:$0x3];
	[sflag:s31] =	ssyncadd.s32 $0xFFFFFC00  }
0x70: {  	[spmem:s5] =	stream.linear.scatter [tilespmem:s30], [sflag:$0x1], $0x40, $0x38;
	[tilespmem:$0x7040] =	vst v63  }
0x71: {  	_ =	swait.ge [sflag:s31], $0x40  }
0x72: {  	[sflag:s31] =	ssyncset.done $0x0  }
0x73: {  	[sflag:s31] =	ssyncadd.s32 $0xFFFFFFC0  }
0x74: {  	[bflag:$0x0] =	sbarrier.arrive $0xFFFF  }
0x75: {  	s5 =	simm.s32 $0x0;
	s6 =	rddreg [dreg:$0x4]  }
0x76: {  	[tilespmem:s5], [sflag:$0x1] =	stream.linear.gather [hbm4b:s6+s5], $0x1400, $0x38;
	[tilespmem:$0x7040] =	vst v63  }
0x77: {  	_ =	swait.ge [sflag:s31], $0x1400  }
0x78: {  	[sflag:s31] =	ssyncset.done $0x0  }
0x79: {  	s6 =	simm.s32 $0x0;
	[sflag:s31] =	ssyncadd.s32 $0xFFFFEC00  }
0x7a: {  	[spmem:s2] =	stream.indirect.scatter.add.f32 [tilespmem:s0], [sflag:$0x1], $0x10, s6, s1, $0xb8;
	[tilespmem:$0x7040] =	vst v63  }
0x7b: {  	_ =	swait.ge [sflag:s31], $0x800  }
0x7c: {  	s5 =	simm.s32 $0x200;
	[sflag:s31] =	ssyncset.done $0x0  }
.LBB2_6:
0x7d: {  	s6 =	sshra.s32 s5, $0x2;
	[sflag:s31] =	ssyncadd.s32 $0xFFFFF800;
	p0 =	sne.s32 s5, $0x4E00  }
0x7e: {  	[spmem:s2] =	stream.indirect.scatter.add.f32 [tilespmem:s0], [sflag:$0x1], $0x10, s6, s1, $0xb8;
	[tilespmem:$0x7040] =	vst v63  }
.Ltmp2:
0x7f: {  	_ = 	snop;
	(pc) =	sbr.rel @p0 .LBB2_6-.Ltmp2, $4  }
0x80: {  	_ = 	snop  }
0x81: {  	s5 =	sadd.s32 $0x200, s5  }
0x82: {  	_ =	swait.ge [sflag:s31], $0x800  }
0x83: {  	[sflag:s31] =	ssyncset.done $0x0  }
0x84: {  	s5 =	stileid.u32;
	s3 =	sadd.s32 $0x1, s3  }
0x85: {  	[sflag:s31] =	ssyncadd.s32 $0xFFFFF800;
	s5 =	sshll.u32 s5, $0x6;
	p0 =	sne.s32 s3, s8  }
.Ltmp3:
0x86: {  	[bflag:$0x0] =	sbarrier.arrive $0xFFFF;
	s5 =	sor.u32 $0x1C01, s5;
	(pc) =	sbr.rel @p0 .LBB2_1-.Ltmp3, $4  }
0x87: {  	[hbm:s7], [sflag:s5] =	dma.local [spmem:s25], $0xA08  }
0x88: {  	_ =	swait.ge [sflag:s31], $0xA08  }
0x89: {  	[sflag:s31] =	ssyncset.done $0x0  }
0x8a: {  	[sflag:s31] =	ssyncadd.s32 $0xFFFFF5F8  }
0x8b: {  	_ =	sfence.sel $0x180000  }
0x8c: {  	[bflag:$0x0] =	sbarrier.arrive $0xFFFF  }
0x8d: {  	_ =	strace $0x9000004A  }
0x8e: {  	s0 =	stileid.u32;
	[bflag:$0x2] =	sbarrier.arrive $0xFFFF  }
0x8f: {  	p0 =	sne.s32 s0, $0x0;
	s0 =	rddreg [dreg:$0x2]  }
0x90: {  	s0 =	sadd.s32 @!p0 $0x100000, s0  }
0x91: {  	[sflag:s0] =	ssyncadd.tile.s32 @!p0 $0x1;
	_ =	shalt  }
.Lfunc_end2:
_tile_overlayer_lowered:
.L_overlay_start_2:
0x92: {  	(tag) =	ssettag $0x2  }
0x93: {  	s0 =	rddreg [dreg:$0x0];
	s2 =	stileid.u32  }
0x94: {  	s1 =	rddreg [dreg:$0x1];
	p0 =	sne.s32 s2, $0x0  }
0x95: {  	s3 =	rddreg [dreg:$0x2];
	[bflag:$0x3] =	sbarrier.arrive $0xFFFF;
	s2 =	simm.s32 @!p0 $0x1C01  }
0x96: {  	[timem:s3], [sflag:s2] =	dma.local @!p0 [hbm:s0], s1  }
0x97: {  	s0 =	simm.s32 @!p0 $0x1  }
0x98: {  	_ =	swait.ge @!p0 [sflag:s0], s1  }
0x99: {  	s1 =	ssub.s32 @!p0 $0x0, s1;
	[sflag:s0] =	ssyncset.done @!p0 $0x0  }
0x9a: {  	[sflag:s0] =	ssyncadd.s32 @!p0 s1  }
0x9b: {  	[bflag:$0x3] =	sbarrier.arrive $0xFFFF  }
0x9c: {  	_ =	shalt  }

// kernel: kernel.15.cloned.1.call-start
scs
__scs_entry_jumppad:
0x0: {  	(pc) =	sbr.rel $0x88, $3  }
0x1: {  	(tag) =	ssettag $0x0;
	lr =	simm.s32 $0x1  }
0x2: {  	[smem:$0x3F93] =	sst lr;
	_ =	strace $0xD0000000  }
0x3: {  	_ = 	snop  }
0x4: {  	_ = 	snop  }
0x5: {  	_ = 	snop  }
0x6: {  	_ = 	snop  }
0x7: {  	_ = 	snop  }
__scs_overlays_trampoline_lowered:
0x8: {  	[smem:$0x3FA2] =	sst s0  }
0x9: {  	[smem:$0x3FA3] =	sst s1  }
0xa: {  	[smem:$0x3FA4] =	sst s2  }
0xb: {  	[smem:$0x3FA5] =	sst s3  }
0xc: {  	[smem:$0x3FA6] =	sst s4  }
0xd: {  	[smem:$0x3FA7] =	sst s5  }
0xe: {  	[smem:$0x3FA8] =	sst s6  }
0xf: {  	[smem:$0x3FA9] =	sst s7  }
0x10: {  	[smem:$0x3FAA] =	sst s8  }
0x11: {  	[smem:$0x3FAB] =	sst s9;
	s0 =	simm.s32 @!p0 $0x0  }
0x12: {  	s1 =	sld [smem:$0x3F91];
	s0 =	simm.s32 @p0 $0x1  }
0x13: {  	[smem:$0x3FAC] =	sst s0;
	s0 =	simm.s32 @!p1 $0x0  }
0x14: {  	s2 =	sld [smem:$0x3F90];
	s0 =	simm.s32 @p1 $0x1  }
0x15: {  	[smem:$0x3FAD] =	sst s0;
	s0 =	simm.s32 @!p2 $0x0  }
0x16: {  	s3 =	sld [smem:$0x3FDB];
	s0 =	simm.s32 @p2 $0x1  }
0x17: {  	s4 =	simm.s32 $0x1BF5;
	[smem:$0x3FAF] =	sst s0  }
0x18: {  	s0 =	sld [smem:$0x3F92];
	_ =	swait.ge [sflag:s4], $0x0  }
0x19: {  	s7 =	sld [smem:$0x3F93]  }
0x1a: {  	s8 =	sadd.s32 $0xFFFFE003, lr  }
0x1b: {  	s9 =	sadd.s32 $0xFFFFFEF7, lr;
	s5 =	simm.s32 $0xFFFFFFFF;
	p2 =	slt.u32 s8, $0xFFFFF086  }
0x1c: {  	p1 =	slt.u32 s9, $0xF7A;
	s5 =	simm.s32 @!p2 $0x0  }
0x1d: {  	s5 =	simm.s32 @p1 $0x1;
	p0 =	seq.s32 s7, s2  }
0x1e: {  	s7 =	smul.u32 @!p0 $0xF7A, s2;
	p2 =	seq.s32 @!p0 s5, $0x0  }
0x1f: {  	s9 =	smul.u32 $0xF7A, s1;
	s8 =	simm.s32 @!p0 $0x1BF5;
	p2 =	por !p2, p0  }
0x20: {  	[sflag:s8] =	ssyncset.s32 @!p0 $0xFFFFF086;
	s6 =	sadd.s32 @!p0 s3, s7;
	s7 =	simm.s32 @!p0 $0x108  }
0x21: {  	s3 =	sadd.s32 s3, s9;
	s6 =	sadd.s32 @!p0 $0x88, s6;
	s7 =	simm.s32 @p2 $0x1082  }
0x22: {  	[simem:s7], [sflag:s8] =	dma.local @!p0 [hbm:s6], $0xF7A  }
0x23: {  	s9 =	sor.u32 $0xD0000000, s2;
	s6 =	simm.s32 $0x108;
	_ =	swait.ge @!p0 [sflag:s8], $0x0  }
0x24: {  	s3 =	sadd.s32 $0x88, s3;
	s6 =	simm.s32 @!p1 $0x1082;
	[sflag:s4] =	ssyncset.s32 $0xFFFFF086  }
0x25: {  	[simem:s6], [sflag:s4] =	dma.local [hbm:s3], $0xF7A  }
0x26: {  	[smem:$0x3F93] =	sst s1;
	(tag) =	ssettag s2;
	_ =	strace s9  }
0x27: {  	s1 =	sld [smem:$0x3FA3]  }
0x28: {  	s2 =	sld [smem:$0x3FA4]  }
0x29: {  	s4 =	sld [smem:$0x3FA6]  }
0x2a: {  	p0 =	seq.s32 s5, $0x0;
	s5 =	sld [smem:$0x3FA7]  }
0x2b: {  	s6 =	sld [smem:$0x3FA8]  }
0x2c: {  	s7 =	sld [smem:$0x3FA9]  }
0x2d: {  	s3 =	simm.s32 $0x108;
	s8 =	sld [smem:$0x3FAA]  }
0x2e: {  	s3 =	simm.s32 @!p0 $0x1082;
	s9 =	sld [smem:$0x3FAB]  }
0x2f: {  	lr =	sadd.s32 s0, s3;
	s0 =	sld [smem:$0x3FA2]  }
0x30: {  	s3 =	sld [smem:$0x3FA5]  }
0x31: {  	[smem:$0x3FAE] =	sst s10  }
0x32: {  	s10 =	sld [smem:$0x3FAC];
	_ =	sdelay $0x3  }
0x33: {  	p0 =	seq.s32 s10, $0x1;
	s10 =	sld [smem:$0x3FAE];
	_ =	sdelay $0x3  }
0x34: {  	[smem:$0x3FAE] =	sst s10  }
0x35: {  	s10 =	sld [smem:$0x3FAD];
	_ =	sdelay $0x3  }
0x36: {  	p1 =	seq.s32 s10, $0x1;
	s10 =	sld [smem:$0x3FAE];
	_ =	sdelay $0x3  }
0x37: {  	[smem:$0x3FAE] =	sst s10  }
0x38: {  	s10 =	sld [smem:$0x3FAF]  }
0x39: {  	_ = 	snop;
	(pc) =	sbr.ind lr, $3  }
0x3a: {  	_ = 	snop  }
0x3b: {  	_ = 	snop  }
0x3c: {  	p2 =	seq.s32 s10, $0x1;
	s10 =	sld [smem:$0x3FAE]  }
0x3d: {  	_ =	shalt  }
0x3e: {  	_ =	shalt  }
0x3f: {  	_ =	shalt  }
0x40: {  	_ =	shalt  }
0x41: {  	_ =	shalt  }
0x42: {  	_ =	shalt  }
0x43: {  	_ =	shalt  }
0x44: {  	_ =	shalt  }
0x45: {  	_ =	shalt  }
0x46: {  	_ =	shalt  }
0x47: {  	_ =	shalt  }
0x48: {  	_ =	shalt  }
0x49: {  	_ =	shalt  }
0x4a: {  	_ =	shalt  }
0x4b: {  	_ =	shalt  }
0x4c: {  	_ =	shalt  }
0x4d: {  	_ =	shalt  }
0x4e: {  	_ =	shalt  }
0x4f: {  	_ =	shalt  }
0x50: {  	_ =	shalt  }
0x51: {  	_ =	shalt  }
0x52: {  	_ =	shalt  }
0x53: {  	_ =	shalt  }
0x54: {  	_ =	shalt  }
0x55: {  	_ =	shalt  }
0x56: {  	_ =	shalt  }
0x57: {  	_ =	shalt  }
0x58: {  	_ =	shalt  }
0x59: {  	_ =	shalt  }
0x5a: {  	_ =	shalt  }
0x5b: {  	_ =	shalt  }
0x5c: {  	_ =	shalt  }
0x5d: {  	_ =	shalt  }
0x5e: {  	_ =	shalt  }
0x5f: {  	_ =	shalt  }
0x60: {  	_ =	shalt  }
0x61: {  	_ =	shalt  }
0x62: {  	_ =	shalt  }
0x63: {  	_ =	shalt  }
0x64: {  	_ =	shalt  }
0x65: {  	_ =	shalt  }
0x66: {  	_ =	shalt  }
0x67: {  	_ =	shalt  }
0x68: {  	_ =	shalt  }
0x69: {  	_ =	shalt  }
0x6a: {  	_ =	shalt  }
0x6b: {  	_ =	shalt  }
0x6c: {  	_ =	shalt  }
0x6d: {  	_ =	shalt  }
0x6e: {  	_ =	shalt  }
0x6f: {  	_ =	shalt  }
0x70: {  	_ =	shalt  }
0x71: {  	_ =	shalt  }
0x72: {  	_ =	shalt  }
0x73: {  	_ =	shalt  }
0x74: {  	_ =	shalt  }
0x75: {  	_ =	shalt  }
0x76: {  	_ =	shalt  }
0x77: {  	_ =	shalt  }
0x78: {  	_ =	shalt  }
0x79: {  	_ =	shalt  }
0x7a: {  	_ =	shalt  }
0x7b: {  	_ =	shalt  }
0x7c: {  	_ =	shalt  }
0x7d: {  	_ =	shalt  }
0x7e: {  	_ =	shalt  }
0x7f: {  	_ =	shalt  }
0x80: {  	_ =	shalt  }
0x81: {  	_ =	shalt  }
0x82: {  	_ =	shalt  }
0x83: {  	_ =	shalt  }
0x84: {  	_ =	shalt  }
0x85: {  	_ =	shalt  }
0x86: {  	_ =	shalt  }
0x87: {  	_ =	shalt  }
.Lfunc_end0:
.L_simem_size_0:
called_computation.2_lowered:
.L_overlay_start_0:
0x88: {  	s2 =	sld [smem:$0x3FD9]  }
0x89: {  	s3 =	sld [smem:$0x3FFE];
	_ =	sdelay $0x1  }
0x8a: {  	s1 =	srdreg.scid  }
0x8b: {  	s0 =	sand.u32 $0x1, s1  }
0x8c: {  	s17 =	sshll.u32 s0, $0xA;
	s2 =	sadd.s32 s3, s2  }
0x8d: {  	s2 =	sadd.s32 s2, s17  }
0x8e: {  	[smem:$0x3FBA] =	sst s2  }
0x8f: {  	_ = 	snop  }
0x90: {  	(tm) =	ssettm $0x1  }
0x91: {  	s18 =	sld [smem:$0x3FFB];
	_ =	sdelay $0x3  }
0x92: {  	_ =	strace s18  }
0x93: {  	s2 =	sld [smem:$0x3FFC];
	_ =	sdelay $0x3  }
0x94: {  	_ =	strace s2  }
0x95: {  	s2 =	sld [smem:$0x3FFD];
	_ =	sdelay $0x3  }
0x96: {  	_ =	strace s2  }
0x97: {  	_ =	strace $0x8FFFFFFF  }
0x98: {  	s19 =	sld [smem:$0x3FDB];
	_ =	sdelay $0x1  }
0x99: {  	s20 =	simm.s32 $_scs_section_size  }
0x9a: {  	s4 =	simm.s32 $_size__tile_overlayer_lowered;
	s5 =	simm.s32 $_tile_overlayer_lowered  }
0x9b: {  	s6 =	simm.s32 $0x1BFF;
	s21 =	sshll.u32 s5, $0x1;
	s3 =	sadd.s32 s20, s19  }
0x9c: {  	s22 =	simm.s32 $0x0;
	s4 =	sshll.u32 s4, $0x1;
	s5 =	sadd.s32 s21, s3  }
0x9d: {  	[timem:s22], [sflag:s6] =	dma.local [hbm:s5], s4  }
0x9e: {  	_ =	swait.ge [sflag:s6], s4  }
0x9f: {  	s4 =	ssub.s32 $0x0, s4;
	[sflag:s6] =	ssyncset.done $0x0  }
0xa0: {  	[sflag:s6] =	ssyncadd.s32 s4;
	_ =	sdelay $0x1  }
0xa1: {  	s23 =	simm.s32 $0x1B8B  }
0xa2: {  	_ =	swait.ge [sflag:s23], $0x1  }
0xa3: {  	[sflag:s23] =	ssyncset.done $0x0  }
0xa4: {  	[sflag:s23] =	ssyncadd.s32 $0xFFFFFFFF  }
0xa5: {  	s4 =	sld [smem:$0x0]  }
0xa6: {  	s5 =	sand.u32 $0xFFFFFFFE, s1  }
0xa7: {  	p0 =	sne.s32 s1, s5  }
0xa8: {  	s5 =	sshll.u32 @p0 s5, $0xE  }
0xa9: {  	s5 =	sadd.s32 @p0 $0x11B8D, s5;
	s6 =	sshll.u32 @p0 s4, $0x11  }
0xaa: {  	s5 =	sor.u32 @p0 s6, s5  }
0xab: {  	[sflag:s5] =	ssyncadd.remote.s32 @p0 $0x1;
	_ =	sdelay $0x1  }
0xac: {  	s5 =	simm.s32 @p0 $0x1B8D  }
0xad: {  	_ =	swait.eq @p0 [sflag:s5], $0x1  }
0xae: {  	[sflag:s5] =	ssyncadd.s32 @p0 $0xFFFFFFFF  }
0xaf: {  	s6 =	sshll.u32 @!p0 s1, $0xE  }
0xb0: {  	s6 =	sor.u32 @!p0 $0x4000, s6;
	s5 =	simm.s32 @!p0 $0x1B8D  }
0xb1: {  	s4 =	sshll.u32 @!p0 s4, $0x11;
	s6 =	sadd.s32 @!p0 $0x11B8D, s6;
	_ =	swait.eq @!p0 [sflag:s5], $0x1  }
0xb2: {  	s4 =	sor.u32 @!p0 s4, s6;
	[sflag:s5] =	ssyncadd.s32 @!p0 $0xFFFFFFFF  }
0xb3: {  	s25 =	simm.s32 $0x1B8E;
	s24 =	sld [smem:$0x3FFE];
	[sflag:s4] =	ssyncadd.remote.s32 @!p0 $0x1  }
0xb4: {  	s26 =	simm.s32 $execute0_lowered;
	[smem:$0x3FD2] =	sst s25  }
0xb5: {  	s5 =	sshll.u32 s26, $0x1;
	_ =	strace $0x8000004C;
	[dreg:$0x1] =	wrdreg $0xFFFFFFFF  }
0xb6: {  	s28 =	simm.s32 $_size_execute0_lowered;
	s3 =	sadd.s32 s3, s5;
	[dreg:$0x0] =	wrdreg $0x0  }
0xb7: {  	s5 =	sshll.u32 s28, $0x1;
	[dreg:$0x2] =	wrdreg s3  }
0xb8: {  	[dreg:$0x3] =	wrdreg s5  }
0xb9: {  	[dreg:$0x4] =	wrdreg $0xC0  }
0xba: {  	_ =	task [dreg:s22], $0x5FFFF  }
0xbb: {  	[dreg:$0x1] =	wrdreg $0xFFFFFFFF  }
0xbc: {  	[dreg:$0x0] =	wrdreg $0x60  }
0xbd: {  	[dreg:$0x2] =	wrdreg s24  }
0xbe: {  	[dreg:$0x3] =	wrdreg $0xA8000  }
0xbf: {  	[dreg:$0x4] =	wrdreg $0xA  }
0xc0: {  	_ =	task.clear_ibuf [dreg:s22], $0x5FFFF;
	_ =	strace $0x9000004C  }
0xc1: {  	s29 =	simm.s32 $0xA;
	_ =	strace $0x8000004E  }
0xc2: {  	_ =	swait.ge [sflag:s29], $0x1  }
0xc3: {  	[sflag:s29] =	ssyncadd.s32 $0xFFFFFFFF  }
0xc4: {  	_ =	strace $0x9000004E  }
0xc5: {  	_ =	sfence  }
0xc6: {  	s30 =	sld [smem:$0x0];
	_ =	sdelay $0x2  }
0xc7: {  	s31 =	sshll.u32 s1, $0xD;
	s1 =	sshrl.u32 s1, $0x2  }
0xc8: {  	s4 =	sand.u32 $0x4000, s31;
	s1 =	sadd.s32 s1, s30  }
0xc9: {  	s0 =	sor.u32 s4, s0;
	s1 =	sshll.u32 s1, $0x11  }
0xca: {  	s0 =	sor.u32 s1, s0  }
0xcb: {  	s0 =	sadd.s32 $0x8F2B, s0  }
0xcc: {  	[sflag:s0] =	ssyncadd.remote.s32 $0x1  }
0xcd: {  	_ =	sfence.sel $0xFFFF  }
0xce: {  	[dreg:$0x0] =	wrdreg $0xFFFFFFFF;
	(pc) =	sbr.abs _section_cstart, $3  }
0xcf: {  	[dreg:$0x1] =	wrdreg $0xFFFFFFFF  }
0xd0: {  	_ =	task.clear_ibuf [dreg:s22], $0x2FFFF;
	_ =	strace $0x9FFFFFFF  }
0xd1: {  	(tm) =	ssettm $0x7FFFFFFF  }
tec
execute0_lowered:
.L_overlay_start_1:
0x0: {  	(tag) =	ssettag $0x1  }
0x1: {  	s11 =	stileid.u32  }
0x2: {  	s1 =	srdreg.scid;
	s8 =	smul.u32 $0x50400, s11  }
0x3: {  	s1 =	sand.u32 $0x1, s1;
	s31 =	smul.u32 $0x5000, s11  }
0x4: {  	s0 =	rddreg [dreg:$0x0];
	s3 =	simm.s32 $0x0;
	s4 =	smul.u32 $0x141000, s1  }
0x5: {  	[smem:$0x7FF] =	sst s3;
	s9 =	ssub.s32 $0x2, s1;
	s1 =	smul.u32 $0x50000, s1  }
0x6: {  	s2 =	rddreg [dreg:$0x1];
	s30 =	sadd.s32 $0x44400, s0;
	_ =	strace $0x8000004D  }
0x7: {  	[dreg:$0x1b] =	wrdreg s30;
	s8 =	sshrl.u32 s8, $0x2;
	s1 =	sadd.s32 s31, s1  }
0x8: {  	s10 =	sshrl.u32 s9, $0x1;
	s12 =	sadd.s32 s8, s2;
	[dreg:$0x1c] =	wrdreg s1  }
0x9: {  	s3 =	ssub.s32 s9, s10;
	s5 =	sadd.s32 $0x14000, s12;
	[dreg:$0x3] =	wrdreg s12  }
0xa: {  	s8 =	smax.u32 s3, $0x1;
	[dreg:$0x4] =	wrdreg s5  }
0xb: {  	s9 =	sadd.s32 $0x1000, s12;
	[dreg:$0x6] =	wrdreg s8  }
0xc: {  	s10 =	sadd.s32 $0x2000, s12;
	[dreg:$0x7] =	wrdreg s9  }
0xd: {  	s6 =	smul.u32 $0x14100, s11;
	s11 =	sadd.s32 $0x3000, s12;
	[dreg:$0x8] =	wrdreg s10  }
0xe: {  	s13 =	sadd.s32 $0x4000, s12;
	[dreg:$0x9] =	wrdreg s11  }
0xf: {  	s14 =	sadd.s32 $0x5000, s12;
	[dreg:$0xa] =	wrdreg s13  }
0x10: {  	s15 =	sadd.s32 $0x6000, s12;
	[dreg:$0xb] =	wrdreg s14  }
0x11: {  	s16 =	sadd.s32 $0x7000, s12;
	[dreg:$0xc] =	wrdreg s15  }
0x12: {  	s17 =	sadd.s32 $0x8000, s12;
	[dreg:$0xd] =	wrdreg s16  }
0x13: {  	s18 =	sadd.s32 $0x9000, s12;
	[dreg:$0xe] =	wrdreg s17  }
0x14: {  	s19 =	sadd.s32 $0xA000, s12;
	[dreg:$0xf] =	wrdreg s18  }
0x15: {  	s20 =	sadd.s32 $0xB000, s12;
	[dreg:$0x10] =	wrdreg s19  }
0x16: {  	s28 =	simm.s32 $0x2500;
	s21 =	sadd.s32 $0xC000, s12;
	[dreg:$0x11] =	wrdreg s20  }
0x17: {  	s29 =	simm.s32 $0x2700;
	s22 =	sadd.s32 $0xD000, s12;
	[dreg:$0x12] =	wrdreg s21  }
0x18: {  	s7 =	sadd.s32 s6, s4;
	s23 =	sadd.s32 $0xE000, s12;
	[dreg:$0x13] =	wrdreg s22  }
0x19: {  	s4 =	sadd.s32 $0x3200, s0;
	s24 =	sadd.s32 $0xF000, s12;
	[dreg:$0x14] =	wrdreg s23  }
0x1a: {  	s6 =	sadd.s32 s6, s2;
	s25 =	sadd.s32 $0x10000, s12;
	[dreg:$0x16] =	wrdreg s24  }
0x1b: {  	s7 =	sshrl.u32 s7, $0x3;
	s26 =	sadd.s32 $0x11000, s12;
	[dreg:$0x17] =	wrdreg s25  }
0x1c: {  	s30 =	sadd.s32 $0x12000, s12;
	s31 =	sadd.s32 $0x13000, s12;
	[dreg:$0x18] =	wrdreg s26  }
0x1d: {  	s1 =	simm.s32 $0x3;
	s12 =	simm.s32 $0x2;
	[dreg:$0x19] =	wrdreg s30  }
0x1e: {  	s3 =	simm.s32 $0x1600;
	s0 =	sadd.s32 s7, s0;
	[dreg:$0x1a] =	wrdreg s31  }
0x1f: {  	s7 =	simm.s32 $0x100;
	s10 =	simm.s32 $0x6800;
	s11 =	simm.s32 $0x1  }
0x20: {  	s5 =	simm.s32 $0x0;
	s9 =	simm.s32 $0x1700;
	s13 =	simm.s32 $0x1800  }
0x21: {  	s14 =	simm.s32 $0x1A00;
	s15 =	simm.s32 $0x1900;
	s16 =	simm.s32 $0x1B00  }
0x22: {  	s17 =	simm.s32 $0x1C00;
	s18 =	simm.s32 $0x1E00;
	s19 =	simm.s32 $0x1D00  }
0x23: {  	s20 =	simm.s32 $0x1F00;
	s21 =	simm.s32 $0x2000;
	s22 =	simm.s32 $0x2200  }
0x24: {  	s23 =	simm.s32 $0x2100;
	s24 =	simm.s32 $0x2300;
	s0 =	sadd.s32 $0x58400, s0  }
0x25: {  	s25 =	simm.s32 $0x2400;
	[dreg:$0x5] =	wrdreg s0;
	s0 =	sshrl.u32 s6, $0x3  }
0x26: {  	v0 =	vimm.f32 $0.0e+00;
	s26 =	simm.s32 $0x2600;
	[dreg:$0x15] =	wrdreg s0;
	s0 =	simm.s32 $0x0  }
.LBB2_1:
0x27: {  	[dreg:$0x1d] =	wrdreg s0;
	s31 =	simm.s32 $0x100;
	s30 =	simm.s32 $0x0  }
.LBB2_2:
0x28: {  	p0 =	sne.s32 s31, $0xFF00;
	[tilespmem:s30+$0x2830] =	vst v0;
	s6 =	smov.u32 s31;
	s31 =	sadd.s32 $0x100, s31  }
.Ltmp0:
0x29: {  	[tilespmem:s30+$0x2820] =	vst v0;
	(pc) =	sbr.rel @p0 .LBB2_2-.Ltmp0, $3  }
0x2a: {  	[tilespmem:s30+$0x2800] =	vst v0  }
0x2b: {  	[tilespmem:s30+$0x2810] =	vst v0;
	_ =	sdelay $0x1  }
0x2c: {  	s30 =	sshra.s32 s6, $0x2  }
0x2d: {  	[tilespmem:s30+$0x2830] =	vst v0  }
0x2e: {  	[tilespmem:s30+$0x2820] =	vst v0  }
0x2f: {  	[tilespmem:s30+$0x2800] =	vst v0  }
0x30: {  	[tilespmem:s30+$0x2810] =	vst v0;
	s6 =	rddreg [dreg:$0x3];
	s30 =	simm.s32 $0x2800  }
0x31: {  	[spmem:s6] =	stream.linear.scatter [tilespmem:s30], [sflag:$0x3], $0x1000, $0x38;
	[tilespmem:$0x1E900] =	vst v63  }
0x32: {  	_ =	swait.ge [sflag:s1], $0x1000  }
0x33: {  	[sflag:s1] =	ssyncset.done $0x0  }
0x34: {  	s0 =	rddreg [dreg:$0x7];
	[sflag:s1] =	ssyncadd.s32 $0xFFFFF000  }
0x35: {  	[spmem:s0] =	stream.linear.scatter [tilespmem:s30], [sflag:$0x3], $0x1000, $0x38;
	[tilespmem:$0x1E900] =	vst v63  }
0x36: {  	_ =	swait.ge [sflag:s1], $0x1000  }
0x37: {  	[sflag:s1] =	ssyncset.done $0x0  }
0x38: {  	s8 =	rddreg [dreg:$0x8];
	[sflag:s1] =	ssyncadd.s32 $0xFFFFF000  }
0x39: {  	[spmem:s8] =	stream.linear.scatter [tilespmem:s30], [sflag:$0x3], $0x1000, $0x38;
	[tilespmem:$0x1E900] =	vst v63  }
0x3a: {  	_ =	swait.ge [sflag:s1], $0x1000  }
0x3b: {  	[sflag:s1] =	ssyncset.done $0x0  }
0x3c: {  	s0 =	rddreg [dreg:$0x9];
	[sflag:s1] =	ssyncadd.s32 $0xFFFFF000  }
0x3d: {  	[spmem:s0] =	stream.linear.scatter [tilespmem:s30], [sflag:$0x3], $0x1000, $0x38;
	[tilespmem:$0x1E900] =	vst v63  }
0x3e: {  	_ =	swait.ge [sflag:s1], $0x1000  }
0x3f: {  	[sflag:s1] =	ssyncset.done $0x0  }
0x40: {  	s8 =	rddreg [dreg:$0xa];
	[sflag:s1] =	ssyncadd.s32 $0xFFFFF000  }
0x41: {  	[spmem:s8] =	stream.linear.scatter [tilespmem:s30], [sflag:$0x3], $0x1000, $0x38;
	[tilespmem:$0x1E900] =	vst v63  }
0x42: {  	_ =	swait.ge [sflag:s1], $0x1000  }
0x43: {  	[sflag:s1] =	ssyncset.done $0x0  }
0x44: {  	s0 =	rddreg [dreg:$0xb];
	[sflag:s1] =	ssyncadd.s32 $0xFFFFF000  }
0x45: {  	[spmem:s0] =	stream.linear.scatter [tilespmem:s30], [sflag:$0x3], $0x1000, $0x38;
	[tilespmem:$0x1E900] =	vst v63  }
0x46: {  	_ =	swait.ge [sflag:s1], $0x1000  }
0x47: {  	[sflag:s1] =	ssyncset.done $0x0  }
0x48: {  	s8 =	rddreg [dreg:$0xc];
	[sflag:s1] =	ssyncadd.s32 $0xFFFFF000  }
0x49: {  	[spmem:s8] =	stream.linear.scatter [tilespmem:s30], [sflag:$0x3], $0x1000, $0x38;
	[tilespmem:$0x1E900] =	vst v63  }
0x4a: {  	_ =	swait.ge [sflag:s1], $0x1000  }
0x4b: {  	[sflag:s1] =	ssyncset.done $0x0  }
0x4c: {  	s0 =	rddreg [dreg:$0xd];
	[sflag:s1] =	ssyncadd.s32 $0xFFFFF000  }
0x4d: {  	[spmem:s0] =	stream.linear.scatter [tilespmem:s30], [sflag:$0x3], $0x1000, $0x38;
	[tilespmem:$0x1E900] =	vst v63  }
0x4e: {  	_ =	swait.ge [sflag:s1], $0x1000  }
0x4f: {  	[sflag:s1] =	ssyncset.done $0x0  }
0x50: {  	s8 =	rddreg [dreg:$0xe];
	[sflag:s1] =	ssyncadd.s32 $0xFFFFF000  }
0x51: {  	[spmem:s8] =	stream.linear.scatter [tilespmem:s30], [sflag:$0x3], $0x1000, $0x38;
	[tilespmem:$0x1E900] =	vst v63  }
0x52: {  	_ =	swait.ge [sflag:s1], $0x1000  }
0x53: {  	[sflag:s1] =	ssyncset.done $0x0  }
0x54: {  	s0 =	rddreg [dreg:$0xf];
	[sflag:s1] =	ssyncadd.s32 $0xFFFFF000  }
0x55: {  	[spmem:s0] =	stream.linear.scatter [tilespmem:s30], [sflag:$0x3], $0x1000, $0x38;
	[tilespmem:$0x1E900] =	vst v63  }
0x56: {  	_ =	swait.ge [sflag:s1], $0x1000  }
0x57: {  	[sflag:s1] =	ssyncset.done $0x0  }
0x58: {  	s8 =	rddreg [dreg:$0x10];
	[sflag:s1] =	ssyncadd.s32 $0xFFFFF000  }
0x59: {  	[spmem:s8] =	stream.linear.scatter [tilespmem:s30], [sflag:$0x3], $0x1000, $0x38;
	[tilespmem:$0x1E900] =	vst v63  }
0x5a: {  	_ =	swait.ge [sflag:s1], $0x1000  }
0x5b: {  	[sflag:s1] =	ssyncset.done $0x0  }
0x5c: {  	s0 =	rddreg [dreg:$0x11];
	[sflag:s1] =	ssyncadd.s32 $0xFFFFF000  }
0x5d: {  	[spmem:s0] =	stream.linear.scatter [tilespmem:s30], [sflag:$0x3], $0x1000, $0x38;
	[tilespmem:$0x1E900] =	vst v63  }
0x5e: {  	_ =	swait.ge [sflag:s1], $0x1000  }
0x5f: {  	[sflag:s1] =	ssyncset.done $0x0  }
0x60: {  	s8 =	rddreg [dreg:$0x12];
	[sflag:s1] =	ssyncadd.s32 $0xFFFFF000  }
0x61: {  	[spmem:s8] =	stream.linear.scatter [tilespmem:s30], [sflag:$0x3], $0x1000, $0x38;
	[tilespmem:$0x1E900] =	vst v63  }
0x62: {  	_ =	swait.ge [sflag:s1], $0x1000  }
0x63: {  	[sflag:s1] =	ssyncset.done $0x0  }
0x64: {  	s0 =	rddreg [dreg:$0x13];
	[sflag:s1] =	ssyncadd.s32 $0xFFFFF000  }
0x65: {  	[spmem:s0] =	stream.linear.scatter [tilespmem:s30], [sflag:$0x3], $0x1000, $0x38;
	[tilespmem:$0x1E900] =	vst v63  }
0x66: {  	_ =	swait.ge [sflag:s1], $0x1000  }
0x67: {  	[sflag:s1] =	ssyncset.done $0x0  }
0x68: {  	s8 =	rddreg [dreg:$0x14];
	[sflag:s1] =	ssyncadd.s32 $0xFFFFF000  }
0x69: {  	[spmem:s8] =	stream.linear.scatter [tilespmem:s30], [sflag:$0x3], $0x1000, $0x38;
	[tilespmem:$0x1E900] =	vst v63  }
0x6a: {  	_ =	swait.ge [sflag:s1], $0x1000  }
0x6b: {  	[sflag:s1] =	ssyncset.done $0x0  }
0x6c: {  	s0 =	rddreg [dreg:$0x16];
	[sflag:s1] =	ssyncadd.s32 $0xFFFFF000  }
0x6d: {  	[spmem:s0] =	stream.linear.scatter [tilespmem:s30], [sflag:$0x3], $0x1000, $0x38;
	[tilespmem:$0x1E900] =	vst v63  }
0x6e: {  	_ =	swait.ge [sflag:s1], $0x1000  }
0x6f: {  	[sflag:s1] =	ssyncset.done $0x0  }
0x70: {  	s8 =	rddreg [dreg:$0x17];
	[sflag:s1] =	ssyncadd.s32 $0xFFFFF000  }
0x71: {  	[spmem:s8] =	stream.linear.scatter [tilespmem:s30], [sflag:$0x3], $0x1000, $0x38;
	[tilespmem:$0x1E900] =	vst v63  }
0x72: {  	_ =	swait.ge [sflag:s1], $0x1000  }
0x73: {  	[sflag:s1] =	ssyncset.done $0x0  }
0x74: {  	s0 =	rddreg [dreg:$0x18];
	[sflag:s1] =	ssyncadd.s32 $0xFFFFF000  }
0x75: {  	[spmem:s0] =	stream.linear.scatter [tilespmem:s30], [sflag:$0x3], $0x1000, $0x38;
	[tilespmem:$0x1E900] =	vst v63  }
0x76: {  	_ =	swait.ge [sflag:s1], $0x1000  }
0x77: {  	[sflag:s1] =	ssyncset.done $0x0  }
0x78: {  	s8 =	rddreg [dreg:$0x19];
	[sflag:s1] =	ssyncadd.s32 $0xFFFFF000  }
0x79: {  	[spmem:s8] =	stream.linear.scatter [tilespmem:s30], [sflag:$0x3], $0x1000, $0x38;
	[tilespmem:$0x1E900] =	vst v63  }
0x7a: {  	_ =	swait.ge [sflag:s1], $0x1000  }
0x7b: {  	[sflag:s1] =	ssyncset.done $0x0  }
0x7c: {  	s0 =	rddreg [dreg:$0x1a];
	[sflag:s1] =	ssyncadd.s32 $0xFFFFF000  }
0x7d: {  	[spmem:s0] =	stream.linear.scatter [tilespmem:s30], [sflag:$0x3], $0x1000, $0x38;
	[tilespmem:$0x1E900] =	vst v63  }
0x7e: {  	_ =	swait.ge [sflag:s1], $0x1000  }
0x7f: {  	[sflag:s1] =	ssyncset.done $0x0  }
0x80: {  	s8 =	rddreg [dreg:$0x4];
	[sflag:s1] =	ssyncadd.s32 $0xFFFFF000  }
0x81: {  	[spmem:s8] =	stream.linear.scatter [tilespmem:s30], [sflag:$0x3], $0x100, $0x38;
	[tilespmem:$0x1E900] =	vst v63  }
0x82: {  	_ =	swait.ge [sflag:s1], $0x100  }
0x83: {  	[sflag:s1] =	ssyncset.done $0x0  }
0x84: {  	[sflag:s1] =	ssyncadd.s32 $0xFFFFFF00  }
0x85: {  	[bflag:$0x0] =	sbarrier.arrive $0xFFFF  }
0x86: {  	p0 =	por $0x1, $0x1;
	s8 =	rddreg [dreg:$0x1b]  }
0x87: {  	s0 =	simm.s32 $0x1500;
	s30 =	simm.s32 $0x0;
	s31 =	rddreg [dreg:$0x1c]  }
.LBB2_4:
0x88: {  	s6 =	sadd.s32 s30, s31  }
0x89: {  	s6 =	sshrl.u32 s6, $0x3  }
0x8a: {  	s6 =	sadd.s32 s8, s6  }
0x8b: {  	[tilespmem:s5], [sflag:$0x3] =	stream.linear.gather [hbm4b:s6+s5], $0x2800, $0x38;
	[tilespmem:$0x1E900] =	vst v63  }
0x8c: {  	_ =	swait.ge [sflag:s1], $0x2800  }
0x8d: {  	[sflag:s1] =	ssyncset.done $0x0  }
0x8e: {  	s30 =	simm.s32 $0x2800;
	[sflag:s1] =	ssyncadd.s32 $0xFFFFD800  }
0x8f: {  	[tilespmem:s30], [sflag:$0x1] =	stream.indirect.gather [hbm4b:s4+s7], $0x40, s5, s7, $0xb8;
	[tilespmem:$0x1E900] =	vst v63  }
0x90: {  	s6 =	simm.s32 $0x200  }
0x91: {  	[tilespmem:s10], [sflag:$0x2] =	stream.indirect.gather [hbm4b:s4+s7], $0x40, s6, s7, $0xb8;
	[tilespmem:$0x1E900] =	vst v63  }
0x92: {  	_ =	swait.ge [sflag:s11], $0x4000  }
0x93: {  	[sflag:s11] =	ssyncset.done $0x0  }
0x94: {  	[sflag:s11] =	ssyncadd.s32 $0xFFFFC000  }
0x95: {  	[spmem:s2] =	stream.indirect.scatter.add.f32 [tilespmem:s30], [sflag:$0x3], $0x40, s7, s7, $0xb8;
	[tilespmem:$0x1E900] =	vst v63  }
0x96: {  	_ =	swait.ge [sflag:s1], $0x4000  }
0x97: {  	[sflag:s1] =	ssyncset.done $0x0  }
0x98: {  	[sflag:s1] =	ssyncadd.s32 $0xFFFFC000  }
0x99: {  	_ =	swait.ge [sflag:s12], $0x4000  }
0x9a: {  	[sflag:s12] =	ssyncset.done $0x0  }
0x9b: {  	s6 =	simm.s32 $0x300;
	[sflag:s12] =	ssyncadd.s32 $0xFFFFC000  }
0x9c: {  	[spmem:s2] =	stream.indirect.scatter.add.f32 [tilespmem:s10], [sflag:$0x3], $0x40, s6, s7, $0xb8;
	[tilespmem:$0x1E900] =	vst v63  }
0x9d: {  	_ =	swait.ge [sflag:s1], $0x4000  }
0x9e: {  	[sflag:s1] =	ssyncset.done $0x0  }
0x9f: {  	s6 =	simm.s32 $0x400;
	[sflag:s1] =	ssyncadd.s32 $0xFFFFC000  }
0xa0: {  	[tilespmem:s30], [sflag:$0x1] =	stream.indirect.gather [hbm4b:s4+s7], $0x40, s6, s7, $0xb8;
	[tilespmem:$0x1E900] =	vst v63  }
0xa1: {  	s6 =	simm.s32 $0x600  }
0xa2: {  	[tilespmem:s10], [sflag:$0x2] =	stream.indirect.gather [hbm4b:s4+s7], $0x40, s6, s7, $0xb8;
	[tilespmem:$0x1E900] =	vst v63  }
0xa3: {  	_ =	swait.ge [sflag:s11], $0x4000  }
0xa4: {  	[sflag:s11] =	ssyncset.done $0x0  }
0xa5: {  	s6 =	simm.s32 $0x500;
	[sflag:s11] =	ssyncadd.s32 $0xFFFFC000  }
0xa6: {  	[spmem:s2] =	stream.indirect.scatter.add.f32 [tilespmem:s30], [sflag:$0x3], $0x40, s6, s7, $0xb8;
	[tilespmem:$0x1E900] =	vst v63  }
0xa7: {  	_ =	swait.ge [sflag:s1], $0x4000  }
0xa8: {  	[sflag:s1] =	ssyncset.done $0x0  }
0xa9: {  	[sflag:s1] =	ssyncadd.s32 $0xFFFFC000  }
0xaa: {  	_ =	swait.ge [sflag:s12], $0x4000  }
0xab: {  	[sflag:s12] =	ssyncset.done $0x0  }
0xac: {  	s6 =	simm.s32 $0x700;
	[sflag:s12] =	ssyncadd.s32 $0xFFFFC000  }
0xad: {  	[spmem:s2] =	stream.indirect.scatter.add.f32 [tilespmem:s10], [sflag:$0x3], $0x40, s6, s7, $0xb8;
	[tilespmem:$0x1E900] =	vst v63  }
0xae: {  	_ =	swait.ge [sflag:s1], $0x4000  }
0xaf: {  	[sflag:s1] =	ssyncset.done $0x0  }
0xb0: {  	s6 =	simm.s32 $0x800;
	[sflag:s1] =	ssyncadd.s32 $0xFFFFC000  }
0xb1: {  	[tilespmem:s30], [sflag:$0x1] =	stream.indirect.gather [hbm4b:s4+s7], $0x40, s6, s7, $0xb8;
	[tilespmem:$0x1E900] =	vst v63  }
0xb2: {  	s6 =	simm.s32 $0xA00  }
0xb3: {  	[tilespmem:s10], [sflag:$0x2] =	stream.indirect.gather [hbm4b:s4+s7], $0x40, s6, s7, $0xb8;
	[tilespmem:$0x1E900] =	vst v63  }
0xb4: {  	_ =	swait.ge [sflag:s11], $0x4000  }
0xb5: {  	[sflag:s11] =	ssyncset.done $0x0  }
0xb6: {  	s6 =	simm.s32 $0x900;
	[sflag:s11] =	ssyncadd.s32 $0xFFFFC000  }
0xb7: {  	[spmem:s2] =	stream.indirect.scatter.add.f32 [tilespmem:s30], [sflag:$0x3], $0x40, s6, s7, $0xb8;
	[tilespmem:$0x1E900] =	vst v63  }
0xb8: {  	_ =	swait.ge [sflag:s1], $0x4000  }
0xb9: {  	[sflag:s1] =	ssyncset.done $0x0  }
0xba: {  	[sflag:s1] =	ssyncadd.s32 $0xFFFFC000  }
0xbb: {  	_ =	swait.ge [sflag:s12], $0x4000  }
0xbc: {  	[sflag:s12] =	ssyncset.done $0x0  }
0xbd: {  	s6 =	simm.s32 $0xB00;
	[sflag:s12] =	ssyncadd.s32 $0xFFFFC000  }
0xbe: {  	[spmem:s2] =	stream.indirect.scatter.add.f32 [tilespmem:s10], [sflag:$0x3], $0x40, s6, s7, $0xb8;
	[tilespmem:$0x1E900] =	vst v63  }
0xbf: {  	_ =	swait.ge [sflag:s1], $0x4000  }
0xc0: {  	[sflag:s1] =	ssyncset.done $0x0  }
0xc1: {  	s6 =	simm.s32 $0xC00;
	[sflag:s1] =	ssyncadd.s32 $0xFFFFC000  }
0xc2: {  	[tilespmem:s30], [sflag:$0x1] =	stream.indirect.gather [hbm4b:s4+s7], $0x40, s6, s7, $0xb8;
	[tilespmem:$0x1E900] =	vst v63  }
0xc3: {  	s6 =	simm.s32 $0xE00  }
0xc4: {  	[tilespmem:s10], [sflag:$0x2] =	stream.indirect.gather [hbm4b:s4+s7], $0x40, s6, s7, $0xb8;
	[tilespmem:$0x1E900] =	vst v63  }
0xc5: {  	_ =	swait.ge [sflag:s11], $0x4000  }
0xc6: {  	[sflag:s11] =	ssyncset.done $0x0  }
0xc7: {  	s6 =	simm.s32 $0xD00;
	[sflag:s11] =	ssyncadd.s32 $0xFFFFC000  }
0xc8: {  	[spmem:s2] =	stream.indirect.scatter.add.f32 [tilespmem:s30], [sflag:$0x3], $0x40, s6, s7, $0xb8;
	[tilespmem:$0x1E900] =	vst v63  }
0xc9: {  	_ =	swait.ge [sflag:s1], $0x4000  }
0xca: {  	[sflag:s1] =	ssyncset.done $0x0  }
0xcb: {  	[sflag:s1] =	ssyncadd.s32 $0xFFFFC000  }
0xcc: {  	_ =	swait.ge [sflag:s12], $0x4000  }
0xcd: {  	[sflag:s12] =	ssyncset.done $0x0  }
0xce: {  	s6 =	simm.s32 $0xF00;
	[sflag:s12] =	ssyncadd.s32 $0xFFFFC000  }
0xcf: {  	[spmem:s2] =	stream.indirect.scatter.add.f32 [tilespmem:s10], [sflag:$0x3], $0x40, s6, s7, $0xb8;
	[tilespmem:$0x1E900] =	vst v63  }
0xd0: {  	_ =	swait.ge [sflag:s1], $0x4000  }
0xd1: {  	[sflag:s1] =	ssyncset.done $0x0  }
0xd2: {  	s6 =	simm.s32 $0x1000;
	[sflag:s1] =	ssyncadd.s32 $0xFFFFC000  }
0xd3: {  	[tilespmem:s30], [sflag:$0x1] =	stream.indirect.gather [hbm4b:s4+s7], $0x40, s6, s7, $0xb8;
	[tilespmem:$0x1E900] =	vst v63  }
0xd4: {  	s6 =	simm.s32 $0x1200  }
0xd5: {  	[tilespmem:s10], [sflag:$0x2] =	stream.indirect.gather [hbm4b:s4+s7], $0x40, s6, s7, $0xb8;
	[tilespmem:$0x1E900] =	vst v63  }
0xd6: {  	_ =	swait.ge [sflag:s11], $0x4000  }
0xd7: {  	[sflag:s11] =	ssyncset.done $0x0  }
0xd8: {  	s6 =	simm.s32 $0x1100;
	[sflag:s11] =	ssyncadd.s32 $0xFFFFC000  }
0xd9: {  	[spmem:s2] =	stream.indirect.scatter.add.f32 [tilespmem:s30], [sflag:$0x3], $0x40, s6, s7, $0xb8;
	[tilespmem:$0x1E900] =	vst v63  }
0xda: {  	_ =	swait.ge [sflag:s1], $0x4000  }
0xdb: {  	[sflag:s1] =	ssyncset.done $0x0  }
0xdc: {  	[sflag:s1] =	ssyncadd.s32 $0xFFFFC000  }
0xdd: {  	_ =	swait.ge [sflag:s12], $0x4000  }
0xde: {  	[sflag:s12] =	ssyncset.done $0x0  }
0xdf: {  	s6 =	simm.s32 $0x1300;
	[sflag:s12] =	ssyncadd.s32 $0xFFFFC000  }
0xe0: {  	[spmem:s2] =	stream.indirect.scatter.add.f32 [tilespmem:s10], [sflag:$0x3], $0x40, s6, s7, $0xb8;
	[tilespmem:$0x1E900] =	vst v63  }
0xe1: {  	_ =	swait.ge [sflag:s1], $0x4000  }
0xe2: {  	[sflag:s1] =	ssyncset.done $0x0  }
0xe3: {  	s6 =	simm.s32 $0x1400;
	[sflag:s1] =	ssyncadd.s32 $0xFFFFC000  }
0xe4: {  	[tilespmem:s30], [sflag:$0x1] =	stream.indirect.gather [hbm4b:s4+s7], $0x40, s6, s7, $0xb8;
	[tilespmem:$0x1E900] =	vst v63  }
0xe5: {  	_ = 	snop  }
0xe6: {  	[tilespmem:s10], [sflag:$0x2] =	stream.indirect.gather [hbm4b:s4+s7], $0x40, s3, s7, $0xb8;
	[tilespmem:$0x1E900] =	vst v63  }
0xe7: {  	_ =	swait.ge [sflag:s11], $0x4000  }
0xe8: {  	[sflag:s11] =	ssyncset.done $0x0  }
0xe9: {  	[sflag:s11] =	ssyncadd.s32 $0xFFFFC000  }
0xea: {  	[spmem:s2] =	stream.indirect.scatter.add.f32 [tilespmem:s30], [sflag:$0x3], $0x40, s0, s7, $0xb8;
	[tilespmem:$0x1E900] =	vst v63  }
0xeb: {  	_ =	swait.ge [sflag:s1], $0x4000  }
0xec: {  	[sflag:s1] =	ssyncset.done $0x0  }
0xed: {  	[sflag:s1] =	ssyncadd.s32 $0xFFFFC000  }
0xee: {  	_ =	swait.ge [sflag:s12], $0x4000  }
0xef: {  	[sflag:s12] =	ssyncset.done $0x0  }
0xf0: {  	[sflag:s12] =	ssyncadd.s32 $0xFFFFC000  }
0xf1: {  	[spmem:s2] =	stream.indirect.scatter.add.f32 [tilespmem:s10], [sflag:$0x3], $0x40, s9, s7, $0xb8;
	[tilespmem:$0x1E900] =	vst v63  }
0xf2: {  	_ =	swait.ge [sflag:s1], $0x4000  }
0xf3: {  	[sflag:s1] =	ssyncset.done $0x0  }
0xf4: {  	[sflag:s1] =	ssyncadd.s32 $0xFFFFC000  }
0xf5: {  	[tilespmem:s30], [sflag:$0x1] =	stream.indirect.gather [hbm4b:s4+s7], $0x40, s13, s7, $0xb8;
	[tilespmem:$0x1E900] =	vst v63  }
0xf6: {  	_ = 	snop  }
0xf7: {  	[tilespmem:s10], [sflag:$0x2] =	stream.indirect.gather [hbm4b:s4+s7], $0x40, s14, s7, $0xb8;
	[tilespmem:$0x1E900] =	vst v63  }
0xf8: {  	_ =	swait.ge [sflag:s11], $0x4000  }
0xf9: {  	[sflag:s11] =	ssyncset.done $0x0  }
0xfa: {  	[sflag:s11] =	ssyncadd.s32 $0xFFFFC000  }
0xfb: {  	[spmem:s2] =	stream.indirect.scatter.add.f32 [tilespmem:s30], [sflag:$0x3], $0x40, s15, s7, $0xb8;
	[tilespmem:$0x1E900] =	vst v63  }
0xfc: {  	_ =	swait.ge [sflag:s1], $0x4000  }
0xfd: {  	[sflag:s1] =	ssyncset.done $0x0  }
0xfe: {  	[sflag:s1] =	ssyncadd.s32 $0xFFFFC000  }
0xff: {  	_ =	swait.ge [sflag:s12], $0x4000  }
0x100: {  	[sflag:s12] =	ssyncset.done $0x0  }
0x101: {  	[sflag:s12] =	ssyncadd.s32 $0xFFFFC000  }
0x102: {  	[spmem:s2] =	stream.indirect.scatter.add.f32 [tilespmem:s10], [sflag:$0x3], $0x40, s16, s7, $0xb8;
	[tilespmem:$0x1E900] =	vst v63  }
0x103: {  	_ =	swait.ge [sflag:s1], $0x4000  }
0x104: {  	[sflag:s1] =	ssyncset.done $0x0  }
0x105: {  	[sflag:s1] =	ssyncadd.s32 $0xFFFFC000  }
0x106: {  	[tilespmem:s30], [sflag:$0x1] =	stream.indirect.gather [hbm4b:s4+s7], $0x40, s17, s7, $0xb8;
	[tilespmem:$0x1E900] =	vst v63  }
0x107: {  	_ = 	snop  }
0x108: {  	[tilespmem:s10], [sflag:$0x2] =	stream.indirect.gather [hbm4b:s4+s7], $0x40, s18, s7, $0xb8;
	[tilespmem:$0x1E900] =	vst v63  }
0x109: {  	_ =	swait.ge [sflag:s11], $0x4000  }
0x10a: {  	[sflag:s11] =	ssyncset.done $0x0  }
0x10b: {  	[sflag:s11] =	ssyncadd.s32 $0xFFFFC000  }
0x10c: {  	[spmem:s2] =	stream.indirect.scatter.add.f32 [tilespmem:s30], [sflag:$0x3], $0x40, s19, s7, $0xb8;
	[tilespmem:$0x1E900] =	vst v63  }
0x10d: {  	_ =	swait.ge [sflag:s1], $0x4000  }
0x10e: {  	[sflag:s1] =	ssyncset.done $0x0  }
0x10f: {  	[sflag:s1] =	ssyncadd.s32 $0xFFFFC000  }
0x110: {  	_ =	swait.ge [sflag:s12], $0x4000  }
0x111: {  	[sflag:s12] =	ssyncset.done $0x0  }
0x112: {  	[sflag:s12] =	ssyncadd.s32 $0xFFFFC000  }
0x113: {  	[spmem:s2] =	stream.indirect.scatter.add.f32 [tilespmem:s10], [sflag:$0x3], $0x40, s20, s7, $0xb8;
	[tilespmem:$0x1E900] =	vst v63  }
0x114: {  	_ =	swait.ge [sflag:s1], $0x4000  }
0x115: {  	[sflag:s1] =	ssyncset.done $0x0  }
0x116: {  	[sflag:s1] =	ssyncadd.s32 $0xFFFFC000  }
0x117: {  	[tilespmem:s30], [sflag:$0x1] =	stream.indirect.gather [hbm4b:s4+s7], $0x40, s21, s7, $0xb8;
	[tilespmem:$0x1E900] =	vst v63  }
0x118: {  	_ = 	snop  }
0x119: {  	[tilespmem:s10], [sflag:$0x2] =	stream.indirect.gather [hbm4b:s4+s7], $0x40, s22, s7, $0xb8;
	[tilespmem:$0x1E900] =	vst v63  }
0x11a: {  	_ =	swait.ge [sflag:s11], $0x4000  }
0x11b: {  	[sflag:s11] =	ssyncset.done $0x0  }
0x11c: {  	[sflag:s11] =	ssyncadd.s32 $0xFFFFC000  }
0x11d: {  	[spmem:s2] =	stream.indirect.scatter.add.f32 [tilespmem:s30], [sflag:$0x3], $0x40, s23, s7, $0xb8;
	[tilespmem:$0x1E900] =	vst v63  }
0x11e: {  	_ =	swait.ge [sflag:s1], $0x4000  }
0x11f: {  	[sflag:s1] =	ssyncset.done $0x0  }
0x120: {  	[sflag:s1] =	ssyncadd.s32 $0xFFFFC000  }
0x121: {  	_ =	swait.ge [sflag:s12], $0x4000  }
0x122: {  	[sflag:s12] =	ssyncset.done $0x0  }
0x123: {  	[sflag:s12] =	ssyncadd.s32 $0xFFFFC000  }
0x124: {  	[spmem:s2] =	stream.indirect.scatter.add.f32 [tilespmem:s10], [sflag:$0x3], $0x40, s24, s7, $0xb8;
	[tilespmem:$0x1E900] =	vst v63  }
0x125: {  	_ =	swait.ge [sflag:s1], $0x4000  }
0x126: {  	[sflag:s1] =	ssyncset.done $0x0  }
0x127: {  	[sflag:s1] =	ssyncadd.s32 $0xFFFFC000  }
0x128: {  	[tilespmem:s30], [sflag:$0x1] =	stream.indirect.gather [hbm4b:s4+s7], $0x40, s25, s7, $0xb8;
	[tilespmem:$0x1E900] =	vst v63  }
0x129: {  	_ = 	snop  }
0x12a: {  	[tilespmem:s10], [sflag:$0x2] =	stream.indirect.gather [hbm4b:s4+s7], $0x40, s26, s7, $0xb8;
	[tilespmem:$0x1E900] =	vst v63  }
0x12b: {  	_ =	swait.ge [sflag:s11], $0x4000  }
0x12c: {  	[sflag:s11] =	ssyncset.done $0x0  }
0x12d: {  	[sflag:s11] =	ssyncadd.s32 $0xFFFFC000  }
0x12e: {  	[spmem:s2] =	stream.indirect.scatter.add.f32 [tilespmem:s30], [sflag:$0x3], $0x40, s28, s7, $0xb8;
	[tilespmem:$0x1E900] =	vst v63  }
0x12f: {  	_ =	swait.ge [sflag:s1], $0x4000  }
0x130: {  	[sflag:s1] =	ssyncset.done $0x0  }
0x131: {  	[sflag:s1] =	ssyncadd.s32 $0xFFFFC000  }
0x132: {  	_ =	swait.ge [sflag:s12], $0x4000  }
0x133: {  	p1 =	por p0, p0;
	[sflag:s12] =	ssyncset.done $0x0  }
.Ltmp1:
0x134: {  	[sflag:s12] =	ssyncadd.s32 $0xFFFFC000;
	(pc) =	sbr.rel @p1 .LBB2_4-.Ltmp1, $4  }
0x135: {  	[spmem:s2] =	stream.indirect.scatter.add.f32 [tilespmem:s10], [sflag:$0x3], $0x40, s29, s7, $0xb8;
	[tilespmem:$0x1E900] =	vst v63  }
0x136: {  	_ =	swait.ge [sflag:s1], $0x4000  }
0x137: {  	[sflag:s1] =	ssyncset.done $0x0  }
0x138: {  	p0 =	por $0x0, $0x0;
	[sflag:s1] =	ssyncadd.s32 $0xFFFFC000  }
0x139: {  	s6 =	stileid.u32;
	[bflag:$0x0] =	sbarrier.arrive $0xFFFF  }
0x13a: {  	s6 =	sshll.u32 s6, $0x6;
	s30 =	rddreg [dreg:$0x5]  }
0x13b: {  	s31 =	rddreg [dreg:$0x15];
	s6 =	sor.u32 $0x1C03, s6  }
0x13c: {  	[hbm:s30], [sflag:s6] =	dma.local [spmem:s31], $0x2820  }
0x13d: {  	_ =	swait.ge [sflag:s1], $0x2820  }
0x13e: {  	s0 =	rddreg [dreg:$0x1d]  }
0x13f: {  	s31 =	rddreg [dreg:$0x6];
	s0 =	sadd.s32 $0x1, s0  }
0x140: {  	p0 =	sne.s32 s0, s31  }
.Ltmp2:
0x141: {  	_ = 	snop;
	(pc) =	sbr.rel @p0 .LBB2_1-.Ltmp2, $3  }
0x142: {  	_ =	sdelay $0x1  }
0x143: {  	[sflag:s1] =	ssyncset.done $0x0  }
0x144: {  	[sflag:s1] =	ssyncadd.s32 $0xFFFFD7E0  }
0x145: {  	_ =	sfence.sel $0x180000  }
0x146: {  	[bflag:$0x0] =	sbarrier.arrive $0xFFFF  }
0x147: {  	_ =	strace $0x9000004D  }
0x148: {  	s0 =	stileid.u32;
	[bflag:$0x2] =	sbarrier.arrive $0xFFFF  }
0x149: {  	p0 =	sne.s32 s0, $0x0;
	s0 =	rddreg [dreg:$0x2]  }
0x14a: {  	s0 =	sadd.s32 @!p0 $0x100000, s0  }
0x14b: {  	[sflag:s0] =	ssyncadd.tile.s32 @!p0 $0x1;
	_ =	shalt  }
.Lfunc_end2:
_tile_overlayer_lowered:
.L_overlay_start_2:
0x14c: {  	(tag) =	ssettag $0x2  }
0x14d: {  	s0 =	rddreg [dreg:$0x0];
	s2 =	stileid.u32  }
0x14e: {  	s1 =	rddreg [dreg:$0x1];
	p0 =	sne.s32 s2, $0x0  }
0x14f: {  	s3 =	rddreg [dreg:$0x2];
	[bflag:$0x3] =	sbarrier.arrive $0xFFFF;
	s2 =	simm.s32 @!p0 $0x1C03  }
0x150: {  	[timem:s3], [sflag:s2] =	dma.local @!p0 [hbm:s0], s1  }
0x151: {  	s0 =	simm.s32 @!p0 $0x3  }
0x152: {  	_ =	swait.ge @!p0 [sflag:s0], s1  }
0x153: {  	s1 =	ssub.s32 @!p0 $0x0, s1;
	[sflag:s0] =	ssyncset.done @!p0 $0x0  }
0x154: {  	[sflag:s0] =	ssyncadd.s32 @!p0 s1  }
0x155: {  	[bflag:$0x3] =	sbarrier.arrive $0xFFFF  }
0x156: {  	_ =	shalt  }

// kernel: kernel.18.cloned.1.call-start
scs
__scs_entry_jumppad:
0x0: {  	(pc) =	sbr.rel $0x88, $3  }
0x1: {  	(tag) =	ssettag $0x0;
	lr =	simm.s32 $0x1  }
0x2: {  	[smem:$0x3F93] =	sst lr;
	_ =	strace $0xD0000000  }
0x3: {  	_ = 	snop  }
0x4: {  	_ = 	snop  }
0x5: {  	_ = 	snop  }
0x6: {  	_ = 	snop  }
0x7: {  	_ = 	snop  }
__scs_overlays_trampoline_lowered:
0x8: {  	[smem:$0x3FA2] =	sst s0  }
0x9: {  	[smem:$0x3FA3] =	sst s1  }
0xa: {  	[smem:$0x3FA4] =	sst s2  }
0xb: {  	[smem:$0x3FA5] =	sst s3  }
0xc: {  	[smem:$0x3FA6] =	sst s4  }
0xd: {  	[smem:$0x3FA7] =	sst s5  }
0xe: {  	[smem:$0x3FA8] =	sst s6  }
0xf: {  	[smem:$0x3FA9] =	sst s7  }
0x10: {  	[smem:$0x3FAA] =	sst s8  }
0x11: {  	[smem:$0x3FAB] =	sst s9;
	s0 =	simm.s32 @!p0 $0x0  }
0x12: {  	s1 =	sld [smem:$0x3F91];
	s0 =	simm.s32 @p0 $0x1  }
0x13: {  	[smem:$0x3FAC] =	sst s0;
	s0 =	simm.s32 @!p1 $0x0  }
0x14: {  	s2 =	sld [smem:$0x3F90];
	s0 =	simm.s32 @p1 $0x1  }
0x15: {  	[smem:$0x3FAD] =	sst s0;
	s0 =	simm.s32 @!p2 $0x0  }
0x16: {  	s3 =	sld [smem:$0x3FDB];
	s0 =	simm.s32 @p2 $0x1  }
0x17: {  	s4 =	simm.s32 $0x1BF5;
	[smem:$0x3FAF] =	sst s0  }
0x18: {  	s0 =	sld [smem:$0x3F92];
	_ =	swait.ge [sflag:s4], $0x0  }
0x19: {  	s7 =	sld [smem:$0x3F93]  }
0x1a: {  	s8 =	sadd.s32 $0xFFFFE003, lr  }
0x1b: {  	s9 =	sadd.s32 $0xFFFFFEF7, lr;
	s5 =	simm.s32 $0xFFFFFFFF;
	p2 =	slt.u32 s8, $0xFFFFF086  }
0x1c: {  	p1 =	slt.u32 s9, $0xF7A;
	s5 =	simm.s32 @!p2 $0x0  }
0x1d: {  	s5 =	simm.s32 @p1 $0x1;
	p0 =	seq.s32 s7, s2  }
0x1e: {  	s7 =	smul.u32 @!p0 $0xF7A, s2;
	p2 =	seq.s32 @!p0 s5, $0x0  }
0x1f: {  	s9 =	smul.u32 $0xF7A, s1;
	s8 =	simm.s32 @!p0 $0x1BF5;
	p2 =	por !p2, p0  }
0x20: {  	[sflag:s8] =	ssyncset.s32 @!p0 $0xFFFFF086;
	s6 =	sadd.s32 @!p0 s3, s7;
	s7 =	simm.s32 @!p0 $0x108  }
0x21: {  	s3 =	sadd.s32 s3, s9;
	s6 =	sadd.s32 @!p0 $0x88, s6;
	s7 =	simm.s32 @p2 $0x1082  }
0x22: {  	[simem:s7], [sflag:s8] =	dma.local @!p0 [hbm:s6], $0xF7A  }
0x23: {  	s9 =	sor.u32 $0xD0000000, s2;
	s6 =	simm.s32 $0x108;
	_ =	swait.ge @!p0 [sflag:s8], $0x0  }
0x24: {  	s3 =	sadd.s32 $0x88, s3;
	s6 =	simm.s32 @!p1 $0x1082;
	[sflag:s4] =	ssyncset.s32 $0xFFFFF086  }
0x25: {  	[simem:s6], [sflag:s4] =	dma.local [hbm:s3], $0xF7A  }
0x26: {  	[smem:$0x3F93] =	sst s1;
	(tag) =	ssettag s2;
	_ =	strace s9  }
0x27: {  	s1 =	sld [smem:$0x3FA3]  }
0x28: {  	s2 =	sld [smem:$0x3FA4]  }
0x29: {  	s4 =	sld [smem:$0x3FA6]  }
0x2a: {  	p0 =	seq.s32 s5, $0x0;
	s5 =	sld [smem:$0x3FA7]  }
0x2b: {  	s6 =	sld [smem:$0x3FA8]  }
0x2c: {  	s7 =	sld [smem:$0x3FA9]  }
0x2d: {  	s3 =	simm.s32 $0x108;
	s8 =	sld [smem:$0x3FAA]  }
0x2e: {  	s3 =	simm.s32 @!p0 $0x1082;
	s9 =	sld [smem:$0x3FAB]  }
0x2f: {  	lr =	sadd.s32 s0, s3;
	s0 =	sld [smem:$0x3FA2]  }
0x30: {  	s3 =	sld [smem:$0x3FA5]  }
0x31: {  	[smem:$0x3FAE] =	sst s10  }
0x32: {  	s10 =	sld [smem:$0x3FAC];
	_ =	sdelay $0x3  }
0x33: {  	p0 =	seq.s32 s10, $0x1;
	s10 =	sld [smem:$0x3FAE];
	_ =	sdelay $0x3  }
0x34: {  	[smem:$0x3FAE] =	sst s10  }
0x35: {  	s10 =	sld [smem:$0x3FAD];
	_ =	sdelay $0x3  }
0x36: {  	p1 =	seq.s32 s10, $0x1;
	s10 =	sld [smem:$0x3FAE];
	_ =	sdelay $0x3  }
0x37: {  	[smem:$0x3FAE] =	sst s10  }
0x38: {  	s10 =	sld [smem:$0x3FAF]  }
0x39: {  	_ = 	snop;
	(pc) =	sbr.ind lr, $3  }
0x3a: {  	_ = 	snop  }
0x3b: {  	_ = 	snop  }
0x3c: {  	p2 =	seq.s32 s10, $0x1;
	s10 =	sld [smem:$0x3FAE]  }
0x3d: {  	_ =	shalt  }
0x3e: {  	_ =	shalt  }
0x3f: {  	_ =	shalt  }
0x40: {  	_ =	shalt  }
0x41: {  	_ =	shalt  }
0x42: {  	_ =	shalt  }
0x43: {  	_ =	shalt  }
0x44: {  	_ =	shalt  }
0x45: {  	_ =	shalt  }
0x46: {  	_ =	shalt  }
0x47: {  	_ =	shalt  }
0x48: {  	_ =	shalt  }
0x49: {  	_ =	shalt  }
0x4a: {  	_ =	shalt  }
0x4b: {  	_ =	shalt  }
0x4c: {  	_ =	shalt  }
0x4d: {  	_ =	shalt  }
0x4e: {  	_ =	shalt  }
0x4f: {  	_ =	shalt  }
0x50: {  	_ =	shalt  }
0x51: {  	_ =	shalt  }
0x52: {  	_ =	shalt  }
0x53: {  	_ =	shalt  }
0x54: {  	_ =	shalt  }
0x55: {  	_ =	shalt  }
0x56: {  	_ =	shalt  }
0x57: {  	_ =	shalt  }
0x58: {  	_ =	shalt  }
0x59: {  	_ =	shalt  }
0x5a: {  	_ =	shalt  }
0x5b: {  	_ =	shalt  }
0x5c: {  	_ =	shalt  }
0x5d: {  	_ =	shalt  }
0x5e: {  	_ =	shalt  }
0x5f: {  	_ =	shalt  }
0x60: {  	_ =	shalt  }
0x61: {  	_ =	shalt  }
0x62: {  	_ =	shalt  }
0x63: {  	_ =	shalt  }
0x64: {  	_ =	shalt  }
0x65: {  	_ =	shalt  }
0x66: {  	_ =	shalt  }
0x67: {  	_ =	shalt  }
0x68: {  	_ =	shalt  }
0x69: {  	_ =	shalt  }
0x6a: {  	_ =	shalt  }
0x6b: {  	_ =	shalt  }
0x6c: {  	_ =	shalt  }
0x6d: {  	_ =	shalt  }
0x6e: {  	_ =	shalt  }
0x6f: {  	_ =	shalt  }
0x70: {  	_ =	shalt  }
0x71: {  	_ =	shalt  }
0x72: {  	_ =	shalt  }
0x73: {  	_ =	shalt  }
0x74: {  	_ =	shalt  }
0x75: {  	_ =	shalt  }
0x76: {  	_ =	shalt  }
0x77: {  	_ =	shalt  }
0x78: {  	_ =	shalt  }
0x79: {  	_ =	shalt  }
0x7a: {  	_ =	shalt  }
0x7b: {  	_ =	shalt  }
0x7c: {  	_ =	shalt  }
0x7d: {  	_ =	shalt  }
0x7e: {  	_ =	shalt  }
0x7f: {  	_ =	shalt  }
0x80: {  	_ =	shalt  }
0x81: {  	_ =	shalt  }
0x82: {  	_ =	shalt  }
0x83: {  	_ =	shalt  }
0x84: {  	_ =	shalt  }
0x85: {  	_ =	shalt  }
0x86: {  	_ =	shalt  }
0x87: {  	_ =	shalt  }
.Lfunc_end0:
.L_simem_size_0:
called_computation.3_lowered:
.L_overlay_start_0:
0x88: {  	s2 =	sld [smem:$0x3FD9]  }
0x89: {  	s3 =	sld [smem:$0x3FFE];
	_ =	sdelay $0x1  }
0x8a: {  	s1 =	srdreg.scid  }
0x8b: {  	s0 =	sand.u32 $0x1, s1  }
0x8c: {  	s16 =	sshll.u32 s0, $0xA;
	s2 =	sadd.s32 s3, s2  }
0x8d: {  	s2 =	sadd.s32 s2, s16  }
0x8e: {  	[smem:$0x3FBA] =	sst s2  }
0x8f: {  	_ = 	snop  }
0x90: {  	(tm) =	ssettm $0x1  }
0x91: {  	s17 =	sld [smem:$0x3FFB];
	_ =	sdelay $0x3  }
0x92: {  	_ =	strace s17  }
0x93: {  	s2 =	sld [smem:$0x3FFC];
	_ =	sdelay $0x3  }
0x94: {  	_ =	strace s2  }
0x95: {  	s2 =	sld [smem:$0x3FFD];
	_ =	sdelay $0x3  }
0x96: {  	_ =	strace s2  }
0x97: {  	_ =	strace $0x8FFFFFFF  }
0x98: {  	s18 =	sld [smem:$0x3FDB];
	_ =	sdelay $0x1  }
0x99: {  	s19 =	simm.s32 $_scs_section_size  }
0x9a: {  	s4 =	simm.s32 $_size__tile_overlayer_lowered;
	s5 =	simm.s32 $_tile_overlayer_lowered  }
0x9b: {  	s22 =	simm.s32 $0x1BFF;
	s21 =	sshll.u32 s5, $0x1;
	s2 =	sadd.s32 s19, s18  }
0x9c: {  	s6 =	simm.s32 $0x0;
	s20 =	sshll.u32 s4, $0x1;
	s4 =	sadd.s32 s21, s2  }
0x9d: {  	[timem:s6], [sflag:s22] =	dma.local [hbm:s4], s20  }
0x9e: {  	_ =	swait.ge [sflag:s22], s20  }
0x9f: {  	s3 =	ssub.s32 $0x0, s20;
	[sflag:s22] =	ssyncset.done $0x0  }
0xa0: {  	[sflag:s22] =	ssyncadd.s32 s3;
	_ =	sdelay $0x1  }
0xa1: {  	s23 =	simm.s32 $0x1B8B  }
0xa2: {  	_ =	swait.ge [sflag:s23], $0x1  }
0xa3: {  	[sflag:s23] =	ssyncset.done $0x0  }
0xa4: {  	s25 =	simm.s32 $0x1B8E;
	s24 =	sld [smem:$0x3FFE];
	[sflag:s23] =	ssyncadd.s32 $0xFFFFFFFF  }
0xa5: {  	s26 =	simm.s32 $execute0_lowered;
	[smem:$0x3FD2] =	sst s25  }
0xa6: {  	s4 =	sshll.u32 s26, $0x1;
	_ =	strace $0x8000004F;
	[dreg:$0x1] =	wrdreg $0xFFFFFFFF  }
0xa7: {  	s28 =	simm.s32 $_size_execute0_lowered;
	s2 =	sadd.s32 s2, s4;
	[dreg:$0x0] =	wrdreg $0x0  }
0xa8: {  	s4 =	sshll.u32 s28, $0x1;
	[dreg:$0x2] =	wrdreg s2  }
0xa9: {  	[dreg:$0x3] =	wrdreg s4  }
0xaa: {  	[dreg:$0x4] =	wrdreg $0xC0  }
0xab: {  	_ =	task [dreg:s6], $0x5FFFF  }
0xac: {  	[dreg:$0x1] =	wrdreg $0xFFFFFFFF  }
0xad: {  	[dreg:$0x0] =	wrdreg $0x60  }
0xae: {  	[dreg:$0x2] =	wrdreg s24  }
0xaf: {  	[dreg:$0x3] =	wrdreg $0xA8000  }
0xb0: {  	[dreg:$0x4] =	wrdreg $0x9  }
0xb1: {  	_ =	task.clear_ibuf [dreg:s6], $0x5FFFF;
	_ =	strace $0x9000004F  }
0xb2: {  	s29 =	simm.s32 $0x9;
	_ =	strace $0x80000051  }
0xb3: {  	_ =	swait.ge [sflag:s29], $0x1  }
0xb4: {  	[sflag:s29] =	ssyncadd.s32 $0xFFFFFFFF  }
0xb5: {  	_ =	strace $0x90000051  }
0xb6: {  	_ =	sfence  }
0xb7: {  	s30 =	sld [smem:$0x0];
	_ =	sdelay $0x2  }
0xb8: {  	s31 =	sshll.u32 s1, $0xD;
	s1 =	sshrl.u32 s1, $0x2  }
0xb9: {  	s3 =	sand.u32 $0x4000, s31;
	s1 =	sadd.s32 s1, s30  }
0xba: {  	s0 =	sor.u32 s3, s0;
	s1 =	sshll.u32 s1, $0x11  }
0xbb: {  	s0 =	sor.u32 s1, s0  }
0xbc: {  	s0 =	sadd.s32 $0x8F2B, s0  }
0xbd: {  	[sflag:s0] =	ssyncadd.remote.s32 $0x1  }
0xbe: {  	_ =	sfence.sel $0xFFFF  }
0xbf: {  	[dreg:$0x0] =	wrdreg $0xFFFFFFFF;
	(pc) =	sbr.abs _section_cstart, $3  }
0xc0: {  	[dreg:$0x1] =	wrdreg $0xFFFFFFFF  }
0xc1: {  	_ =	task.clear_ibuf [dreg:s6], $0x2FFFF;
	_ =	strace $0x9FFFFFFF  }
0xc2: {  	(tm) =	ssettm $0x7FFFFFFF  }
0xc3: {  	_ =	shalt  }
tec
execute0_lowered:
.L_overlay_start_1:
0x0: {  	(tag) =	ssettag $0x1  }
0x1: {  	s11 =	stileid.u32  }
0x2: {  	s1 =	srdreg.scid;
	s8 =	smul.u32 $0x50400, s11  }
0x3: {  	s1 =	sand.u32 $0x1, s1;
	s31 =	smul.u32 $0x5000, s11  }
0x4: {  	s0 =	rddreg [dreg:$0x0];
	s3 =	simm.s32 $0x0;
	s4 =	smul.u32 $0x141000, s1  }
0x5: {  	[smem:$0x7FF] =	sst s3;
	s9 =	ssub.s32 $0x2, s1;
	s1 =	smul.u32 $0x50000, s1  }
0x6: {  	s2 =	rddreg [dreg:$0x1];
	s30 =	sadd.s32 $0x44400, s0;
	_ =	strace $0x80000050  }
0x7: {  	[dreg:$0x1b] =	wrdreg s30;
	s8 =	sshrl.u32 s8, $0x2;
	s1 =	sadd.s32 s31, s1  }
0x8: {  	s10 =	sshrl.u32 s9, $0x1;
	s12 =	sadd.s32 s8, s2;
	[dreg:$0x1c] =	wrdreg s1  }
0x9: {  	s3 =	ssub.s32 s9, s10;
	s5 =	sadd.s32 $0x14000, s12;
	[dreg:$0x3] =	wrdreg s12  }
0xa: {  	s8 =	smax.u32 s3, $0x1;
	[dreg:$0x4] =	wrdreg s5  }
0xb: {  	s9 =	sadd.s32 $0x1000, s12;
	[dreg:$0x6] =	wrdreg s8  }
0xc: {  	s10 =	sadd.s32 $0x2000, s12;
	[dreg:$0x7] =	wrdreg s9  }
0xd: {  	s6 =	smul.u32 $0x14100, s11;
	s11 =	sadd.s32 $0x3000, s12;
	[dreg:$0x8] =	wrdreg s10  }
0xe: {  	s13 =	sadd.s32 $0x4000, s12;
	[dreg:$0x9] =	wrdreg s11  }
0xf: {  	s14 =	sadd.s32 $0x5000, s12;
	[dreg:$0xa] =	wrdreg s13  }
0x10: {  	s15 =	sadd.s32 $0x6000, s12;
	[dreg:$0xb] =	wrdreg s14  }
0x11: {  	s16 =	sadd.s32 $0x7000, s12;
	[dreg:$0xc] =	wrdreg s15  }
0x12: {  	s17 =	sadd.s32 $0x8000, s12;
	[dreg:$0xd] =	wrdreg s16  }
0x13: {  	s18 =	sadd.s32 $0x9000, s12;
	[dreg:$0xe] =	wrdreg s17  }
0x14: {  	s19 =	sadd.s32 $0xA000, s12;
	[dreg:$0xf] =	wrdreg s18  }
0x15: {  	s20 =	sadd.s32 $0xB000, s12;
	[dreg:$0x10] =	wrdreg s19  }
0x16: {  	s28 =	simm.s32 $0x2500;
	s21 =	sadd.s32 $0xC000, s12;
	[dreg:$0x11] =	wrdreg s20  }
0x17: {  	s29 =	simm.s32 $0x2700;
	s22 =	sadd.s32 $0xD000, s12;
	[dreg:$0x12] =	wrdreg s21  }
0x18: {  	s7 =	sadd.s32 s6, s4;
	s23 =	sadd.s32 $0xE000, s12;
	[dreg:$0x13] =	wrdreg s22  }
0x19: {  	s4 =	sadd.s32 $0x1E00, s0;
	s24 =	sadd.s32 $0xF000, s12;
	[dreg:$0x14] =	wrdreg s23  }
0x1a: {  	s6 =	sadd.s32 s6, s2;
	s25 =	sadd.s32 $0x10000, s12;
	[dreg:$0x16] =	wrdreg s24  }
0x1b: {  	s7 =	sshrl.u32 s7, $0x3;
	s26 =	sadd.s32 $0x11000, s12;
	[dreg:$0x17] =	wrdreg s25  }
0x1c: {  	s30 =	sadd.s32 $0x12000, s12;
	s31 =	sadd.s32 $0x13000, s12;
	[dreg:$0x18] =	wrdreg s26  }
0x1d: {  	s1 =	simm.s32 $0x3;
	s12 =	simm.s32 $0x2;
	[dreg:$0x19] =	wrdreg s30  }
0x1e: {  	s3 =	simm.s32 $0x1600;
	s0 =	sadd.s32 s7, s0;
	[dreg:$0x1a] =	wrdreg s31  }
0x1f: {  	s7 =	simm.s32 $0x100;
	s10 =	simm.s32 $0x6800;
	s11 =	simm.s32 $0x1  }
0x20: {  	s5 =	simm.s32 $0x0;
	s9 =	simm.s32 $0x1700;
	s13 =	simm.s32 $0x1800  }
0x21: {  	s14 =	simm.s32 $0x1A00;
	s15 =	simm.s32 $0x1900;
	s16 =	simm.s32 $0x1B00  }
0x22: {  	s17 =	simm.s32 $0x1C00;
	s18 =	simm.s32 $0x1E00;
	s19 =	simm.s32 $0x1D00  }
0x23: {  	s20 =	simm.s32 $0x1F00;
	s21 =	simm.s32 $0x2000;
	s22 =	simm.s32 $0x2200  }
0x24: {  	s23 =	simm.s32 $0x2100;
	s24 =	simm.s32 $0x2300;
	s0 =	sadd.s32 $0x58400, s0  }
0x25: {  	s25 =	simm.s32 $0x2400;
	[dreg:$0x5] =	wrdreg s0;
	s0 =	sshrl.u32 s6, $0x3  }
0x26: {  	v0 =	vimm.f32 $0.0e+00;
	s26 =	simm.s32 $0x2600;
	[dreg:$0x15] =	wrdreg s0;
	s0 =	simm.s32 $0x0  }
.LBB2_1:
0x27: {  	[dreg:$0x1d] =	wrdreg s0;
	s31 =	simm.s32 $0x100;
	s30 =	simm.s32 $0x0  }
.LBB2_2:
0x28: {  	p0 =	sne.s32 s31, $0xFF00;
	[tilespmem:s30+$0x2830] =	vst v0;
	s6 =	smov.u32 s31;
	s31 =	sadd.s32 $0x100, s31  }
.Ltmp0:
0x29: {  	[tilespmem:s30+$0x2820] =	vst v0;
	(pc) =	sbr.rel @p0 .LBB2_2-.Ltmp0, $3  }
0x2a: {  	[tilespmem:s30+$0x2800] =	vst v0  }
0x2b: {  	[tilespmem:s30+$0x2810] =	vst v0;
	_ =	sdelay $0x1  }
0x2c: {  	s30 =	sshra.s32 s6, $0x2  }
0x2d: {  	[tilespmem:s30+$0x2830] =	vst v0  }
0x2e: {  	[tilespmem:s30+$0x2820] =	vst v0  }
0x2f: {  	[tilespmem:s30+$0x2800] =	vst v0  }
0x30: {  	[tilespmem:s30+$0x2810] =	vst v0;
	s6 =	rddreg [dreg:$0x3];
	s30 =	simm.s32 $0x2800  }
0x31: {  	[spmem:s6] =	stream.linear.scatter [tilespmem:s30], [sflag:$0x3], $0x1000, $0x38;
	[tilespmem:$0x1E900] =	vst v63  }
0x32: {  	_ =	swait.ge [sflag:s1], $0x1000  }
0x33: {  	[sflag:s1] =	ssyncset.done $0x0  }
0x34: {  	s0 =	rddreg [dreg:$0x7];
	[sflag:s1] =	ssyncadd.s32 $0xFFFFF000  }
0x35: {  	[spmem:s0] =	stream.linear.scatter [tilespmem:s30], [sflag:$0x3], $0x1000, $0x38;
	[tilespmem:$0x1E900] =	vst v63  }
0x36: {  	_ =	swait.ge [sflag:s1], $0x1000  }
0x37: {  	[sflag:s1] =	ssyncset.done $0x0  }
0x38: {  	s8 =	rddreg [dreg:$0x8];
	[sflag:s1] =	ssyncadd.s32 $0xFFFFF000  }
0x39: {  	[spmem:s8] =	stream.linear.scatter [tilespmem:s30], [sflag:$0x3], $0x1000, $0x38;
	[tilespmem:$0x1E900] =	vst v63  }
0x3a: {  	_ =	swait.ge [sflag:s1], $0x1000  }
0x3b: {  	[sflag:s1] =	ssyncset.done $0x0  }
0x3c: {  	s0 =	rddreg [dreg:$0x9];
	[sflag:s1] =	ssyncadd.s32 $0xFFFFF000  }
0x3d: {  	[spmem:s0] =	stream.linear.scatter [tilespmem:s30], [sflag:$0x3], $0x1000, $0x38;
	[tilespmem:$0x1E900] =	vst v63  }
0x3e: {  	_ =	swait.ge [sflag:s1], $0x1000  }
0x3f: {  	[sflag:s1] =	ssyncset.done $0x0  }
0x40: {  	s8 =	rddreg [dreg:$0xa];
	[sflag:s1] =	ssyncadd.s32 $0xFFFFF000  }
0x41: {  	[spmem:s8] =	stream.linear.scatter [tilespmem:s30], [sflag:$0x3], $0x1000, $0x38;
	[tilespmem:$0x1E900] =	vst v63  }
0x42: {  	_ =	swait.ge [sflag:s1], $0x1000  }
0x43: {  	[sflag:s1] =	ssyncset.done $0x0  }
0x44: {  	s0 =	rddreg [dreg:$0xb];
	[sflag:s1] =	ssyncadd.s32 $0xFFFFF000  }
0x45: {  	[spmem:s0] =	stream.linear.scatter [tilespmem:s30], [sflag:$0x3], $0x1000, $0x38;
	[tilespmem:$0x1E900] =	vst v63  }
0x46: {  	_ =	swait.ge [sflag:s1], $0x1000  }
0x47: {  	[sflag:s1] =	ssyncset.done $0x0  }
0x48: {  	s8 =	rddreg [dreg:$0xc];
	[sflag:s1] =	ssyncadd.s32 $0xFFFFF000  }
0x49: {  	[spmem:s8] =	stream.linear.scatter [tilespmem:s30], [sflag:$0x3], $0x1000, $0x38;
	[tilespmem:$0x1E900] =	vst v63  }
0x4a: {  	_ =	swait.ge [sflag:s1], $0x1000  }
0x4b: {  	[sflag:s1] =	ssyncset.done $0x0  }
0x4c: {  	s0 =	rddreg [dreg:$0xd];
	[sflag:s1] =	ssyncadd.s32 $0xFFFFF000  }
0x4d: {  	[spmem:s0] =	stream.linear.scatter [tilespmem:s30], [sflag:$0x3], $0x1000, $0x38;
	[tilespmem:$0x1E900] =	vst v63  }
0x4e: {  	_ =	swait.ge [sflag:s1], $0x1000  }
0x4f: {  	[sflag:s1] =	ssyncset.done $0x0  }
0x50: {  	s8 =	rddreg [dreg:$0xe];
	[sflag:s1] =	ssyncadd.s32 $0xFFFFF000  }
0x51: {  	[spmem:s8] =	stream.linear.scatter [tilespmem:s30], [sflag:$0x3], $0x1000, $0x38;
	[tilespmem:$0x1E900] =	vst v63  }
0x52: {  	_ =	swait.ge [sflag:s1], $0x1000  }
0x53: {  	[sflag:s1] =	ssyncset.done $0x0  }
0x54: {  	s0 =	rddreg [dreg:$0xf];
	[sflag:s1] =	ssyncadd.s32 $0xFFFFF000  }
0x55: {  	[spmem:s0] =	stream.linear.scatter [tilespmem:s30], [sflag:$0x3], $0x1000, $0x38;
	[tilespmem:$0x1E900] =	vst v63  }
0x56: {  	_ =	swait.ge [sflag:s1], $0x1000  }
0x57: {  	[sflag:s1] =	ssyncset.done $0x0  }
0x58: {  	s8 =	rddreg [dreg:$0x10];
	[sflag:s1] =	ssyncadd.s32 $0xFFFFF000  }
0x59: {  	[spmem:s8] =	stream.linear.scatter [tilespmem:s30], [sflag:$0x3], $0x1000, $0x38;
	[tilespmem:$0x1E900] =	vst v63  }
0x5a: {  	_ =	swait.ge [sflag:s1], $0x1000  }
0x5b: {  	[sflag:s1] =	ssyncset.done $0x0  }
0x5c: {  	s0 =	rddreg [dreg:$0x11];
	[sflag:s1] =	ssyncadd.s32 $0xFFFFF000  }
0x5d: {  	[spmem:s0] =	stream.linear.scatter [tilespmem:s30], [sflag:$0x3], $0x1000, $0x38;
	[tilespmem:$0x1E900] =	vst v63  }
0x5e: {  	_ =	swait.ge [sflag:s1], $0x1000  }
0x5f: {  	[sflag:s1] =	ssyncset.done $0x0  }
0x60: {  	s8 =	rddreg [dreg:$0x12];
	[sflag:s1] =	ssyncadd.s32 $0xFFFFF000  }
0x61: {  	[spmem:s8] =	stream.linear.scatter [tilespmem:s30], [sflag:$0x3], $0x1000, $0x38;
	[tilespmem:$0x1E900] =	vst v63  }
0x62: {  	_ =	swait.ge [sflag:s1], $0x1000  }
0x63: {  	[sflag:s1] =	ssyncset.done $0x0  }
0x64: {  	s0 =	rddreg [dreg:$0x13];
	[sflag:s1] =	ssyncadd.s32 $0xFFFFF000  }
0x65: {  	[spmem:s0] =	stream.linear.scatter [tilespmem:s30], [sflag:$0x3], $0x1000, $0x38;
	[tilespmem:$0x1E900] =	vst v63  }
0x66: {  	_ =	swait.ge [sflag:s1], $0x1000  }
0x67: {  	[sflag:s1] =	ssyncset.done $0x0  }
0x68: {  	s8 =	rddreg [dreg:$0x14];
	[sflag:s1] =	ssyncadd.s32 $0xFFFFF000  }
0x69: {  	[spmem:s8] =	stream.linear.scatter [tilespmem:s30], [sflag:$0x3], $0x1000, $0x38;
	[tilespmem:$0x1E900] =	vst v63  }
0x6a: {  	_ =	swait.ge [sflag:s1], $0x1000  }
0x6b: {  	[sflag:s1] =	ssyncset.done $0x0  }
0x6c: {  	s0 =	rddreg [dreg:$0x16];
	[sflag:s1] =	ssyncadd.s32 $0xFFFFF000  }
0x6d: {  	[spmem:s0] =	stream.linear.scatter [tilespmem:s30], [sflag:$0x3], $0x1000, $0x38;
	[tilespmem:$0x1E900] =	vst v63  }
0x6e: {  	_ =	swait.ge [sflag:s1], $0x1000  }
0x6f: {  	[sflag:s1] =	ssyncset.done $0x0  }
0x70: {  	s8 =	rddreg [dreg:$0x17];
	[sflag:s1] =	ssyncadd.s32 $0xFFFFF000  }
0x71: {  	[spmem:s8] =	stream.linear.scatter [tilespmem:s30], [sflag:$0x3], $0x1000, $0x38;
	[tilespmem:$0x1E900] =	vst v63  }
0x72: {  	_ =	swait.ge [sflag:s1], $0x1000  }
0x73: {  	[sflag:s1] =	ssyncset.done $0x0  }
0x74: {  	s0 =	rddreg [dreg:$0x18];
	[sflag:s1] =	ssyncadd.s32 $0xFFFFF000  }
0x75: {  	[spmem:s0] =	stream.linear.scatter [tilespmem:s30], [sflag:$0x3], $0x1000, $0x38;
	[tilespmem:$0x1E900] =	vst v63  }
0x76: {  	_ =	swait.ge [sflag:s1], $0x1000  }
0x77: {  	[sflag:s1] =	ssyncset.done $0x0  }
0x78: {  	s8 =	rddreg [dreg:$0x19];
	[sflag:s1] =	ssyncadd.s32 $0xFFFFF000  }
0x79: {  	[spmem:s8] =	stream.linear.scatter [tilespmem:s30], [sflag:$0x3], $0x1000, $0x38;
	[tilespmem:$0x1E900] =	vst v63  }
0x7a: {  	_ =	swait.ge [sflag:s1], $0x1000  }
0x7b: {  	[sflag:s1] =	ssyncset.done $0x0  }
0x7c: {  	s0 =	rddreg [dreg:$0x1a];
	[sflag:s1] =	ssyncadd.s32 $0xFFFFF000  }
0x7d: {  	[spmem:s0] =	stream.linear.scatter [tilespmem:s30], [sflag:$0x3], $0x1000, $0x38;
	[tilespmem:$0x1E900] =	vst v63  }
0x7e: {  	_ =	swait.ge [sflag:s1], $0x1000  }
0x7f: {  	[sflag:s1] =	ssyncset.done $0x0  }
0x80: {  	s8 =	rddreg [dreg:$0x4];
	[sflag:s1] =	ssyncadd.s32 $0xFFFFF000  }
0x81: {  	[spmem:s8] =	stream.linear.scatter [tilespmem:s30], [sflag:$0x3], $0x100, $0x38;
	[tilespmem:$0x1E900] =	vst v63  }
0x82: {  	_ =	swait.ge [sflag:s1], $0x100  }
0x83: {  	[sflag:s1] =	ssyncset.done $0x0  }
0x84: {  	[sflag:s1] =	ssyncadd.s32 $0xFFFFFF00  }
0x85: {  	[bflag:$0x0] =	sbarrier.arrive $0xFFFF  }
0x86: {  	p0 =	por $0x1, $0x1;
	s8 =	rddreg [dreg:$0x1b]  }
0x87: {  	s0 =	simm.s32 $0x1500;
	s30 =	simm.s32 $0x0;
	s31 =	rddreg [dreg:$0x1c]  }
.LBB2_4:
0x88: {  	s6 =	sadd.s32 s30, s31  }
0x89: {  	s6 =	sshrl.u32 s6, $0x3  }
0x8a: {  	s6 =	sadd.s32 s8, s6  }
0x8b: {  	[tilespmem:s5], [sflag:$0x3] =	stream.linear.gather [hbm4b:s6+s5], $0x2800, $0x38;
	[tilespmem:$0x1E900] =	vst v63  }
0x8c: {  	_ =	swait.ge [sflag:s1], $0x2800  }
0x8d: {  	[sflag:s1] =	ssyncset.done $0x0  }
0x8e: {  	s30 =	simm.s32 $0x2800;
	[sflag:s1] =	ssyncadd.s32 $0xFFFFD800  }
0x8f: {  	[tilespmem:s30], [sflag:$0x1] =	stream.indirect.gather [hbm4b:s4+s7], $0x40, s5, s7, $0xb8;
	[tilespmem:$0x1E900] =	vst v63  }
0x90: {  	s6 =	simm.s32 $0x200  }
0x91: {  	[tilespmem:s10], [sflag:$0x2] =	stream.indirect.gather [hbm4b:s4+s7], $0x40, s6, s7, $0xb8;
	[tilespmem:$0x1E900] =	vst v63  }
0x92: {  	_ =	swait.ge [sflag:s11], $0x4000  }
0x93: {  	[sflag:s11] =	ssyncset.done $0x0  }
0x94: {  	[sflag:s11] =	ssyncadd.s32 $0xFFFFC000  }
0x95: {  	[spmem:s2] =	stream.indirect.scatter.add.f32 [tilespmem:s30], [sflag:$0x3], $0x40, s7, s7, $0xb8;
	[tilespmem:$0x1E900] =	vst v63  }
0x96: {  	_ =	swait.ge [sflag:s1], $0x4000  }
0x97: {  	[sflag:s1] =	ssyncset.done $0x0  }
0x98: {  	[sflag:s1] =	ssyncadd.s32 $0xFFFFC000  }
0x99: {  	_ =	swait.ge [sflag:s12], $0x4000  }
0x9a: {  	[sflag:s12] =	ssyncset.done $0x0  }
0x9b: {  	s6 =	simm.s32 $0x300;
	[sflag:s12] =	ssyncadd.s32 $0xFFFFC000  }
0x9c: {  	[spmem:s2] =	stream.indirect.scatter.add.f32 [tilespmem:s10], [sflag:$0x3], $0x40, s6, s7, $0xb8;
	[tilespmem:$0x1E900] =	vst v63  }
0x9d: {  	_ =	swait.ge [sflag:s1], $0x4000  }
0x9e: {  	[sflag:s1] =	ssyncset.done $0x0  }
0x9f: {  	s6 =	simm.s32 $0x400;
	[sflag:s1] =	ssyncadd.s32 $0xFFFFC000  }
0xa0: {  	[tilespmem:s30], [sflag:$0x1] =	stream.indirect.gather [hbm4b:s4+s7], $0x40, s6, s7, $0xb8;
	[tilespmem:$0x1E900] =	vst v63  }
0xa1: {  	s6 =	simm.s32 $0x600  }
0xa2: {  	[tilespmem:s10], [sflag:$0x2] =	stream.indirect.gather [hbm4b:s4+s7], $0x40, s6, s7, $0xb8;
	[tilespmem:$0x1E900] =	vst v63  }
0xa3: {  	_ =	swait.ge [sflag:s11], $0x4000  }
0xa4: {  	[sflag:s11] =	ssyncset.done $0x0  }
0xa5: {  	s6 =	simm.s32 $0x500;
	[sflag:s11] =	ssyncadd.s32 $0xFFFFC000  }
0xa6: {  	[spmem:s2] =	stream.indirect.scatter.add.f32 [tilespmem:s30], [sflag:$0x3], $0x40, s6, s7, $0xb8;
	[tilespmem:$0x1E900] =	vst v63  }
0xa7: {  	_ =	swait.ge [sflag:s1], $0x4000  }
0xa8: {  	[sflag:s1] =	ssyncset.done $0x0  }
0xa9: {  	[sflag:s1] =	ssyncadd.s32 $0xFFFFC000  }
0xaa: {  	_ =	swait.ge [sflag:s12], $0x4000  }
0xab: {  	[sflag:s12] =	ssyncset.done $0x0  }
0xac: {  	s6 =	simm.s32 $0x700;
	[sflag:s12] =	ssyncadd.s32 $0xFFFFC000  }
0xad: {  	[spmem:s2] =	stream.indirect.scatter.add.f32 [tilespmem:s10], [sflag:$0x3], $0x40, s6, s7, $0xb8;
	[tilespmem:$0x1E900] =	vst v63  }
0xae: {  	_ =	swait.ge [sflag:s1], $0x4000  }
0xaf: {  	[sflag:s1] =	ssyncset.done $0x0  }
0xb0: {  	s6 =	simm.s32 $0x800;
	[sflag:s1] =	ssyncadd.s32 $0xFFFFC000  }
0xb1: {  	[tilespmem:s30], [sflag:$0x1] =	stream.indirect.gather [hbm4b:s4+s7], $0x40, s6, s7, $0xb8;
	[tilespmem:$0x1E900] =	vst v63  }
0xb2: {  	s6 =	simm.s32 $0xA00  }
0xb3: {  	[tilespmem:s10], [sflag:$0x2] =	stream.indirect.gather [hbm4b:s4+s7], $0x40, s6, s7, $0xb8;
	[tilespmem:$0x1E900] =	vst v63  }
0xb4: {  	_ =	swait.ge [sflag:s11], $0x4000  }
0xb5: {  	[sflag:s11] =	ssyncset.done $0x0  }
0xb6: {  	s6 =	simm.s32 $0x900;
	[sflag:s11] =	ssyncadd.s32 $0xFFFFC000  }
0xb7: {  	[spmem:s2] =	stream.indirect.scatter.add.f32 [tilespmem:s30], [sflag:$0x3], $0x40, s6, s7, $0xb8;
	[tilespmem:$0x1E900] =	vst v63  }
0xb8: {  	_ =	swait.ge [sflag:s1], $0x4000  }
0xb9: {  	[sflag:s1] =	ssyncset.done $0x0  }
0xba: {  	[sflag:s1] =	ssyncadd.s32 $0xFFFFC000  }
0xbb: {  	_ =	swait.ge [sflag:s12], $0x4000  }
0xbc: {  	[sflag:s12] =	ssyncset.done $0x0  }
0xbd: {  	s6 =	simm.s32 $0xB00;
	[sflag:s12] =	ssyncadd.s32 $0xFFFFC000  }
0xbe: {  	[spmem:s2] =	stream.indirect.scatter.add.f32 [tilespmem:s10], [sflag:$0x3], $0x40, s6, s7, $0xb8;
	[tilespmem:$0x1E900] =	vst v63  }
0xbf: {  	_ =	swait.ge [sflag:s1], $0x4000  }
0xc0: {  	[sflag:s1] =	ssyncset.done $0x0  }
0xc1: {  	s6 =	simm.s32 $0xC00;
	[sflag:s1] =	ssyncadd.s32 $0xFFFFC000  }
0xc2: {  	[tilespmem:s30], [sflag:$0x1] =	stream.indirect.gather [hbm4b:s4+s7], $0x40, s6, s7, $0xb8;
	[tilespmem:$0x1E900] =	vst v63  }
0xc3: {  	s6 =	simm.s32 $0xE00  }
0xc4: {  	[tilespmem:s10], [sflag:$0x2] =	stream.indirect.gather [hbm4b:s4+s7], $0x40, s6, s7, $0xb8;
	[tilespmem:$0x1E900] =	vst v63  }
0xc5: {  	_ =	swait.ge [sflag:s11], $0x4000  }
0xc6: {  	[sflag:s11] =	ssyncset.done $0x0  }
0xc7: {  	s6 =	simm.s32 $0xD00;
	[sflag:s11] =	ssyncadd.s32 $0xFFFFC000  }
0xc8: {  	[spmem:s2] =	stream.indirect.scatter.add.f32 [tilespmem:s30], [sflag:$0x3], $0x40, s6, s7, $0xb8;
	[tilespmem:$0x1E900] =	vst v63  }
0xc9: {  	_ =	swait.ge [sflag:s1], $0x4000  }
0xca: {  	[sflag:s1] =	ssyncset.done $0x0  }
0xcb: {  	[sflag:s1] =	ssyncadd.s32 $0xFFFFC000  }
0xcc: {  	_ =	swait.ge [sflag:s12], $0x4000  }
0xcd: {  	[sflag:s12] =	ssyncset.done $0x0  }
0xce: {  	s6 =	simm.s32 $0xF00;
	[sflag:s12] =	ssyncadd.s32 $0xFFFFC000  }
0xcf: {  	[spmem:s2] =	stream.indirect.scatter.add.f32 [tilespmem:s10], [sflag:$0x3], $0x40, s6, s7, $0xb8;
	[tilespmem:$0x1E900] =	vst v63  }
0xd0: {  	_ =	swait.ge [sflag:s1], $0x4000  }
0xd1: {  	[sflag:s1] =	ssyncset.done $0x0  }
0xd2: {  	s6 =	simm.s32 $0x1000;
	[sflag:s1] =	ssyncadd.s32 $0xFFFFC000  }
0xd3: {  	[tilespmem:s30], [sflag:$0x1] =	stream.indirect.gather [hbm4b:s4+s7], $0x40, s6, s7, $0xb8;
	[tilespmem:$0x1E900] =	vst v63  }
0xd4: {  	s6 =	simm.s32 $0x1200  }
0xd5: {  	[tilespmem:s10], [sflag:$0x2] =	stream.indirect.gather [hbm4b:s4+s7], $0x40, s6, s7, $0xb8;
	[tilespmem:$0x1E900] =	vst v63  }
0xd6: {  	_ =	swait.ge [sflag:s11], $0x4000  }
0xd7: {  	[sflag:s11] =	ssyncset.done $0x0  }
0xd8: {  	s6 =	simm.s32 $0x1100;
	[sflag:s11] =	ssyncadd.s32 $0xFFFFC000  }
0xd9: {  	[spmem:s2] =	stream.indirect.scatter.add.f32 [tilespmem:s30], [sflag:$0x3], $0x40, s6, s7, $0xb8;
	[tilespmem:$0x1E900] =	vst v63  }
0xda: {  	_ =	swait.ge [sflag:s1], $0x4000  }
0xdb: {  	[sflag:s1] =	ssyncset.done $0x0  }
0xdc: {  	[sflag:s1] =	ssyncadd.s32 $0xFFFFC000  }
0xdd: {  	_ =	swait.ge [sflag:s12], $0x4000  }
0xde: {  	[sflag:s12] =	ssyncset.done $0x0  }
0xdf: {  	s6 =	simm.s32 $0x1300;
	[sflag:s12] =	ssyncadd.s32 $0xFFFFC000  }
0xe0: {  	[spmem:s2] =	stream.indirect.scatter.add.f32 [tilespmem:s10], [sflag:$0x3], $0x40, s6, s7, $0xb8;
	[tilespmem:$0x1E900] =	vst v63  }
0xe1: {  	_ =	swait.ge [sflag:s1], $0x4000  }
0xe2: {  	[sflag:s1] =	ssyncset.done $0x0  }
0xe3: {  	s6 =	simm.s32 $0x1400;
	[sflag:s1] =	ssyncadd.s32 $0xFFFFC000  }
0xe4: {  	[tilespmem:s30], [sflag:$0x1] =	stream.indirect.gather [hbm4b:s4+s7], $0x40, s6, s7, $0xb8;
	[tilespmem:$0x1E900] =	vst v63  }
0xe5: {  	_ = 	snop  }
0xe6: {  	[tilespmem:s10], [sflag:$0x2] =	stream.indirect.gather [hbm4b:s4+s7], $0x40, s3, s7, $0xb8;
	[tilespmem:$0x1E900] =	vst v63  }
0xe7: {  	_ =	swait.ge [sflag:s11], $0x4000  }
0xe8: {  	[sflag:s11] =	ssyncset.done $0x0  }
0xe9: {  	[sflag:s11] =	ssyncadd.s32 $0xFFFFC000  }
0xea: {  	[spmem:s2] =	stream.indirect.scatter.add.f32 [tilespmem:s30], [sflag:$0x3], $0x40, s0, s7, $0xb8;
	[tilespmem:$0x1E900] =	vst v63  }
0xeb: {  	_ =	swait.ge [sflag:s1], $0x4000  }
0xec: {  	[sflag:s1] =	ssyncset.done $0x0  }
0xed: {  	[sflag:s1] =	ssyncadd.s32 $0xFFFFC000  }
0xee: {  	_ =	swait.ge [sflag:s12], $0x4000  }
0xef: {  	[sflag:s12] =	ssyncset.done $0x0  }
0xf0: {  	[sflag:s12] =	ssyncadd.s32 $0xFFFFC000  }
0xf1: {  	[spmem:s2] =	stream.indirect.scatter.add.f32 [tilespmem:s10], [sflag:$0x3], $0x40, s9, s7, $0xb8;
	[tilespmem:$0x1E900] =	vst v63  }
0xf2: {  	_ =	swait.ge [sflag:s1], $0x4000  }
0xf3: {  	[sflag:s1] =	ssyncset.done $0x0  }
0xf4: {  	[sflag:s1] =	ssyncadd.s32 $0xFFFFC000  }
0xf5: {  	[tilespmem:s30], [sflag:$0x1] =	stream.indirect.gather [hbm4b:s4+s7], $0x40, s13, s7, $0xb8;
	[tilespmem:$0x1E900] =	vst v63  }
0xf6: {  	_ = 	snop  }
0xf7: {  	[tilespmem:s10], [sflag:$0x2] =	stream.indirect.gather [hbm4b:s4+s7], $0x40, s14, s7, $0xb8;
	[tilespmem:$0x1E900] =	vst v63  }
0xf8: {  	_ =	swait.ge [sflag:s11], $0x4000  }
0xf9: {  	[sflag:s11] =	ssyncset.done $0x0  }
0xfa: {  	[sflag:s11] =	ssyncadd.s32 $0xFFFFC000  }
0xfb: {  	[spmem:s2] =	stream.indirect.scatter.add.f32 [tilespmem:s30], [sflag:$0x3], $0x40, s15, s7, $0xb8;
	[tilespmem:$0x1E900] =	vst v63  }
0xfc: {  	_ =	swait.ge [sflag:s1], $0x4000  }
0xfd: {  	[sflag:s1] =	ssyncset.done $0x0  }
0xfe: {  	[sflag:s1] =	ssyncadd.s32 $0xFFFFC000  }
0xff: {  	_ =	swait.ge [sflag:s12], $0x4000  }
0x100: {  	[sflag:s12] =	ssyncset.done $0x0  }
0x101: {  	[sflag:s12] =	ssyncadd.s32 $0xFFFFC000  }
0x102: {  	[spmem:s2] =	stream.indirect.scatter.add.f32 [tilespmem:s10], [sflag:$0x3], $0x40, s16, s7, $0xb8;
	[tilespmem:$0x1E900] =	vst v63  }
0x103: {  	_ =	swait.ge [sflag:s1], $0x4000  }
0x104: {  	[sflag:s1] =	ssyncset.done $0x0  }
0x105: {  	[sflag:s1] =	ssyncadd.s32 $0xFFFFC000  }
0x106: {  	[tilespmem:s30], [sflag:$0x1] =	stream.indirect.gather [hbm4b:s4+s7], $0x40, s17, s7, $0xb8;
	[tilespmem:$0x1E900] =	vst v63  }
0x107: {  	_ = 	snop  }
0x108: {  	[tilespmem:s10], [sflag:$0x2] =	stream.indirect.gather [hbm4b:s4+s7], $0x40, s18, s7, $0xb8;
	[tilespmem:$0x1E900] =	vst v63  }
0x109: {  	_ =	swait.ge [sflag:s11], $0x4000  }
0x10a: {  	[sflag:s11] =	ssyncset.done $0x0  }
0x10b: {  	[sflag:s11] =	ssyncadd.s32 $0xFFFFC000  }
0x10c: {  	[spmem:s2] =	stream.indirect.scatter.add.f32 [tilespmem:s30], [sflag:$0x3], $0x40, s19, s7, $0xb8;
	[tilespmem:$0x1E900] =	vst v63  }
0x10d: {  	_ =	swait.ge [sflag:s1], $0x4000  }
0x10e: {  	[sflag:s1] =	ssyncset.done $0x0  }
0x10f: {  	[sflag:s1] =	ssyncadd.s32 $0xFFFFC000  }
0x110: {  	_ =	swait.ge [sflag:s12], $0x4000  }
0x111: {  	[sflag:s12] =	ssyncset.done $0x0  }
0x112: {  	[sflag:s12] =	ssyncadd.s32 $0xFFFFC000  }
0x113: {  	[spmem:s2] =	stream.indirect.scatter.add.f32 [tilespmem:s10], [sflag:$0x3], $0x40, s20, s7, $0xb8;
	[tilespmem:$0x1E900] =	vst v63  }
0x114: {  	_ =	swait.ge [sflag:s1], $0x4000  }
0x115: {  	[sflag:s1] =	ssyncset.done $0x0  }
0x116: {  	[sflag:s1] =	ssyncadd.s32 $0xFFFFC000  }
0x117: {  	[tilespmem:s30], [sflag:$0x1] =	stream.indirect.gather [hbm4b:s4+s7], $0x40, s21, s7, $0xb8;
	[tilespmem:$0x1E900] =	vst v63  }
0x118: {  	_ = 	snop  }
0x119: {  	[tilespmem:s10], [sflag:$0x2] =	stream.indirect.gather [hbm4b:s4+s7], $0x40, s22, s7, $0xb8;
	[tilespmem:$0x1E900] =	vst v63  }
0x11a: {  	_ =	swait.ge [sflag:s11], $0x4000  }
0x11b: {  	[sflag:s11] =	ssyncset.done $0x0  }
0x11c: {  	[sflag:s11] =	ssyncadd.s32 $0xFFFFC000  }
0x11d: {  	[spmem:s2] =	stream.indirect.scatter.add.f32 [tilespmem:s30], [sflag:$0x3], $0x40, s23, s7, $0xb8;
	[tilespmem:$0x1E900] =	vst v63  }
0x11e: {  	_ =	swait.ge [sflag:s1], $0x4000  }
0x11f: {  	[sflag:s1] =	ssyncset.done $0x0  }
0x120: {  	[sflag:s1] =	ssyncadd.s32 $0xFFFFC000  }
0x121: {  	_ =	swait.ge [sflag:s12], $0x4000  }
0x122: {  	[sflag:s12] =	ssyncset.done $0x0  }
0x123: {  	[sflag:s12] =	ssyncadd.s32 $0xFFFFC000  }
0x124: {  	[spmem:s2] =	stream.indirect.scatter.add.f32 [tilespmem:s10], [sflag:$0x3], $0x40, s24, s7, $0xb8;
	[tilespmem:$0x1E900] =	vst v63  }
0x125: {  	_ =	swait.ge [sflag:s1], $0x4000  }
0x126: {  	[sflag:s1] =	ssyncset.done $0x0  }
0x127: {  	[sflag:s1] =	ssyncadd.s32 $0xFFFFC000  }
0x128: {  	[tilespmem:s30], [sflag:$0x1] =	stream.indirect.gather [hbm4b:s4+s7], $0x40, s25, s7, $0xb8;
	[tilespmem:$0x1E900] =	vst v63  }
0x129: {  	_ = 	snop  }
0x12a: {  	[tilespmem:s10], [sflag:$0x2] =	stream.indirect.gather [hbm4b:s4+s7], $0x40, s26, s7, $0xb8;
	[tilespmem:$0x1E900] =	vst v63  }
0x12b: {  	_ =	swait.ge [sflag:s11], $0x4000  }
0x12c: {  	[sflag:s11] =	ssyncset.done $0x0  }
0x12d: {  	[sflag:s11] =	ssyncadd.s32 $0xFFFFC000  }
0x12e: {  	[spmem:s2] =	stream.indirect.scatter.add.f32 [tilespmem:s30], [sflag:$0x3], $0x40, s28, s7, $0xb8;
	[tilespmem:$0x1E900] =	vst v63  }
0x12f: {  	_ =	swait.ge [sflag:s1], $0x4000  }
0x130: {  	[sflag:s1] =	ssyncset.done $0x0  }
0x131: {  	[sflag:s1] =	ssyncadd.s32 $0xFFFFC000  }
0x132: {  	_ =	swait.ge [sflag:s12], $0x4000  }
0x133: {  	p1 =	por p0, p0;
	[sflag:s12] =	ssyncset.done $0x0  }
.Ltmp1:
0x134: {  	[sflag:s12] =	ssyncadd.s32 $0xFFFFC000;
	(pc) =	sbr.rel @p1 .LBB2_4-.Ltmp1, $4  }
0x135: {  	[spmem:s2] =	stream.indirect.scatter.add.f32 [tilespmem:s10], [sflag:$0x3], $0x40, s29, s7, $0xb8;
	[tilespmem:$0x1E900] =	vst v63  }
0x136: {  	_ =	swait.ge [sflag:s1], $0x4000  }
0x137: {  	[sflag:s1] =	ssyncset.done $0x0  }
0x138: {  	p0 =	por $0x0, $0x0;
	[sflag:s1] =	ssyncadd.s32 $0xFFFFC000  }
0x139: {  	s6 =	stileid.u32;
	[bflag:$0x0] =	sbarrier.arrive $0xFFFF  }
0x13a: {  	s6 =	sshll.u32 s6, $0x6;
	s30 =	rddreg [dreg:$0x5]  }
0x13b: {  	s31 =	rddreg [dreg:$0x15];
	s6 =	sor.u32 $0x1C03, s6  }
0x13c: {  	[hbm:s30], [sflag:s6] =	dma.local [spmem:s31], $0x2820  }
0x13d: {  	_ =	swait.ge [sflag:s1], $0x2820  }
0x13e: {  	s0 =	rddreg [dreg:$0x1d]  }
0x13f: {  	s31 =	rddreg [dreg:$0x6];
	s0 =	sadd.s32 $0x1, s0  }
0x140: {  	p0 =	sne.s32 s0, s31  }
.Ltmp2:
0x141: {  	_ = 	snop;
	(pc) =	sbr.rel @p0 .LBB2_1-.Ltmp2, $3  }
0x142: {  	_ =	sdelay $0x1  }
0x143: {  	[sflag:s1] =	ssyncset.done $0x0  }
0x144: {  	[sflag:s1] =	ssyncadd.s32 $0xFFFFD7E0  }
0x145: {  	_ =	sfence.sel $0x180000  }
0x146: {  	[bflag:$0x0] =	sbarrier.arrive $0xFFFF  }
0x147: {  	_ =	strace $0x90000050  }
0x148: {  	s0 =	stileid.u32;
	[bflag:$0x2] =	sbarrier.arrive $0xFFFF  }
0x149: {  	p0 =	sne.s32 s0, $0x0;
	s0 =	rddreg [dreg:$0x2]  }
0x14a: {  	s0 =	sadd.s32 @!p0 $0x100000, s0  }
0x14b: {  	[sflag:s0] =	ssyncadd.tile.s32 @!p0 $0x1;
	_ =	shalt  }
.Lfunc_end2:
_tile_overlayer_lowered:
.L_overlay_start_2:
0x14c: {  	(tag) =	ssettag $0x2  }
0x14d: {  	s0 =	rddreg [dreg:$0x0];
	s2 =	stileid.u32  }
0x14e: {  	s1 =	rddreg [dreg:$0x1];
	p0 =	sne.s32 s2, $0x0  }
0x14f: {  	s3 =	rddreg [dreg:$0x2];
	[bflag:$0x3] =	sbarrier.arrive $0xFFFF;
	s2 =	simm.s32 @!p0 $0x1C03  }
0x150: {  	[timem:s3], [sflag:s2] =	dma.local @!p0 [hbm:s0], s1  }
0x151: {  	s0 =	simm.s32 @!p0 $0x3  }
0x152: {  	_ =	swait.ge @!p0 [sflag:s0], s1  }
0x153: {  	s1 =	ssub.s32 @!p0 $0x0, s1;
	[sflag:s0] =	ssyncset.done @!p0 $0x0  }
0x154: {  	[sflag:s0] =	ssyncadd.s32 @!p0 s1  }
0x155: {  	[bflag:$0x3] =	sbarrier.arrive $0xFFFF  }
0x156: {  	_ =	shalt  }

// kernel: kernel.9.cloned.1.call-start
scs
__scs_entry_jumppad:
0x0: {  	(pc) =	sbr.rel $0x88, $3  }
0x1: {  	(tag) =	ssettag $0x0;
	lr =	simm.s32 $0x1  }
0x2: {  	[smem:$0x3F93] =	sst lr;
	_ =	strace $0xD0000000  }
0x3: {  	_ = 	snop  }
0x4: {  	_ = 	snop  }
0x5: {  	_ = 	snop  }
0x6: {  	_ = 	snop  }
0x7: {  	_ = 	snop  }
__scs_overlays_trampoline_lowered:
0x8: {  	[smem:$0x3FA2] =	sst s0  }
0x9: {  	[smem:$0x3FA3] =	sst s1  }
0xa: {  	[smem:$0x3FA4] =	sst s2  }
0xb: {  	[smem:$0x3FA5] =	sst s3  }
0xc: {  	[smem:$0x3FA6] =	sst s4  }
0xd: {  	[smem:$0x3FA7] =	sst s5  }
0xe: {  	[smem:$0x3FA8] =	sst s6  }
0xf: {  	[smem:$0x3FA9] =	sst s7  }
0x10: {  	[smem:$0x3FAA] =	sst s8  }
0x11: {  	[smem:$0x3FAB] =	sst s9;
	s0 =	simm.s32 @!p0 $0x0  }
0x12: {  	s1 =	sld [smem:$0x3F91];
	s0 =	simm.s32 @p0 $0x1  }
0x13: {  	[smem:$0x3FAC] =	sst s0;
	s0 =	simm.s32 @!p1 $0x0  }
0x14: {  	s2 =	sld [smem:$0x3F90];
	s0 =	simm.s32 @p1 $0x1  }
0x15: {  	[smem:$0x3FAD] =	sst s0;
	s0 =	simm.s32 @!p2 $0x0  }
0x16: {  	s3 =	sld [smem:$0x3FDB];
	s0 =	simm.s32 @p2 $0x1  }
0x17: {  	s4 =	simm.s32 $0x1BF5;
	[smem:$0x3FAF] =	sst s0  }
0x18: {  	s0 =	sld [smem:$0x3F92];
	_ =	swait.ge [sflag:s4], $0x0  }
0x19: {  	s7 =	sld [smem:$0x3F93]  }
0x1a: {  	s8 =	sadd.s32 $0xFFFFE003, lr  }
0x1b: {  	s9 =	sadd.s32 $0xFFFFFEF7, lr;
	s5 =	simm.s32 $0xFFFFFFFF;
	p2 =	slt.u32 s8, $0xFFFFF086  }
0x1c: {  	p1 =	slt.u32 s9, $0xF7A;
	s5 =	simm.s32 @!p2 $0x0  }
0x1d: {  	s5 =	simm.s32 @p1 $0x1;
	p0 =	seq.s32 s7, s2  }
0x1e: {  	s7 =	smul.u32 @!p0 $0xF7A, s2;
	p2 =	seq.s32 @!p0 s5, $0x0  }
0x1f: {  	s9 =	smul.u32 $0xF7A, s1;
	s8 =	simm.s32 @!p0 $0x1BF5;
	p2 =	por !p2, p0  }
0x20: {  	[sflag:s8] =	ssyncset.s32 @!p0 $0xFFFFF086;
	s6 =	sadd.s32 @!p0 s3, s7;
	s7 =	simm.s32 @!p0 $0x108  }
0x21: {  	s3 =	sadd.s32 s3, s9;
	s6 =	sadd.s32 @!p0 $0x88, s6;
	s7 =	simm.s32 @p2 $0x1082  }
0x22: {  	[simem:s7], [sflag:s8] =	dma.local @!p0 [hbm:s6], $0xF7A  }
0x23: {  	s9 =	sor.u32 $0xD0000000, s2;
	s6 =	simm.s32 $0x108;
	_ =	swait.ge @!p0 [sflag:s8], $0x0  }
0x24: {  	s3 =	sadd.s32 $0x88, s3;
	s6 =	simm.s32 @!p1 $0x1082;
	[sflag:s4] =	ssyncset.s32 $0xFFFFF086  }
0x25: {  	[simem:s6], [sflag:s4] =	dma.local [hbm:s3], $0xF7A  }
0x26: {  	[smem:$0x3F93] =	sst s1;
	(tag) =	ssettag s2;
	_ =	strace s9  }
0x27: {  	s1 =	sld [smem:$0x3FA3]  }
0x28: {  	s2 =	sld [smem:$0x3FA4]  }
0x29: {  	s4 =	sld [smem:$0x3FA6]  }
0x2a: {  	p0 =	seq.s32 s5, $0x0;
	s5 =	sld [smem:$0x3FA7]  }
0x2b: {  	s6 =	sld [smem:$0x3FA8]  }
0x2c: {  	s7 =	sld [smem:$0x3FA9]  }
0x2d: {  	s3 =	simm.s32 $0x108;
	s8 =	sld [smem:$0x3FAA]  }
0x2e: {  	s3 =	simm.s32 @!p0 $0x1082;
	s9 =	sld [smem:$0x3FAB]  }
0x2f: {  	lr =	sadd.s32 s0, s3;
	s0 =	sld [smem:$0x3FA2]  }
0x30: {  	s3 =	sld [smem:$0x3FA5]  }
0x31: {  	[smem:$0x3FAE] =	sst s10  }
0x32: {  	s10 =	sld [smem:$0x3FAC];
	_ =	sdelay $0x3  }
0x33: {  	p0 =	seq.s32 s10, $0x1;
	s10 =	sld [smem:$0x3FAE];
	_ =	sdelay $0x3  }
0x34: {  	[smem:$0x3FAE] =	sst s10  }
0x35: {  	s10 =	sld [smem:$0x3FAD];
	_ =	sdelay $0x3  }
0x36: {  	p1 =	seq.s32 s10, $0x1;
	s10 =	sld [smem:$0x3FAE];
	_ =	sdelay $0x3  }
0x37: {  	[smem:$0x3FAE] =	sst s10  }
0x38: {  	s10 =	sld [smem:$0x3FAF]  }
0x39: {  	_ = 	snop;
	(pc) =	sbr.ind lr, $3  }
0x3a: {  	_ = 	snop  }
0x3b: {  	_ = 	snop  }
0x3c: {  	p2 =	seq.s32 s10, $0x1;
	s10 =	sld [smem:$0x3FAE]  }
0x3d: {  	_ =	shalt  }
0x3e: {  	_ =	shalt  }
0x3f: {  	_ =	shalt  }
0x40: {  	_ =	shalt  }
0x41: {  	_ =	shalt  }
0x42: {  	_ =	shalt  }
0x43: {  	_ =	shalt  }
0x44: {  	_ =	shalt  }
0x45: {  	_ =	shalt  }
0x46: {  	_ =	shalt  }
0x47: {  	_ =	shalt  }
0x48: {  	_ =	shalt  }
0x49: {  	_ =	shalt  }
0x4a: {  	_ =	shalt  }
0x4b: {  	_ =	shalt  }
0x4c: {  	_ =	shalt  }
0x4d: {  	_ =	shalt  }
0x4e: {  	_ =	shalt  }
0x4f: {  	_ =	shalt  }
0x50: {  	_ =	shalt  }
0x51: {  	_ =	shalt  }
0x52: {  	_ =	shalt  }
0x53: {  	_ =	shalt  }
0x54: {  	_ =	shalt  }
0x55: {  	_ =	shalt  }
0x56: {  	_ =	shalt  }
0x57: {  	_ =	shalt  }
0x58: {  	_ =	shalt  }
0x59: {  	_ =	shalt  }
0x5a: {  	_ =	shalt  }
0x5b: {  	_ =	shalt  }
0x5c: {  	_ =	shalt  }
0x5d: {  	_ =	shalt  }
0x5e: {  	_ =	shalt  }
0x5f: {  	_ =	shalt  }
0x60: {  	_ =	shalt  }
0x61: {  	_ =	shalt  }
0x62: {  	_ =	shalt  }
0x63: {  	_ =	shalt  }
0x64: {  	_ =	shalt  }
0x65: {  	_ =	shalt  }
0x66: {  	_ =	shalt  }
0x67: {  	_ =	shalt  }
0x68: {  	_ =	shalt  }
0x69: {  	_ =	shalt  }
0x6a: {  	_ =	shalt  }
0x6b: {  	_ =	shalt  }
0x6c: {  	_ =	shalt  }
0x6d: {  	_ =	shalt  }
0x6e: {  	_ =	shalt  }
0x6f: {  	_ =	shalt  }
0x70: {  	_ =	shalt  }
0x71: {  	_ =	shalt  }
0x72: {  	_ =	shalt  }
0x73: {  	_ =	shalt  }
0x74: {  	_ =	shalt  }
0x75: {  	_ =	shalt  }
0x76: {  	_ =	shalt  }
0x77: {  	_ =	shalt  }
0x78: {  	_ =	shalt  }
0x79: {  	_ =	shalt  }
0x7a: {  	_ =	shalt  }
0x7b: {  	_ =	shalt  }
0x7c: {  	_ =	shalt  }
0x7d: {  	_ =	shalt  }
0x7e: {  	_ =	shalt  }
0x7f: {  	_ =	shalt  }
0x80: {  	_ =	shalt  }
0x81: {  	_ =	shalt  }
0x82: {  	_ =	shalt  }
0x83: {  	_ =	shalt  }
0x84: {  	_ =	shalt  }
0x85: {  	_ =	shalt  }
0x86: {  	_ =	shalt  }
0x87: {  	_ =	shalt  }
.Lfunc_end0:
.L_simem_size_0:
called_computation_lowered:
.L_overlay_start_0:
0x88: {  	s2 =	sld [smem:$0x3FD9]  }
0x89: {  	s3 =	sld [smem:$0x3FFE];
	_ =	sdelay $0x1  }
0x8a: {  	s1 =	srdreg.scid  }
0x8b: {  	s0 =	sand.u32 $0x1, s1  }
0x8c: {  	s17 =	sshll.u32 s0, $0xA;
	s2 =	sadd.s32 s3, s2  }
0x8d: {  	s2 =	sadd.s32 s2, s17  }
0x8e: {  	[smem:$0x3FBA] =	sst s2  }
0x8f: {  	_ = 	snop  }
0x90: {  	s2 =	sld [smem:$0x3FC6]  }
0x91: {  	s18 =	sld [smem:$0x3FD0];
	(tm) =	ssettm $0x1  }
0x92: {  	s4 =	sld [smem:$0x3FFB];
	_ =	sdelay $0x3  }
0x93: {  	_ =	strace s4  }
0x94: {  	s4 =	sld [smem:$0x3FFC];
	_ =	sdelay $0x3  }
0x95: {  	_ =	strace s4  }
0x96: {  	s4 =	sld [smem:$0x3FFD];
	_ =	sdelay $0x3  }
0x97: {  	_ =	strace s4  }
0x98: {  	_ =	strace $0x8FFFFFFF  }
0x99: {  	s19 =	sld [smem:$0x3FDB];
	_ =	sdelay $0x1  }
0x9a: {  	s5 =	simm.s32 $_scs_section_size  }
0x9b: {  	s6 =	simm.s32 $_size__tile_overlayer_lowered;
	s7 =	simm.s32 $_tile_overlayer_lowered  }
0x9c: {  	s22 =	simm.s32 $0x1BFF;
	s21 =	sshll.u32 s7, $0x1;
	s4 =	sadd.s32 s5, s19  }
0x9d: {  	s8 =	simm.s32 $0x0;
	s20 =	sshll.u32 s6, $0x1;
	s6 =	sadd.s32 s21, s4  }
0x9e: {  	[timem:s8], [sflag:s22] =	dma.local [hbm:s6], s20  }
0x9f: {  	_ =	swait.ge [sflag:s22], s20  }
0xa0: {  	s5 =	ssub.s32 $0x0, s20;
	[sflag:s22] =	ssyncset.done $0x0  }
0xa1: {  	[sflag:s22] =	ssyncadd.s32 s5;
	_ =	sdelay $0x1  }
0xa2: {  	s23 =	simm.s32 $0x1B8B  }
0xa3: {  	_ =	swait.ge [sflag:s23], $0x1  }
0xa4: {  	[sflag:s23] =	ssyncset.done $0x0  }
0xa5: {  	s25 =	simm.s32 $0x1B8E;
	s24 =	sld [smem:$0x3FFE];
	[sflag:s23] =	ssyncadd.s32 $0xFFFFFFFF  }
0xa6: {  	s26 =	simm.s32 $execute0_lowered;
	[smem:$0x3FD2] =	sst s25  }
0xa7: {  	s6 =	sshll.u32 s26, $0x1;
	_ =	strace $0x80000046;
	[dreg:$0x1] =	wrdreg $0xFFFFFFFF  }
0xa8: {  	s28 =	simm.s32 $_size_execute0_lowered;
	s4 =	sadd.s32 s4, s6;
	[dreg:$0x0] =	wrdreg $0x0  }
0xa9: {  	s6 =	sshll.u32 s28, $0x1;
	[dreg:$0x2] =	wrdreg s4  }
0xaa: {  	[dreg:$0x3] =	wrdreg s6  }
0xab: {  	[dreg:$0x4] =	wrdreg $0xC0  }
0xac: {  	_ =	task [dreg:s8], $0x5FFFF  }
0xad: {  	[dreg:$0x1] =	wrdreg $0xFFFFFFFF  }
0xae: {  	[dreg:$0x0] =	wrdreg $0x60  }
0xaf: {  	[dreg:$0x2] =	wrdreg s2  }
0xb0: {  	[dreg:$0x3] =	wrdreg s18  }
0xb1: {  	[dreg:$0x4] =	wrdreg s24  }
0xb2: {  	[dreg:$0x5] =	wrdreg $0xA  }
0xb3: {  	_ =	task.clear_ibuf [dreg:s8], $0x6FFFF;
	_ =	strace $0x90000046  }
0xb4: {  	s29 =	simm.s32 $0xA;
	_ =	strace $0x80000048  }
0xb5: {  	_ =	swait.ge [sflag:s29], $0x1  }
0xb6: {  	[sflag:s29] =	ssyncadd.s32 $0xFFFFFFFF  }
0xb7: {  	_ =	strace $0x90000048  }
0xb8: {  	_ =	sfence  }
0xb9: {  	s30 =	sld [smem:$0x0];
	_ =	sdelay $0x2  }
0xba: {  	s31 =	sshll.u32 s1, $0xD;
	s1 =	sshrl.u32 s1, $0x2  }
0xbb: {  	s3 =	sand.u32 $0x4000, s31;
	s1 =	sadd.s32 s1, s30  }
0xbc: {  	s0 =	sor.u32 s3, s0;
	s1 =	sshll.u32 s1, $0x11  }
0xbd: {  	s0 =	sor.u32 s1, s0  }
0xbe: {  	s0 =	sadd.s32 $0x8F2B, s0  }
0xbf: {  	[sflag:s0] =	ssyncadd.remote.s32 $0x1  }
0xc0: {  	_ =	sfence.sel $0xFFFF  }
0xc1: {  	[dreg:$0x0] =	wrdreg $0xFFFFFFFF;
	(pc) =	sbr.abs _section_cstart, $3  }
0xc2: {  	[dreg:$0x1] =	wrdreg $0xFFFFFFFF  }
0xc3: {  	_ =	task.clear_ibuf [dreg:s8], $0x2FFFF;
	_ =	strace $0x9FFFFFFF  }
0xc4: {  	(tm) =	ssettm $0x7FFFFFFF  }
0xc5: {  	_ =	shalt  }
tec
execute0_lowered:
.L_overlay_start_1:
0x0: {  	(tag) =	ssettag $0x1  }
0x1: {  	s0 =	srdreg.scid  }
0x2: {  	s11 =	sand.u32 $0x1, s0  }
0x3: {  	s0 =	stileid.u32;
	s1 =	smul.u32 $0x2800, s11  }
0x4: {  	s2 =	rddreg [dreg:$0x0];
	s4 =	smul.u32 $0x280, s0  }
0x5: {  	s3 =	rddreg [dreg:$0x1]  }
0x6: {  	s12 =	rddreg [dreg:$0x2];
	s5 =	sadd.s32 s4, s1  }
0x7: {  	s1 =	rddreg [dreg:$0x3];
	s4 =	simm.s32 $0x0;
	s5 =	sshrl.u32 s5, $0x3  }
0x8: {  	[smem:$0x7FF] =	sst s4;
	s7 =	sadd.s32 s5, s12  }
0x9: {  	_ =	strace $0x80000047;
	s5 =	simm.s32 $0x2;
	s6 =	sadd.s32 $0x2800, s7  }
0xa: {  	[tilespmem:s4], [sflag:$0x2] =	stream.linear.gather [hbm4b:s6+s4], $0x280, $0x38;
	[tilespmem:$0xA500] =	vst v63  }
0xb: {  	_ =	swait.ge [sflag:s5], $0x280  }
0xc: {  	[sflag:s5] =	ssyncset.done $0x0  }
0xd: {  	s8 =	simm.s32 $0x280;
	s7 =	sadd.s32 $0x1E00, s7;
	[sflag:s5] =	ssyncadd.s32 $0xFFFFFD80  }
0xe: {  	[tilespmem:s8], [sflag:$0x2] =	stream.linear.gather [hbm4b:s7+s4], $0x280, $0x38;
	[tilespmem:$0xA500] =	vst v63  }
0xf: {  	_ =	swait.ge [sflag:s5], $0x280  }
0x10: {  	s9 =	simm.s32 $0x500;
	s10 =	simm.s32 $0x1;
	[sflag:s5] =	ssyncset.done $0x0  }
0x11: {  	s13 =	smul.u32 $0xA0000, s11;
	s11 =	ssub.s32 $0x2, s11;
	[sflag:s5] =	ssyncadd.s32 $0xFFFFFD80  }
0x12: {  	[tilespmem:s9], [sflag:$0x1] =	stream.indirect.gather [hbm4b:s2+s8], $0x40, s4, s8, $0xb8;
	[tilespmem:$0xA500] =	vst v63  }
0x13: {  	s14 =	smul.u32 $0xA000, s0;
	s29 =	sshrl.u32 s11, $0x1;
	_ =	swait.ge [sflag:s10], $0xA000  }
0x14: {  	s30 =	ssub.s32 s11, s29;
	[sflag:s10] =	ssyncset.done $0x0  }
0x15: {  	s13 =	sadd.s32 s14, s13;
	s31 =	smax.u32 s30, $0x1;
	[sflag:s10] =	ssyncadd.s32 $0xFFFF6000  }
0x16: {  	[tilespmem:s9], [sflag:$0x1] =	stream.indirect.gather.add.f32 [hbm:s3], $0x40, s8, s8, $0xb8;
	[tilespmem:$0xA500] =	vst v63  }
0x17: {  	s13 =	sshrl.u32 s13, $0x3;
	p0 =	sne.s32 s31, $0x1;
	_ =	swait.ge [sflag:s10], $0xA000  }
.Ltmp0:
0x18: {  	s12 =	sadd.s32 s13, s12;
	[sflag:s10] =	ssyncset.done $0x0;
	(pc) =	sbr.rel @!p0 .LBB2_2-.Ltmp0, $4  }
0x19: {  	s11 =	sadd.s32 $0x3200, s12;
	[sflag:s10] =	ssyncadd.s32 $0xFFFF6000  }
0x1a: {  	[hbm4b:s11+s4] =	stream.linear.scatter [tilespmem:s9], [sflag:$0x2], $0xA000, $0x38;
	[tilespmem:$0xA500] =	vst v63  }
0x1b: {  	_ =	swait.ge [sflag:s5], $0xA000  }
0x1c: {  	s12 =	sadd.s32 $0xFFFFFFFF, s31;
	[sflag:s5] =	ssyncset.done $0x0  }
.LBB2_1:
0x1d: {  	p0 =	sne.s32 s12, $0x1;
	s12 =	sadd.s32 $0xFFFFFFFF, s12;
	[sflag:s5] =	ssyncadd.s32 $0xFFFF6000  }
0x1e: {  	[tilespmem:s4], [sflag:$0x2] =	stream.linear.gather [hbm4b:s6+s4], $0x280, $0x38;
	[tilespmem:$0xA500] =	vst v63  }
0x1f: {  	_ =	swait.ge [sflag:s5], $0x280  }
0x20: {  	[sflag:s5] =	ssyncset.done $0x0  }
0x21: {  	[sflag:s5] =	ssyncadd.s32 $0xFFFFFD80  }
0x22: {  	[tilespmem:s8], [sflag:$0x2] =	stream.linear.gather [hbm4b:s7+s4], $0x280, $0x38;
	[tilespmem:$0xA500] =	vst v63  }
0x23: {  	_ =	swait.ge [sflag:s5], $0x280  }
0x24: {  	[sflag:s5] =	ssyncset.done $0x0  }
0x25: {  	[sflag:s5] =	ssyncadd.s32 $0xFFFFFD80  }
0x26: {  	[tilespmem:s9], [sflag:$0x1] =	stream.indirect.gather [hbm4b:s2+s8], $0x40, s4, s8, $0xb8;
	[tilespmem:$0xA500] =	vst v63  }
0x27: {  	_ =	swait.ge [sflag:s10], $0xA000  }
0x28: {  	[sflag:s10] =	ssyncset.done $0x0  }
0x29: {  	[sflag:s10] =	ssyncadd.s32 $0xFFFF6000  }
0x2a: {  	[tilespmem:s9], [sflag:$0x1] =	stream.indirect.gather.add.f32 [hbm:s3], $0x40, s8, s8, $0xb8;
	[tilespmem:$0xA500] =	vst v63  }
0x2b: {  	_ =	swait.ge [sflag:s10], $0xA000  }
.Ltmp1:
0x2c: {  	[sflag:s10] =	ssyncset.done $0x0;
	(pc) =	sbr.rel @p0 .LBB2_1-.Ltmp1, $4  }
0x2d: {  	[sflag:s10] =	ssyncadd.s32 $0xFFFF6000  }
0x2e: {  	[hbm4b:s11+s4] =	stream.linear.scatter [tilespmem:s9], [sflag:$0x2], $0xA000, $0x38;
	[tilespmem:$0xA500] =	vst v63  }
0x2f: {  	_ =	swait.ge [sflag:s5], $0xA000  }
0x30: {  	[sflag:s5] =	ssyncset.done $0x0  }
.LBB2_2:
0x31: {  	[sflag:s5] =	ssyncadd.s32 $0xFFFF6000  }
0x32: {  	_ =	sfence.sel $0x180000  }
0x33: {  	[bflag:$0x0] =	sbarrier.arrive $0xFFFF  }
0x34: {  	p0 =	sne.s32 s0, $0x0;
	_ =	strace $0x90000047  }
0x35: {  	s0 =	sadd.s32 @!p0 $0x100000, s1;
	[bflag:$0x2] =	sbarrier.arrive $0xFFFF  }
0x36: {  	[sflag:s0] =	ssyncadd.tile.s32 @!p0 $0x1;
	_ =	shalt  }
.Lfunc_end2:
_tile_overlayer_lowered:
.L_overlay_start_2:
0x37: {  	(tag) =	ssettag $0x2  }
0x38: {  	s0 =	rddreg [dreg:$0x0];
	s2 =	stileid.u32  }
0x39: {  	s1 =	rddreg [dreg:$0x1];
	p0 =	sne.s32 s2, $0x0  }
0x3a: {  	s3 =	rddreg [dreg:$0x2];
	[bflag:$0x3] =	sbarrier.arrive $0xFFFF;
	s2 =	simm.s32 @!p0 $0x1C02  }
0x3b: {  	[timem:s3], [sflag:s2] =	dma.local @!p0 [hbm:s0], s1  }
0x3c: {  	s0 =	simm.s32 @!p0 $0x2  }
0x3d: {  	_ =	swait.ge @!p0 [sflag:s0], s1  }
0x3e: {  	s1 =	ssub.s32 @!p0 $0x0, s1;
	[sflag:s0] =	ssyncset.done @!p0 $0x0  }
0x3f: {  	[sflag:s0] =	ssyncadd.s32 @!p0 s1  }
0x40: {  	[bflag:$0x3] =	sbarrier.arrive $0xFFFF  }
0x41: {  	_ =	shalt  }

</sc_bundles>
